<compile_context>
chip_gen: v7x
topology: tpu7x:2x2x1
jax: 0.10.2.dev20260603
libtpu: 0.0.44.dev20260713+nightly
codegen_flags: <defaults>
</compile_context>

<pallas_src>
import jax
import jax.numpy as jnp
from jax import lax
from jax.experimental import pallas as pl
from jax.experimental.pallas import tpu as pltpu
from jax.experimental.pallas import tpu_sc as plsc

N = 10000
NP = 10240
E = 320000
EP = 327680
F = 128
H = 16
NC = 2
NS = 16
NW = NC * NS
EB = 128
ROWS = EP // EB
RW = ROWS // NW
NPS = NP // NS


NOP = RW // 8
NBUF = 4


def _sc_body(src_hbm, dst_hbm, table_hbm, fill_hbm, fones_hbm,
             out_hbm, src_idx, dst_idx, buf0, buf1, buf2, buf3, nbuf, acc,
             tbl, gsem0, gsem1, gsem2, gsem3, ssem0, ssem1, ssem2, ssem3):
    c = lax.axis_index("c")
    s = lax.axis_index("s")
    w = c * NS + s
    bufs = (buf0, buf1, buf2, buf3)
    gsems = (gsem0, gsem1, gsem2, gsem3)
    ssems = (ssem0, ssem1, ssem2, ssem3)

    pltpu.sync_copy(fill_hbm.at[pl.ds(0, NPS)], nbuf)
    pltpu.sync_copy(nbuf, acc.at[pl.ds(s * NPS, NPS)])
    pltpu.sync_copy(table_hbm.at[pl.ds(s * NPS, NPS)],
                    tbl.at[pl.ds(s * NPS, NPS)])
    plsc.subcore_barrier()

    pltpu.sync_copy(dst_hbm.at[pl.ds(w * NOP, NOP)], dst_idx)
    pltpu.sync_copy(src_hbm.at[pl.ds(w * NOP, NOP)], src_idx)

    def wait_one(buf, sem):
        pltpu.make_async_copy(fones_hbm, buf, sem).wait()

    def fire_g(j, p):
        pltpu.async_copy(tbl.at[src_idx.at[j]], bufs[p], gsems[p])

    def fire_s(j, p, sem):
        pltpu.async_copy(bufs[p], acc.at[dst_idx.at[j]], sem, add=True)

    fire_g(0, 0)
    fire_g(1, 1)
    for j in range(NOP):
        p = j % NBUF
        wait_one(bufs[p], gsems[p])
        fire_s(j, p, ssems[p])
        if j + 2 < NOP and j >= 2:
            pn = (j + 2) % NBUF
            wait_one(bufs[pn], ssems[pn])
            fire_g(j + 2, pn)
        elif j + 2 < NOP:
            fire_g(j + 2, (j + 2) % NBUF)
    for j in range(NOP - 4, NOP):
        wait_one(bufs[j % NBUF], ssems[j % NBUF])

    plsc.subcore_barrier()

    pltpu.sync_copy(acc.at[pl.ds(s * NPS, NPS)], nbuf)
    pltpu.sync_copy(nbuf, out_hbm.at[pl.ds((c * NP) + s * NPS, NPS)])




def _hist_body(dst_hbm, fill_hbm, fones_hbm, out_hbm,
               dst_idx, buf0, nbuf, acc, ssem0):
    c = lax.axis_index("c")
    s = lax.axis_index("s")
    w = c * NS + s

    pltpu.sync_copy(fill_hbm.at[pl.ds(0, NPS)], nbuf)
    pltpu.sync_copy(nbuf, acc.at[pl.ds(s * NPS, NPS)])
    plsc.subcore_barrier()

    pltpu.sync_copy(dst_hbm.at[pl.ds(w * NOP, NOP)], dst_idx)
    pltpu.sync_copy(fones_hbm, buf0)
    for j in range(NOP):
        pltpu.async_copy(buf0, acc.at[dst_idx.at[j]], ssem0, add=True)
    for j in range(NOP):
        pltpu.make_async_copy(fones_hbm, buf0, ssem0).wait()

    plsc.subcore_barrier()
    pltpu.sync_copy(acc.at[pl.ds(s * NPS, NPS)], nbuf)
    pltpu.sync_copy(nbuf, out_hbm.at[pl.ds((c * NP) + s * NPS, NPS)])

def _make_msg_pass():
    mesh = plsc.VectorSubcoreMesh(core_axis_name="c", subcore_axis_name="s")
    scratch = [
        pltpu.VMEM((NOP, 8 * EB), jnp.int32),
        pltpu.VMEM((NOP, 8 * EB), jnp.int32),
        pltpu.VMEM((8 * EB, H), jnp.float32),
        pltpu.VMEM((8 * EB, H), jnp.float32),
        pltpu.VMEM((8 * EB, H), jnp.float32),
        pltpu.VMEM((8 * EB, H), jnp.float32),
        pltpu.VMEM((NPS, H), jnp.float32),
        pltpu.VMEM_SHARED((NP, H), jnp.float32),
        pltpu.VMEM_SHARED((NP, H), jnp.float32),
        pltpu.SemaphoreType.DMA,
        pltpu.SemaphoreType.DMA,
        pltpu.SemaphoreType.DMA,
        pltpu.SemaphoreType.DMA,
        pltpu.SemaphoreType.DMA,
        pltpu.SemaphoreType.DMA,
        pltpu.SemaphoreType.DMA,
        pltpu.SemaphoreType.DMA,
    ]
    return pl.kernel(
        _sc_body,
        out_type=jax.ShapeDtypeStruct((NC * NP, H), jnp.float32),
        mesh=mesh,
        scratch_types=scratch,
        compiler_params=pltpu.CompilerParams(use_tc_tiling_on_sc=False),
        name="gcn_scatter",
    )


def _make_hist_pass():
    mesh = plsc.VectorSubcoreMesh(core_axis_name="c", subcore_axis_name="s")
    scratch = [
        pltpu.VMEM((NOP, 8 * EB), jnp.int32),
        pltpu.VMEM((8 * EB, H), jnp.float32),
        pltpu.VMEM((NPS, H), jnp.float32),
        pltpu.VMEM_SHARED((NP, H), jnp.float32),
        pltpu.SemaphoreType.DMA,
    ]
    return pl.kernel(
        _hist_body,
        out_type=jax.ShapeDtypeStruct((NC * NP, H), jnp.float32),
        mesh=mesh,
        scratch_types=scratch,
        compiler_params=pltpu.CompilerParams(use_tc_tiling_on_sc=False),
        name="gcn_degree",
    )


PR = NP // 8


def _tc1a_body(x, w1, h_out):
    h_out[...] = jnp.dot(x[...], w1[...], preferred_element_type=jnp.float32)


def _tc1b_body(h, hist, u_out, dinv_out):
    dinv = lax.rsqrt(hist[0:PR, :] + hist[PR:2 * PR, :] + 1.0)
    u_out[...] = h[...] * dinv
    dinv_out[...] = dinv


def _tc2_body(q, u, dinv, b1, w2, g_out):
    s = q[0:PR, :] + q[PR:2 * PR, :] + u[...]
    l1 = jnp.maximum(dinv[...] * s + b1[...], 0.0)
    g = jnp.dot(l1, w2[...], preferred_element_type=jnp.float32)
    g_out[...] = g * dinv[...]


def _tc3_body(r, g, dinv, b2, o_out):
    o_out[...] = dinv[...] * (r[0:PR, :] + r[PR:2 * PR, :] + g[...]) + b2[...]


def _tc1a(x2, w1bd):
    return pl.pallas_call(
        _tc1a_body,
        out_shape=jax.ShapeDtypeStruct((PR, 128), jnp.float32),
    )(x2, w1bd)


def _tc1b(h, hist2):
    return pl.pallas_call(
        _tc1b_body,
        out_shape=[
            jax.ShapeDtypeStruct((PR, 128), jnp.float32),
            jax.ShapeDtypeStruct((PR, 128), jnp.float32),
        ],
    )(h, hist2)


def _tc2(q2, u, dinv, b1p, w2bd):
    return pl.pallas_call(
        _tc2_body,
        out_shape=jax.ShapeDtypeStruct((PR, 128), jnp.float32),
    )(q2, u, dinv, b1p, w2bd)


def _tc3(r2, g, dinv, b2p):
    return pl.pallas_call(
        _tc3_body,
        out_shape=jax.ShapeDtypeStruct((PR, 128), jnp.float32),
    )(r2, g, dinv, b2p)


_hist_pass = _make_hist_pass()
_msg_pass = _make_msg_pass()


@jax.jit
def kernel(x, edge_index, W1, b1, W2, b2):
    pad = jnp.full((EP - E,), N, jnp.int32)
    src = jnp.concatenate([edge_index[0], pad]).reshape(ROWS // 8, 8 * EB)
    dst = jnp.concatenate([edge_index[1], pad]).reshape(ROWS // 8, 8 * EB)
    fill = jnp.concatenate(
        [jnp.zeros((NPS, H), jnp.float32), jnp.ones((EB, H), jnp.float32)])
    fones = jnp.ones((8 * EB, H), jnp.float32)

    nc = b2.shape[0]
    x2 = jnp.pad(x, ((0, NP - N), (0, 0))).reshape(PR, 8 * F)
    w1bd = jnp.kron(jnp.eye(8, dtype=jnp.float32), W1)
    w2p = jnp.zeros((H, H), jnp.float32).at[:, :nc].set(W2)
    w2bd = jnp.kron(jnp.eye(8, dtype=jnp.float32), w2p)
    b1p = jnp.tile(b1, 8).reshape(1, 128)
    b2p = jnp.tile(jnp.pad(b2, (0, H - nc)), 8).reshape(1, 128)

    hist = _hist_pass(dst, fill, fones)
    h = _tc1a(x2, w1bd)
    u, dinv = _tc1b(h, hist.reshape(2 * PR, 128))
    q = _msg_pass(src, dst, u.reshape(NP, H), fill, fones)
    g = _tc2(q.reshape(2 * PR, 128), u, dinv, b1p, w2bd)
    r = _msg_pass(src, dst, g.reshape(NP, H), fill, fones)
    out = _tc3(r.reshape(2 * PR, 128), g, dinv, b2p)
    return out.reshape(NP, H)[:N, :nc]

# --- scband reference (transcript-rebuilt; emitter-appended) ---
"""Pipeline reference for scband-net-23630910062642 (READ-ONLY COPY).

The authoritative reference and input builder live on the scoring server;
editing this copy changes nothing except your own understanding.
"""

import jax, jax.numpy as jnp
import numpy as np

NUM_NODES = 10000
NUM_EDGES = 320000
NUM_FEATURES = 128
HIDDEN = 16
NUM_CLASSES = 7


def gcn_conv(x, edge_index, W, b):
    n = x.shape[0]
    src = edge_index[0]
    dst = edge_index[1]
    # add self loops (PyG GCNConv default)
    loop = jnp.arange(n, dtype=src.dtype)
    src = jnp.concatenate([src, loop])
    dst = jnp.concatenate([dst, loop])
    # symmetric normalization D^-1/2 (A+I) D^-1/2
    deg = jnp.zeros((n,), dtype=x.dtype).at[dst].add(1.0)
    dinv = jnp.where(deg > 0, deg ** -0.5, 0.0)
    norm = dinv[src] * dinv[dst]
    h = x @ W
    msg = h[src] * norm[:, None]
    out = jnp.zeros((n, W.shape[1]), dtype=x.dtype).at[dst].add(msg)
    return out + b


def setup_inputs(seed: int = 0) -> dict:
    key = jax.random.key(seed)
    k1, k2, k3, k4, k5, k6 = jax.random.split(key, 6)
    x = jax.random.normal(k1, (NUM_NODES, NUM_FEATURES), dtype=jnp.float32)
    edge_index = jax.random.randint(k2, (2, NUM_EDGES), 0, NUM_NODES, dtype=jnp.int32)
    # GCNConv glorot-initialized weights + zero bias
    W1 = jax.random.normal(k3, (NUM_FEATURES, HIDDEN), dtype=jnp.float32) * (2.0 / (NUM_FEATURES + HIDDEN)) ** 0.5
    b1 = jnp.zeros((HIDDEN,), dtype=jnp.float32)
    W2 = jax.random.normal(k4, (HIDDEN, NUM_CLASSES), dtype=jnp.float32) * (2.0 / (HIDDEN + NUM_CLASSES)) ** 0.5
    b2 = jnp.zeros((NUM_CLASSES,), dtype=jnp.float32)
    return {"x": x, "edge_index": edge_index, "W1": W1, "b1": b1, "W2": W2, "b2": b2}


def reference(x, edge_index, W1, b1, W2, b2):
    h = gcn_conv(x, edge_index, W1, b1)
    h = jax.nn.relu(h)
    out = gcn_conv(h, edge_index, W2, b2)
    return out

if __name__ == "__main__":
    import jax
    _d = setup_inputs()
    print(jax.jit(kernel)(*tuple(_d.values())))

</pallas_src>

<mosaic_0001>
#map = affine_map<(d0, d1) -> (0, 0)>
module attributes {stable_mosaic.version = 14 : i64} {
  func.func @gcn_degree(%arg0: i32, %arg1: i32, %arg2: memref<320x1024xi32, #tpu.memory_space<hbm>>, %arg3: memref<768x16xf32, #tpu.memory_space<hbm>>, %arg4: memref<1024x16xf32, #tpu.memory_space<hbm>>, %arg5: memref<20480x16xf32, #tpu.memory_space<hbm>>, %arg6: memref<10x1024xi32, #tpu.memory_space<vmem>>, %arg7: memref<1024x16xf32, #tpu.memory_space<vmem>>, %arg8: memref<640x16xf32, #tpu.memory_space<vmem>>, %arg9: memref<10240x16xf32, #tpu.memory_space<vmem_shared>>, %arg10: memref<!tpu.dma_semaphore, #tpu.memory_space<semaphore_mem>>) attributes {dimension_semantics = [#tpu.dimension_semantics<core_parallel>, #tpu.dimension_semantics<subcore_parallel>], iteration_bounds = array<i64: 2, 16>, scalar_prefetch = 0 : i64, scratch_operands = 5 : i64, tpu.core_type = #tpu.core_type<sc_vector_subcore>, window_params = [{transform_indices = #map}, {transform_indices = #map}, {transform_indices = #map}, {transform_indices = #map}]} {
    %mul3A = arith.constant 16 : i32
    %mul3A_0 = arith.muli %arg0, %mul3A : i32
    %add3A = arith.addi %mul3A_0, %arg1 : i32
    "tpu.region"() ({
      %run_scoped3A = tpu.sem_alloc : memref<!tpu.dma_semaphore, #tpu.memory_space<semaphore_mem>>
      %dma_start3A_82 = arith.constant 0 : i32
      %dma_start3A_83 = arith.constant 0 : i32
      %dma_start3A_84 = tpu.memref_slice %arg3[%dma_start3A_82, %dma_start3A_83] : memref<768x16xf32, #tpu.memory_space<hbm>> -> memref<640x16xf32, #tpu.memory_space<hbm>>
      %dma_start3A_85 = arith.constant 0 : i32
      %dma_start3A_86 = arith.constant 0 : i32
      %dma_start3A_87 = tpu.memref_slice %arg3[%dma_start3A_85, %dma_start3A_86] : memref<768x16xf32, #tpu.memory_space<hbm>> -> memref<640x16xf32, #tpu.memory_space<hbm>>
      tpu.enqueue_dma source(%dma_start3A_87 : memref<640x16xf32, #tpu.memory_space<hbm>>) target(%arg8 : memref<640x16xf32, #tpu.memory_space<vmem>>) target_semaphore(%run_scoped3A : memref<!tpu.dma_semaphore, #tpu.memory_space<semaphore_mem>>)
      %dma_wait3A = arith.constant 0 : i32
      %dma_wait3A_88 = arith.constant 0 : i32
      %dma_wait3A_89 = tpu.memref_slice %arg3[%dma_wait3A, %dma_wait3A_88] : memref<768x16xf32, #tpu.memory_space<hbm>> -> memref<640x16xf32, #tpu.memory_space<hbm>>
      %dma_wait3A_90 = arith.constant 0 : i32
      %dma_wait3A_91 = arith.constant 0 : i32
      %dma_wait3A_92 = tpu.memref_slice %arg3[%dma_wait3A_90, %dma_wait3A_91] : memref<768x16xf32, #tpu.memory_space<hbm>> -> memref<640x16xf32, #tpu.memory_space<hbm>>
      tpu.wait_dma2 semaphore(%run_scoped3A : memref<!tpu.dma_semaphore, #tpu.memory_space<semaphore_mem>>) src(%dma_wait3A_92 : memref<640x16xf32, #tpu.memory_space<hbm>>) dst(%arg8 : memref<640x16xf32, #tpu.memory_space<vmem>>)
      tpu.yield
    }) : () -> ()
    %mul3A_1 = arith.constant 640 : i32
    %mul3A_2 = arith.muli %arg1, %mul3A_1 : i32
    "tpu.region"() ({
      %run_scoped3A = tpu.sem_alloc : memref<!tpu.dma_semaphore, #tpu.memory_space<semaphore_mem>>
      %dma_start3A_82 = arith.constant 0 : i32
      %dma_start3A_83 = tpu.memref_slice %arg9[%mul3A_2, %dma_start3A_82] : memref<10240x16xf32, #tpu.memory_space<vmem_shared>> -> memref<640x16xf32, #tpu.memory_space<vmem_shared>>
      %dma_start3A_84 = arith.constant 0 : i32
      %dma_start3A_85 = tpu.memref_slice %arg9[%mul3A_2, %dma_start3A_84] : memref<10240x16xf32, #tpu.memory_space<vmem_shared>> -> memref<640x16xf32, #tpu.memory_space<vmem_shared>>
      tpu.enqueue_dma source(%arg8 : memref<640x16xf32, #tpu.memory_space<vmem>>) target(%dma_start3A_85 : memref<640x16xf32, #tpu.memory_space<vmem_shared>>) target_semaphore(%run_scoped3A : memref<!tpu.dma_semaphore, #tpu.memory_space<semaphore_mem>>)
      %dma_wait3A = arith.constant 0 : i32
      %dma_wait3A_86 = tpu.memref_slice %arg9[%mul3A_2, %dma_wait3A] : memref<10240x16xf32, #tpu.memory_space<vmem_shared>> -> memref<640x16xf32, #tpu.memory_space<vmem_shared>>
      %dma_wait3A_87 = arith.constant 0 : i32
      %dma_wait3A_88 = tpu.memref_slice %arg9[%mul3A_2, %dma_wait3A_87] : memref<10240x16xf32, #tpu.memory_space<vmem_shared>> -> memref<640x16xf32, #tpu.memory_space<vmem_shared>>
      tpu.wait_dma2 semaphore(%run_scoped3A : memref<!tpu.dma_semaphore, #tpu.memory_space<semaphore_mem>>) src(%arg8 : memref<640x16xf32, #tpu.memory_space<vmem>>) dst(%dma_wait3A_88 : memref<640x16xf32, #tpu.memory_space<vmem_shared>>)
      tpu.yield
    }) : () -> ()
    %barrier3A = arith.constant 0 : index
    tpu.barrier barrier_id(%barrier3A)
    %mul3A_3 = arith.constant 10 : i32
    %mul3A_4 = arith.muli %add3A, %mul3A_3 : i32
    "tpu.region"() ({
      %run_scoped3A = tpu.sem_alloc : memref<!tpu.dma_semaphore, #tpu.memory_space<semaphore_mem>>
      %dma_start3A_82 = arith.constant 0 : i32
      %dma_start3A_83 = tpu.memref_slice %arg2[%mul3A_4, %dma_start3A_82] : memref<320x1024xi32, #tpu.memory_space<hbm>> -> memref<10x1024xi32, #tpu.memory_space<hbm>>
      %dma_start3A_84 = arith.constant 0 : i32
      %dma_start3A_85 = tpu.memref_slice %arg2[%mul3A_4, %dma_start3A_84] : memref<320x1024xi32, #tpu.memory_space<hbm>> -> memref<10x1024xi32, #tpu.memory_space<hbm>>
      tpu.enqueue_dma source(%dma_start3A_85 : memref<10x1024xi32, #tpu.memory_space<hbm>>) target(%arg6 : memref<10x1024xi32, #tpu.memory_space<vmem>>) target_semaphore(%run_scoped3A : memref<!tpu.dma_semaphore, #tpu.memory_space<semaphore_mem>>)
      %dma_wait3A = arith.constant 0 : i32
      %dma_wait3A_86 = tpu.memref_slice %arg2[%mul3A_4, %dma_wait3A] : memref<320x1024xi32, #tpu.memory_space<hbm>> -> memref<10x1024xi32, #tpu.memory_space<hbm>>
      %dma_wait3A_87 = arith.constant 0 : i32
      %dma_wait3A_88 = tpu.memref_slice %arg2[%mul3A_4, %dma_wait3A_87] : memref<320x1024xi32, #tpu.memory_space<hbm>> -> memref<10x1024xi32, #tpu.memory_space<hbm>>
      tpu.wait_dma2 semaphore(%run_scoped3A : memref<!tpu.dma_semaphore, #tpu.memory_space<semaphore_mem>>) src(%dma_wait3A_88 : memref<10x1024xi32, #tpu.memory_space<hbm>>) dst(%arg6 : memref<10x1024xi32, #tpu.memory_space<vmem>>)
      tpu.yield
    }) : () -> ()
    "tpu.region"() ({
      %run_scoped3A = tpu.sem_alloc : memref<!tpu.dma_semaphore, #tpu.memory_space<semaphore_mem>>
      tpu.enqueue_dma source(%arg4 : memref<1024x16xf32, #tpu.memory_space<hbm>>) target(%arg7 : memref<1024x16xf32, #tpu.memory_space<vmem>>) target_semaphore(%run_scoped3A : memref<!tpu.dma_semaphore, #tpu.memory_space<semaphore_mem>>)
      tpu.wait_dma2 semaphore(%run_scoped3A : memref<!tpu.dma_semaphore, #tpu.memory_space<semaphore_mem>>) src(%arg4 : memref<1024x16xf32, #tpu.memory_space<hbm>>) dst(%arg7 : memref<1024x16xf32, #tpu.memory_space<vmem>>)
      tpu.yield
    }) : () -> ()
    %dma_start3A = arith.constant 0 : i32
    %dma_start3A_5 = arith.constant 0 : i32
    %dma_start3A_6 = tpu.memref_slice %arg6[%dma_start3A, %dma_start3A_5] : memref<10x1024xi32, #tpu.memory_space<vmem>> -> memref<1x1024xi32, #tpu.memory_space<vmem>>
    %dma_start3A_7 = tpu.memref_squeeze %dma_start3A_6 : memref<1x1024xi32, #tpu.memory_space<vmem>> -> memref<1024xi32, #tpu.memory_space<vmem>>
    %dma_start3A_8 = arith.constant 0 : i32
    %dma_start3A_9 = arith.constant 0 : i32
    %dma_start3A_10 = tpu.memref_slice %arg9[%dma_start3A_8, %dma_start3A_9] : memref<10240x16xf32, #tpu.memory_space<vmem_shared>> -> memref<10240x16xf32, #tpu.memory_space<vmem_shared>>
    tpu.enqueue_indirect_dma source(%arg7 : memref<1024x16xf32, #tpu.memory_space<vmem>>) target(%dma_start3A_10 : memref<10240x16xf32, #tpu.memory_space<vmem_shared>>) offsets(%dma_start3A_7 : memref<1024xi32, #tpu.memory_space<vmem>>) semaphore(%arg10 : memref<!tpu.dma_semaphore, #tpu.memory_space<semaphore_mem>>) {add = true}
    %dma_start3A_11 = arith.constant 1 : i32
    %dma_start3A_12 = arith.constant 0 : i32
    %dma_start3A_13 = tpu.memref_slice %arg6[%dma_start3A_11, %dma_start3A_12] : memref<10x1024xi32, #tpu.memory_space<vmem>> -> memref<1x1024xi32, #tpu.memory_space<vmem>>
    %dma_start3A_14 = tpu.memref_squeeze %dma_start3A_13 : memref<1x1024xi32, #tpu.memory_space<vmem>> -> memref<1024xi32, #tpu.memory_space<vmem>>
    %dma_start3A_15 = arith.constant 0 : i32
    %dma_start3A_16 = arith.constant 0 : i32
    %dma_start3A_17 = tpu.memref_slice %arg9[%dma_start3A_15, %dma_start3A_16] : memref<10240x16xf32, #tpu.memory_space<vmem_shared>> -> memref<10240x16xf32, #tpu.memory_space<vmem_shared>>
    tpu.enqueue_indirect_dma source(%arg7 : memref<1024x16xf32, #tpu.memory_space<vmem>>) target(%dma_start3A_17 : memref<10240x16xf32, #tpu.memory_space<vmem_shared>>) offsets(%dma_start3A_14 : memref<1024xi32, #tpu.memory_space<vmem>>) semaphore(%arg10 : memref<!tpu.dma_semaphore, #tpu.memory_space<semaphore_mem>>) {add = true}
    %dma_start3A_18 = arith.constant 2 : i32
    %dma_start3A_19 = arith.constant 0 : i32
    %dma_start3A_20 = tpu.memref_slice %arg6[%dma_start3A_18, %dma_start3A_19] : memref<10x1024xi32, #tpu.memory_space<vmem>> -> memref<1x1024xi32, #tpu.memory_space<vmem>>
    %dma_start3A_21 = tpu.memref_squeeze %dma_start3A_20 : memref<1x1024xi32, #tpu.memory_space<vmem>> -> memref<1024xi32, #tpu.memory_space<vmem>>
    %dma_start3A_22 = arith.constant 0 : i32
    %dma_start3A_23 = arith.constant 0 : i32
    %dma_start3A_24 = tpu.memref_slice %arg9[%dma_start3A_22, %dma_start3A_23] : memref<10240x16xf32, #tpu.memory_space<vmem_shared>> -> memref<10240x16xf32, #tpu.memory_space<vmem_shared>>
    tpu.enqueue_indirect_dma source(%arg7 : memref<1024x16xf32, #tpu.memory_space<vmem>>) target(%dma_start3A_24 : memref<10240x16xf32, #tpu.memory_space<vmem_shared>>) offsets(%dma_start3A_21 : memref<1024xi32, #tpu.memory_space<vmem>>) semaphore(%arg10 : memref<!tpu.dma_semaphore, #tpu.memory_space<semaphore_mem>>) {add = true}
    %dma_start3A_25 = arith.constant 3 : i32
    %dma_start3A_26 = arith.constant 0 : i32
    %dma_start3A_27 = tpu.memref_slice %arg6[%dma_start3A_25, %dma_start3A_26] : memref<10x1024xi32, #tpu.memory_space<vmem>> -> memref<1x1024xi32, #tpu.memory_space<vmem>>
    %dma_start3A_28 = tpu.memref_squeeze %dma_start3A_27 : memref<1x1024xi32, #tpu.memory_space<vmem>> -> memref<1024xi32, #tpu.memory_space<vmem>>
    %dma_start3A_29 = arith.constant 0 : i32
    %dma_start3A_30 = arith.constant 0 : i32
    %dma_start3A_31 = tpu.memref_slice %arg9[%dma_start3A_29, %dma_start3A_30] : memref<10240x16xf32, #tpu.memory_space<vmem_shared>> -> memref<10240x16xf32, #tpu.memory_space<vmem_shared>>
    tpu.enqueue_indirect_dma source(%arg7 : memref<1024x16xf32, #tpu.memory_space<vmem>>) target(%dma_start3A_31 : memref<10240x16xf32, #tpu.memory_space<vmem_shared>>) offsets(%dma_start3A_28 : memref<1024xi32, #tpu.memory_space<vmem>>) semaphore(%arg10 : memref<!tpu.dma_semaphore, #tpu.memory_space<semaphore_mem>>) {add = true}
    %dma_start3A_32 = arith.constant 4 : i32
    %dma_start3A_33 = arith.constant 0 : i32
    %dma_start3A_34 = tpu.memref_slice %arg6[%dma_start3A_32, %dma_start3A_33] : memref<10x1024xi32, #tpu.memory_space<vmem>> -> memref<1x1024xi32, #tpu.memory_space<vmem>>
    %dma_start3A_35 = tpu.memref_squeeze %dma_start3A_34 : memref<1x1024xi32, #tpu.memory_space<vmem>> -> memref<1024xi32, #tpu.memory_space<vmem>>
    %dma_start3A_36 = arith.constant 0 : i32
    %dma_start3A_37 = arith.constant 0 : i32
    %dma_start3A_38 = tpu.memref_slice %arg9[%dma_start3A_36, %dma_start3A_37] : memref<10240x16xf32, #tpu.memory_space<vmem_shared>> -> memref<10240x16xf32, #tpu.memory_space<vmem_shared>>
    tpu.enqueue_indirect_dma source(%arg7 : memref<1024x16xf32, #tpu.memory_space<vmem>>) target(%dma_start3A_38 : memref<10240x16xf32, #tpu.memory_space<vmem_shared>>) offsets(%dma_start3A_35 : memref<1024xi32, #tpu.memory_space<vmem>>) semaphore(%arg10 : memref<!tpu.dma_semaphore, #tpu.memory_space<semaphore_mem>>) {add = true}
    %dma_start3A_39 = arith.constant 5 : i32
    %dma_start3A_40 = arith.constant 0 : i32
    %dma_start3A_41 = tpu.memref_slice %arg6[%dma_start3A_39, %dma_start3A_40] : memref<10x1024xi32, #tpu.memory_space<vmem>> -> memref<1x1024xi32, #tpu.memory_space<vmem>>
    %dma_start3A_42 = tpu.memref_squeeze %dma_start3A_41 : memref<1x1024xi32, #tpu.memory_space<vmem>> -> memref<1024xi32, #tpu.memory_space<vmem>>
    %dma_start3A_43 = arith.constant 0 : i32
    %dma_start3A_44 = arith.constant 0 : i32
    %dma_start3A_45 = tpu.memref_slice %arg9[%dma_start3A_43, %dma_start3A_44] : memref<10240x16xf32, #tpu.memory_space<vmem_shared>> -> memref<10240x16xf32, #tpu.memory_space<vmem_shared>>
    tpu.enqueue_indirect_dma source(%arg7 : memref<1024x16xf32, #tpu.memory_space<vmem>>) target(%dma_start3A_45 : memref<10240x16xf32, #tpu.memory_space<vmem_shared>>) offsets(%dma_start3A_42 : memref<1024xi32, #tpu.memory_space<vmem>>) semaphore(%arg10 : memref<!tpu.dma_semaphore, #tpu.memory_space<semaphore_mem>>) {add = true}
    %dma_start3A_46 = arith.constant 6 : i32
    %dma_start3A_47 = arith.constant 0 : i32
    %dma_start3A_48 = tpu.memref_slice %arg6[%dma_start3A_46, %dma_start3A_47] : memref<10x1024xi32, #tpu.memory_space<vmem>> -> memref<1x1024xi32, #tpu.memory_space<vmem>>
    %dma_start3A_49 = tpu.memref_squeeze %dma_start3A_48 : memref<1x1024xi32, #tpu.memory_space<vmem>> -> memref<1024xi32, #tpu.memory_space<vmem>>
    %dma_start3A_50 = arith.constant 0 : i32
    %dma_start3A_51 = arith.constant 0 : i32
    %dma_start3A_52 = tpu.memref_slice %arg9[%dma_start3A_50, %dma_start3A_51] : memref<10240x16xf32, #tpu.memory_space<vmem_shared>> -> memref<10240x16xf32, #tpu.memory_space<vmem_shared>>
    tpu.enqueue_indirect_dma source(%arg7 : memref<1024x16xf32, #tpu.memory_space<vmem>>) target(%dma_start3A_52 : memref<10240x16xf32, #tpu.memory_space<vmem_shared>>) offsets(%dma_start3A_49 : memref<1024xi32, #tpu.memory_space<vmem>>) semaphore(%arg10 : memref<!tpu.dma_semaphore, #tpu.memory_space<semaphore_mem>>) {add = true}
    %dma_start3A_53 = arith.constant 7 : i32
    %dma_start3A_54 = arith.constant 0 : i32
    %dma_start3A_55 = tpu.memref_slice %arg6[%dma_start3A_53, %dma_start3A_54] : memref<10x1024xi32, #tpu.memory_space<vmem>> -> memref<1x1024xi32, #tpu.memory_space<vmem>>
    %dma_start3A_56 = tpu.memref_squeeze %dma_start3A_55 : memref<1x1024xi32, #tpu.memory_space<vmem>> -> memref<1024xi32, #tpu.memory_space<vmem>>
    %dma_start3A_57 = arith.constant 0 : i32
    %dma_start3A_58 = arith.constant 0 : i32
    %dma_start3A_59 = tpu.memref_slice %arg9[%dma_start3A_57, %dma_start3A_58] : memref<10240x16xf32, #tpu.memory_space<vmem_shared>> -> memref<10240x16xf32, #tpu.memory_space<vmem_shared>>
    tpu.enqueue_indirect_dma source(%arg7 : memref<1024x16xf32, #tpu.memory_space<vmem>>) target(%dma_start3A_59 : memref<10240x16xf32, #tpu.memory_space<vmem_shared>>) offsets(%dma_start3A_56 : memref<1024xi32, #tpu.memory_space<vmem>>) semaphore(%arg10 : memref<!tpu.dma_semaphore, #tpu.memory_space<semaphore_mem>>) {add = true}
    %dma_start3A_60 = arith.constant 8 : i32
    %dma_start3A_61 = arith.constant 0 : i32
    %dma_start3A_62 = tpu.memref_slice %arg6[%dma_start3A_60, %dma_start3A_61] : memref<10x1024xi32, #tpu.memory_space<vmem>> -> memref<1x1024xi32, #tpu.memory_space<vmem>>
    %dma_start3A_63 = tpu.memref_squeeze %dma_start3A_62 : memref<1x1024xi32, #tpu.memory_space<vmem>> -> memref<1024xi32, #tpu.memory_space<vmem>>
    %dma_start3A_64 = arith.constant 0 : i32
    %dma_start3A_65 = arith.constant 0 : i32
    %dma_start3A_66 = tpu.memref_slice %arg9[%dma_start3A_64, %dma_start3A_65] : memref<10240x16xf32, #tpu.memory_space<vmem_shared>> -> memref<10240x16xf32, #tpu.memory_space<vmem_shared>>
    tpu.enqueue_indirect_dma source(%arg7 : memref<1024x16xf32, #tpu.memory_space<vmem>>) target(%dma_start3A_66 : memref<10240x16xf32, #tpu.memory_space<vmem_shared>>) offsets(%dma_start3A_63 : memref<1024xi32, #tpu.memory_space<vmem>>) semaphore(%arg10 : memref<!tpu.dma_semaphore, #tpu.memory_space<semaphore_mem>>) {add = true}
    %dma_start3A_67 = arith.constant 9 : i32
    %dma_start3A_68 = arith.constant 0 : i32
    %dma_start3A_69 = tpu.memref_slice %arg6[%dma_start3A_67, %dma_start3A_68] : memref<10x1024xi32, #tpu.memory_space<vmem>> -> memref<1x1024xi32, #tpu.memory_space<vmem>>
    %dma_start3A_70 = tpu.memref_squeeze %dma_start3A_69 : memref<1x1024xi32, #tpu.memory_space<vmem>> -> memref<1024xi32, #tpu.memory_space<vmem>>
    %dma_start3A_71 = arith.constant 0 : i32
    %dma_start3A_72 = arith.constant 0 : i32
    %dma_start3A_73 = tpu.memref_slice %arg9[%dma_start3A_71, %dma_start3A_72] : memref<10240x16xf32, #tpu.memory_space<vmem_shared>> -> memref<10240x16xf32, #tpu.memory_space<vmem_shared>>
    tpu.enqueue_indirect_dma source(%arg7 : memref<1024x16xf32, #tpu.memory_space<vmem>>) target(%dma_start3A_73 : memref<10240x16xf32, #tpu.memory_space<vmem_shared>>) offsets(%dma_start3A_70 : memref<1024xi32, #tpu.memory_space<vmem>>) semaphore(%arg10 : memref<!tpu.dma_semaphore, #tpu.memory_space<semaphore_mem>>) {add = true}
    tpu.wait_dma2 semaphore(%arg10 : memref<!tpu.dma_semaphore, #tpu.memory_space<semaphore_mem>>) src(%arg4 : memref<1024x16xf32, #tpu.memory_space<hbm>>) dst(%arg7 : memref<1024x16xf32, #tpu.memory_space<vmem>>)
    tpu.wait_dma2 semaphore(%arg10 : memref<!tpu.dma_semaphore, #tpu.memory_space<semaphore_mem>>) src(%arg4 : memref<1024x16xf32, #tpu.memory_space<hbm>>) dst(%arg7 : memref<1024x16xf32, #tpu.memory_space<vmem>>)
    tpu.wait_dma2 semaphore(%arg10 : memref<!tpu.dma_semaphore, #tpu.memory_space<semaphore_mem>>) src(%arg4 : memref<1024x16xf32, #tpu.memory_space<hbm>>) dst(%arg7 : memref<1024x16xf32, #tpu.memory_space<vmem>>)
    tpu.wait_dma2 semaphore(%arg10 : memref<!tpu.dma_semaphore, #tpu.memory_space<semaphore_mem>>) src(%arg4 : memref<1024x16xf32, #tpu.memory_space<hbm>>) dst(%arg7 : memref<1024x16xf32, #tpu.memory_space<vmem>>)
    tpu.wait_dma2 semaphore(%arg10 : memref<!tpu.dma_semaphore, #tpu.memory_space<semaphore_mem>>) src(%arg4 : memref<1024x16xf32, #tpu.memory_space<hbm>>) dst(%arg7 : memref<1024x16xf32, #tpu.memory_space<vmem>>)
    tpu.wait_dma2 semaphore(%arg10 : memref<!tpu.dma_semaphore, #tpu.memory_space<semaphore_mem>>) src(%arg4 : memref<1024x16xf32, #tpu.memory_space<hbm>>) dst(%arg7 : memref<1024x16xf32, #tpu.memory_space<vmem>>)
    tpu.wait_dma2 semaphore(%arg10 : memref<!tpu.dma_semaphore, #tpu.memory_space<semaphore_mem>>) src(%arg4 : memref<1024x16xf32, #tpu.memory_space<hbm>>) dst(%arg7 : memref<1024x16xf32, #tpu.memory_space<vmem>>)
    tpu.wait_dma2 semaphore(%arg10 : memref<!tpu.dma_semaphore, #tpu.memory_space<semaphore_mem>>) src(%arg4 : memref<1024x16xf32, #tpu.memory_space<hbm>>) dst(%arg7 : memref<1024x16xf32, #tpu.memory_space<vmem>>)
    tpu.wait_dma2 semaphore(%arg10 : memref<!tpu.dma_semaphore, #tpu.memory_space<semaphore_mem>>) src(%arg4 : memref<1024x16xf32, #tpu.memory_space<hbm>>) dst(%arg7 : memref<1024x16xf32, #tpu.memory_space<vmem>>)
    tpu.wait_dma2 semaphore(%arg10 : memref<!tpu.dma_semaphore, #tpu.memory_space<semaphore_mem>>) src(%arg4 : memref<1024x16xf32, #tpu.memory_space<hbm>>) dst(%arg7 : memref<1024x16xf32, #tpu.memory_space<vmem>>)
    %barrier3A_74 = arith.constant 0 : index
    tpu.barrier barrier_id(%barrier3A_74)
    %mul3A_75 = arith.constant 640 : i32
    %mul3A_76 = arith.muli %arg1, %mul3A_75 : i32
    "tpu.region"() ({
      %run_scoped3A = tpu.sem_alloc : memref<!tpu.dma_semaphore, #tpu.memory_space<semaphore_mem>>
      %dma_start3A_82 = arith.constant 0 : i32
      %dma_start3A_83 = tpu.memref_slice %arg9[%mul3A_76, %dma_start3A_82] : memref<10240x16xf32, #tpu.memory_space<vmem_shared>> -> memref<640x16xf32, #tpu.memory_space<vmem_shared>>
      %dma_start3A_84 = arith.constant 0 : i32
      %dma_start3A_85 = tpu.memref_slice %arg9[%mul3A_76, %dma_start3A_84] : memref<10240x16xf32, #tpu.memory_space<vmem_shared>> -> memref<640x16xf32, #tpu.memory_space<vmem_shared>>
      tpu.enqueue_dma source(%dma_start3A_85 : memref<640x16xf32, #tpu.memory_space<vmem_shared>>) target(%arg8 : memref<640x16xf32, #tpu.memory_space<vmem>>) target_semaphore(%run_scoped3A : memref<!tpu.dma_semaphore, #tpu.memory_space<semaphore_mem>>)
      %dma_wait3A = arith.constant 0 : i32
      %dma_wait3A_86 = tpu.memref_slice %arg9[%mul3A_76, %dma_wait3A] : memref<10240x16xf32, #tpu.memory_space<vmem_shared>> -> memref<640x16xf32, #tpu.memory_space<vmem_shared>>
      %dma_wait3A_87 = arith.constant 0 : i32
      %dma_wait3A_88 = tpu.memref_slice %arg9[%mul3A_76, %dma_wait3A_87] : memref<10240x16xf32, #tpu.memory_space<vmem_shared>> -> memref<640x16xf32, #tpu.memory_space<vmem_shared>>
      tpu.wait_dma2 semaphore(%run_scoped3A : memref<!tpu.dma_semaphore, #tpu.memory_space<semaphore_mem>>) src(%dma_wait3A_88 : memref<640x16xf32, #tpu.memory_space<vmem_shared>>) dst(%arg8 : memref<640x16xf32, #tpu.memory_space<vmem>>)
      tpu.yield
    }) : () -> ()
    %mul3A_77 = arith.constant 10240 : i32
    %mul3A_78 = arith.muli %arg0, %mul3A_77 : i32
    %mul3A_79 = arith.constant 640 : i32
    %mul3A_80 = arith.muli %arg1, %mul3A_79 : i32
    %add3A_81 = arith.addi %mul3A_78, %mul3A_80 : i32
    "tpu.region"() ({
      %run_scoped3A = tpu.sem_alloc : memref<!tpu.dma_semaphore, #tpu.memory_space<semaphore_mem>>
      %dma_start3A_82 = arith.constant 0 : i32
      %dma_start3A_83 = tpu.memref_slice %arg5[%add3A_81, %dma_start3A_82] : memref<20480x16xf32, #tpu.memory_space<hbm>> -> memref<640x16xf32, #tpu.memory_space<hbm>>
      %dma_start3A_84 = arith.constant 0 : i32
      %dma_start3A_85 = tpu.memref_slice %arg5[%add3A_81, %dma_start3A_84] : memref<20480x16xf32, #tpu.memory_space<hbm>> -> memref<640x16xf32, #tpu.memory_space<hbm>>
      tpu.enqueue_dma source(%arg8 : memref<640x16xf32, #tpu.memory_space<vmem>>) target(%dma_start3A_85 : memref<640x16xf32, #tpu.memory_space<hbm>>) target_semaphore(%run_scoped3A : memref<!tpu.dma_semaphore, #tpu.memory_space<semaphore_mem>>)
      %dma_wait3A = arith.constant 0 : i32
      %dma_wait3A_86 = tpu.memref_slice %arg5[%add3A_81, %dma_wait3A] : memref<20480x16xf32, #tpu.memory_space<hbm>> -> memref<640x16xf32, #tpu.memory_space<hbm>>
      %dma_wait3A_87 = arith.constant 0 : i32
      %dma_wait3A_88 = tpu.memref_slice %arg5[%add3A_81, %dma_wait3A_87] : memref<20480x16xf32, #tpu.memory_space<hbm>> -> memref<640x16xf32, #tpu.memory_space<hbm>>
      tpu.wait_dma2 semaphore(%run_scoped3A : memref<!tpu.dma_semaphore, #tpu.memory_space<semaphore_mem>>) src(%arg8 : memref<640x16xf32, #tpu.memory_space<vmem>>) dst(%dma_wait3A_88 : memref<640x16xf32, #tpu.memory_space<hbm>>)
      tpu.yield
    }) : () -> ()
    return
  }
}

#map = affine_map<(d0, d1) -> (0, 0)>
module attributes {stable_mosaic.version = 14 : i64} {
  func.func @gcn_scatter(%arg0: i32, %arg1: i32, %arg2: memref<320x1024xi32, #tpu.memory_space<hbm>>, %arg3: memref<320x1024xi32, #tpu.memory_space<hbm>>, %arg4: memref<10240x16xf32, #tpu.memory_space<hbm>>, %arg5: memref<768x16xf32, #tpu.memory_space<hbm>>, %arg6: memref<1024x16xf32, #tpu.memory_space<hbm>>, %arg7: memref<20480x16xf32, #tpu.memory_space<hbm>>, %arg8: memref<10x1024xi32, #tpu.memory_space<vmem>>, %arg9: memref<10x1024xi32, #tpu.memory_space<vmem>>, %arg10: memref<1024x16xf32, #tpu.memory_space<vmem>>, %arg11: memref<1024x16xf32, #tpu.memory_space<vmem>>, %arg12: memref<1024x16xf32, #tpu.memory_space<vmem>>, %arg13: memref<1024x16xf32, #tpu.memory_space<vmem>>, %arg14: memref<640x16xf32, #tpu.memory_space<vmem>>, %arg15: memref<10240x16xf32, #tpu.memory_space<vmem_shared>>, %arg16: memref<10240x16xf32, #tpu.memory_space<vmem_shared>>, %arg17: memref<!tpu.dma_semaphore, #tpu.memory_space<semaphore_mem>>, %arg18: memref<!tpu.dma_semaphore, #tpu.memory_space<semaphore_mem>>, %arg19: memref<!tpu.dma_semaphore, #tpu.memory_space<semaphore_mem>>, %arg20: memref<!tpu.dma_semaphore, #tpu.memory_space<semaphore_mem>>, %arg21: memref<!tpu.dma_semaphore, #tpu.memory_space<semaphore_mem>>, %arg22: memref<!tpu.dma_semaphore, #tpu.memory_space<semaphore_mem>>, %arg23: memref<!tpu.dma_semaphore, #tpu.memory_space<semaphore_mem>>, %arg24: memref<!tpu.dma_semaphore, #tpu.memory_space<semaphore_mem>>) attributes {dimension_semantics = [#tpu.dimension_semantics<core_parallel>, #tpu.dimension_semantics<subcore_parallel>], iteration_bounds = array<i64: 2, 16>, scalar_prefetch = 0 : i64, scratch_operands = 17 : i64, tpu.core_type = #tpu.core_type<sc_vector_subcore>, window_params = [{transform_indices = #map}, {transform_indices = #map}, {transform_indices = #map}, {transform_indices = #map}, {transform_indices = #map}, {transform_indices = #map}]} {
    %mul3A = arith.constant 16 : i32
    %mul3A_0 = arith.muli %arg0, %mul3A : i32
    %add3A = arith.addi %mul3A_0, %arg1 : i32
    "tpu.region"() ({
      %run_scoped3A = tpu.sem_alloc : memref<!tpu.dma_semaphore, #tpu.memory_space<semaphore_mem>>
      %dma_start3A_158 = arith.constant 0 : i32
      %dma_start3A_159 = arith.constant 0 : i32
      %dma_start3A_160 = tpu.memref_slice %arg5[%dma_start3A_158, %dma_start3A_159] : memref<768x16xf32, #tpu.memory_space<hbm>> -> memref<640x16xf32, #tpu.memory_space<hbm>>
      %dma_start3A_161 = arith.constant 0 : i32
      %dma_start3A_162 = arith.constant 0 : i32
      %dma_start3A_163 = tpu.memref_slice %arg5[%dma_start3A_161, %dma_start3A_162] : memref<768x16xf32, #tpu.memory_space<hbm>> -> memref<640x16xf32, #tpu.memory_space<hbm>>
      tpu.enqueue_dma source(%dma_start3A_163 : memref<640x16xf32, #tpu.memory_space<hbm>>) target(%arg14 : memref<640x16xf32, #tpu.memory_space<vmem>>) target_semaphore(%run_scoped3A : memref<!tpu.dma_semaphore, #tpu.memory_space<semaphore_mem>>)
      %dma_wait3A = arith.constant 0 : i32
      %dma_wait3A_164 = arith.constant 0 : i32
      %dma_wait3A_165 = tpu.memref_slice %arg5[%dma_wait3A, %dma_wait3A_164] : memref<768x16xf32, #tpu.memory_space<hbm>> -> memref<640x16xf32, #tpu.memory_space<hbm>>
      %dma_wait3A_166 = arith.constant 0 : i32
      %dma_wait3A_167 = arith.constant 0 : i32
      %dma_wait3A_168 = tpu.memref_slice %arg5[%dma_wait3A_166, %dma_wait3A_167] : memref<768x16xf32, #tpu.memory_space<hbm>> -> memref<640x16xf32, #tpu.memory_space<hbm>>
      tpu.wait_dma2 semaphore(%run_scoped3A : memref<!tpu.dma_semaphore, #tpu.memory_space<semaphore_mem>>) src(%dma_wait3A_168 : memref<640x16xf32, #tpu.memory_space<hbm>>) dst(%arg14 : memref<640x16xf32, #tpu.memory_space<vmem>>)
      tpu.yield
    }) : () -> ()
    %mul3A_1 = arith.constant 640 : i32
    %mul3A_2 = arith.muli %arg1, %mul3A_1 : i32
    "tpu.region"() ({
      %run_scoped3A = tpu.sem_alloc : memref<!tpu.dma_semaphore, #tpu.memory_space<semaphore_mem>>
      %dma_start3A_158 = arith.constant 0 : i32
      %dma_start3A_159 = tpu.memref_slice %arg15[%mul3A_2, %dma_start3A_158] : memref<10240x16xf32, #tpu.memory_space<vmem_shared>> -> memref<640x16xf32, #tpu.memory_space<vmem_shared>>
      %dma_start3A_160 = arith.constant 0 : i32
      %dma_start3A_161 = tpu.memref_slice %arg15[%mul3A_2, %dma_start3A_160] : memref<10240x16xf32, #tpu.memory_space<vmem_shared>> -> memref<640x16xf32, #tpu.memory_space<vmem_shared>>
      tpu.enqueue_dma source(%arg14 : memref<640x16xf32, #tpu.memory_space<vmem>>) target(%dma_start3A_161 : memref<640x16xf32, #tpu.memory_space<vmem_shared>>) target_semaphore(%run_scoped3A : memref<!tpu.dma_semaphore, #tpu.memory_space<semaphore_mem>>)
      %dma_wait3A = arith.constant 0 : i32
      %dma_wait3A_162 = tpu.memref_slice %arg15[%mul3A_2, %dma_wait3A] : memref<10240x16xf32, #tpu.memory_space<vmem_shared>> -> memref<640x16xf32, #tpu.memory_space<vmem_shared>>
      %dma_wait3A_163 = arith.constant 0 : i32
      %dma_wait3A_164 = tpu.memref_slice %arg15[%mul3A_2, %dma_wait3A_163] : memref<10240x16xf32, #tpu.memory_space<vmem_shared>> -> memref<640x16xf32, #tpu.memory_space<vmem_shared>>
      tpu.wait_dma2 semaphore(%run_scoped3A : memref<!tpu.dma_semaphore, #tpu.memory_space<semaphore_mem>>) src(%arg14 : memref<640x16xf32, #tpu.memory_space<vmem>>) dst(%dma_wait3A_164 : memref<640x16xf32, #tpu.memory_space<vmem_shared>>)
      tpu.yield
    }) : () -> ()
    %mul3A_3 = arith.constant 640 : i32
    %mul3A_4 = arith.muli %arg1, %mul3A_3 : i32
    %mul3A_5 = arith.constant 640 : i32
    %mul3A_6 = arith.muli %arg1, %mul3A_5 : i32
    "tpu.region"() ({
      %run_scoped3A = tpu.sem_alloc : memref<!tpu.dma_semaphore, #tpu.memory_space<semaphore_mem>>
      %dma_start3A_158 = arith.constant 0 : i32
      %dma_start3A_159 = tpu.memref_slice %arg16[%mul3A_6, %dma_start3A_158] : memref<10240x16xf32, #tpu.memory_space<vmem_shared>> -> memref<640x16xf32, #tpu.memory_space<vmem_shared>>
      %dma_start3A_160 = arith.constant 0 : i32
      %dma_start3A_161 = tpu.memref_slice %arg4[%mul3A_4, %dma_start3A_160] : memref<10240x16xf32, #tpu.memory_space<hbm>> -> memref<640x16xf32, #tpu.memory_space<hbm>>
      tpu.enqueue_dma source(%dma_start3A_161 : memref<640x16xf32, #tpu.memory_space<hbm>>) target(%dma_start3A_159 : memref<640x16xf32, #tpu.memory_space<vmem_shared>>) target_semaphore(%run_scoped3A : memref<!tpu.dma_semaphore, #tpu.memory_space<semaphore_mem>>)
      %dma_wait3A = arith.constant 0 : i32
      %dma_wait3A_162 = tpu.memref_slice %arg16[%mul3A_6, %dma_wait3A] : memref<10240x16xf32, #tpu.memory_space<vmem_shared>> -> memref<640x16xf32, #tpu.memory_space<vmem_shared>>
      %dma_wait3A_163 = arith.constant 0 : i32
      %dma_wait3A_164 = tpu.memref_slice %arg4[%mul3A_4, %dma_wait3A_163] : memref<10240x16xf32, #tpu.memory_space<hbm>> -> memref<640x16xf32, #tpu.memory_space<hbm>>
      tpu.wait_dma2 semaphore(%run_scoped3A : memref<!tpu.dma_semaphore, #tpu.memory_space<semaphore_mem>>) src(%dma_wait3A_164 : memref<640x16xf32, #tpu.memory_space<hbm>>) dst(%dma_wait3A_162 : memref<640x16xf32, #tpu.memory_space<vmem_shared>>)
      tpu.yield
    }) : () -> ()
    %barrier3A = arith.constant 0 : index
    tpu.barrier barrier_id(%barrier3A)
    %mul3A_7 = arith.constant 10 : i32
    %mul3A_8 = arith.muli %add3A, %mul3A_7 : i32
    "tpu.region"() ({
      %run_scoped3A = tpu.sem_alloc : memref<!tpu.dma_semaphore, #tpu.memory_space<semaphore_mem>>
      %dma_start3A_158 = arith.constant 0 : i32
      %dma_start3A_159 = tpu.memref_slice %arg3[%mul3A_8, %dma_start3A_158] : memref<320x1024xi32, #tpu.memory_space<hbm>> -> memref<10x1024xi32, #tpu.memory_space<hbm>>
      %dma_start3A_160 = arith.constant 0 : i32
      %dma_start3A_161 = tpu.memref_slice %arg3[%mul3A_8, %dma_start3A_160] : memref<320x1024xi32, #tpu.memory_space<hbm>> -> memref<10x1024xi32, #tpu.memory_space<hbm>>
      tpu.enqueue_dma source(%dma_start3A_161 : memref<10x1024xi32, #tpu.memory_space<hbm>>) target(%arg9 : memref<10x1024xi32, #tpu.memory_space<vmem>>) target_semaphore(%run_scoped3A : memref<!tpu.dma_semaphore, #tpu.memory_space<semaphore_mem>>)
      %dma_wait3A = arith.constant 0 : i32
      %dma_wait3A_162 = tpu.memref_slice %arg3[%mul3A_8, %dma_wait3A] : memref<320x1024xi32, #tpu.memory_space<hbm>> -> memref<10x1024xi32, #tpu.memory_space<hbm>>
      %dma_wait3A_163 = arith.constant 0 : i32
      %dma_wait3A_164 = tpu.memref_slice %arg3[%mul3A_8, %dma_wait3A_163] : memref<320x1024xi32, #tpu.memory_space<hbm>> -> memref<10x1024xi32, #tpu.memory_space<hbm>>
      tpu.wait_dma2 semaphore(%run_scoped3A : memref<!tpu.dma_semaphore, #tpu.memory_space<semaphore_mem>>) src(%dma_wait3A_164 : memref<10x1024xi32, #tpu.memory_space<hbm>>) dst(%arg9 : memref<10x1024xi32, #tpu.memory_space<vmem>>)
      tpu.yield
    }) : () -> ()
    %mul3A_9 = arith.constant 10 : i32
    %mul3A_10 = arith.muli %add3A, %mul3A_9 : i32
    "tpu.region"() ({
      %run_scoped3A = tpu.sem_alloc : memref<!tpu.dma_semaphore, #tpu.memory_space<semaphore_mem>>
      %dma_start3A_158 = arith.constant 0 : i32
      %dma_start3A_159 = tpu.memref_slice %arg2[%mul3A_10, %dma_start3A_158] : memref<320x1024xi32, #tpu.memory_space<hbm>> -> memref<10x1024xi32, #tpu.memory_space<hbm>>
      %dma_start3A_160 = arith.constant 0 : i32
      %dma_start3A_161 = tpu.memref_slice %arg2[%mul3A_10, %dma_start3A_160] : memref<320x1024xi32, #tpu.memory_space<hbm>> -> memref<10x1024xi32, #tpu.memory_space<hbm>>
      tpu.enqueue_dma source(%dma_start3A_161 : memref<10x1024xi32, #tpu.memory_space<hbm>>) target(%arg8 : memref<10x1024xi32, #tpu.memory_space<vmem>>) target_semaphore(%run_scoped3A : memref<!tpu.dma_semaphore, #tpu.memory_space<semaphore_mem>>)
      %dma_wait3A = arith.constant 0 : i32
      %dma_wait3A_162 = tpu.memref_slice %arg2[%mul3A_10, %dma_wait3A] : memref<320x1024xi32, #tpu.memory_space<hbm>> -> memref<10x1024xi32, #tpu.memory_space<hbm>>
      %dma_wait3A_163 = arith.constant 0 : i32
      %dma_wait3A_164 = tpu.memref_slice %arg2[%mul3A_10, %dma_wait3A_163] : memref<320x1024xi32, #tpu.memory_space<hbm>> -> memref<10x1024xi32, #tpu.memory_space<hbm>>
      tpu.wait_dma2 semaphore(%run_scoped3A : memref<!tpu.dma_semaphore, #tpu.memory_space<semaphore_mem>>) src(%dma_wait3A_164 : memref<10x1024xi32, #tpu.memory_space<hbm>>) dst(%arg8 : memref<10x1024xi32, #tpu.memory_space<vmem>>)
      tpu.yield
    }) : () -> ()
    %dma_start3A = arith.constant 0 : i32
    %dma_start3A_11 = arith.constant 0 : i32
    %dma_start3A_12 = tpu.memref_slice %arg8[%dma_start3A, %dma_start3A_11] : memref<10x1024xi32, #tpu.memory_space<vmem>> -> memref<1x1024xi32, #tpu.memory_space<vmem>>
    %dma_start3A_13 = tpu.memref_squeeze %dma_start3A_12 : memref<1x1024xi32, #tpu.memory_space<vmem>> -> memref<1024xi32, #tpu.memory_space<vmem>>
    %dma_start3A_14 = arith.constant 0 : i32
    %dma_start3A_15 = arith.constant 0 : i32
    %dma_start3A_16 = tpu.memref_slice %arg16[%dma_start3A_14, %dma_start3A_15] : memref<10240x16xf32, #tpu.memory_space<vmem_shared>> -> memref<10240x16xf32, #tpu.memory_space<vmem_shared>>
    tpu.enqueue_indirect_dma source(%dma_start3A_16 : memref<10240x16xf32, #tpu.memory_space<vmem_shared>>) target(%arg10 : memref<1024x16xf32, #tpu.memory_space<vmem>>) offsets(%dma_start3A_13 : memref<1024xi32, #tpu.memory_space<vmem>>) semaphore(%arg17 : memref<!tpu.dma_semaphore, #tpu.memory_space<semaphore_mem>>)
    %dma_start3A_17 = arith.constant 1 : i32
    %dma_start3A_18 = arith.constant 0 : i32
    %dma_start3A_19 = tpu.memref_slice %arg8[%dma_start3A_17, %dma_start3A_18] : memref<10x1024xi32, #tpu.memory_space<vmem>> -> memref<1x1024xi32, #tpu.memory_space<vmem>>
    %dma_start3A_20 = tpu.memref_squeeze %dma_start3A_19 : memref<1x1024xi32, #tpu.memory_space<vmem>> -> memref<1024xi32, #tpu.memory_space<vmem>>
    %dma_start3A_21 = arith.constant 0 : i32
    %dma_start3A_22 = arith.constant 0 : i32
    %dma_start3A_23 = tpu.memref_slice %arg16[%dma_start3A_21, %dma_start3A_22] : memref<10240x16xf32, #tpu.memory_space<vmem_shared>> -> memref<10240x16xf32, #tpu.memory_space<vmem_shared>>
    tpu.enqueue_indirect_dma source(%dma_start3A_23 : memref<10240x16xf32, #tpu.memory_space<vmem_shared>>) target(%arg11 : memref<1024x16xf32, #tpu.memory_space<vmem>>) offsets(%dma_start3A_20 : memref<1024xi32, #tpu.memory_space<vmem>>) semaphore(%arg18 : memref<!tpu.dma_semaphore, #tpu.memory_space<semaphore_mem>>)
    tpu.wait_dma2 semaphore(%arg17 : memref<!tpu.dma_semaphore, #tpu.memory_space<semaphore_mem>>) src(%arg6 : memref<1024x16xf32, #tpu.memory_space<hbm>>) dst(%arg10 : memref<1024x16xf32, #tpu.memory_space<vmem>>)
    %dma_start3A_24 = arith.constant 0 : i32
    %dma_start3A_25 = arith.constant 0 : i32
    %dma_start3A_26 = tpu.memref_slice %arg9[%dma_start3A_24, %dma_start3A_25] : memref<10x1024xi32, #tpu.memory_space<vmem>> -> memref<1x1024xi32, #tpu.memory_space<vmem>>
    %dma_start3A_27 = tpu.memref_squeeze %dma_start3A_26 : memref<1x1024xi32, #tpu.memory_space<vmem>> -> memref<1024xi32, #tpu.memory_space<vmem>>
    %dma_start3A_28 = arith.constant 0 : i32
    %dma_start3A_29 = arith.constant 0 : i32
    %dma_start3A_30 = tpu.memref_slice %arg15[%dma_start3A_28, %dma_start3A_29] : memref<10240x16xf32, #tpu.memory_space<vmem_shared>> -> memref<10240x16xf32, #tpu.memory_space<vmem_shared>>
    tpu.enqueue_indirect_dma source(%arg10 : memref<1024x16xf32, #tpu.memory_space<vmem>>) target(%dma_start3A_30 : memref<10240x16xf32, #tpu.memory_space<vmem_shared>>) offsets(%dma_start3A_27 : memref<1024xi32, #tpu.memory_space<vmem>>) semaphore(%arg21 : memref<!tpu.dma_semaphore, #tpu.memory_space<semaphore_mem>>) {add = true}
    %dma_start3A_31 = arith.constant 2 : i32
    %dma_start3A_32 = arith.constant 0 : i32
    %dma_start3A_33 = tpu.memref_slice %arg8[%dma_start3A_31, %dma_start3A_32] : memref<10x1024xi32, #tpu.memory_space<vmem>> -> memref<1x1024xi32, #tpu.memory_space<vmem>>
    %dma_start3A_34 = tpu.memref_squeeze %dma_start3A_33 : memref<1x1024xi32, #tpu.memory_space<vmem>> -> memref<1024xi32, #tpu.memory_space<vmem>>
    %dma_start3A_35 = arith.constant 0 : i32
    %dma_start3A_36 = arith.constant 0 : i32
    %dma_start3A_37 = tpu.memref_slice %arg16[%dma_start3A_35, %dma_start3A_36] : memref<10240x16xf32, #tpu.memory_space<vmem_shared>> -> memref<10240x16xf32, #tpu.memory_space<vmem_shared>>
    tpu.enqueue_indirect_dma source(%dma_start3A_37 : memref<10240x16xf32, #tpu.memory_space<vmem_shared>>) target(%arg12 : memref<1024x16xf32, #tpu.memory_space<vmem>>) offsets(%dma_start3A_34 : memref<1024xi32, #tpu.memory_space<vmem>>) semaphore(%arg19 : memref<!tpu.dma_semaphore, #tpu.memory_space<semaphore_mem>>)
    tpu.wait_dma2 semaphore(%arg18 : memref<!tpu.dma_semaphore, #tpu.memory_space<semaphore_mem>>) src(%arg6 : memref<1024x16xf32, #tpu.memory_space<hbm>>) dst(%arg11 : memref<1024x16xf32, #tpu.memory_space<vmem>>)
    %dma_start3A_38 = arith.constant 1 : i32
    %dma_start3A_39 = arith.constant 0 : i32
    %dma_start3A_40 = tpu.memref_slice %arg9[%dma_start3A_38, %dma_start3A_39] : memref<10x1024xi32, #tpu.memory_space<vmem>> -> memref<1x1024xi32, #tpu.memory_space<vmem>>
    %dma_start3A_41 = tpu.memref_squeeze %dma_start3A_40 : memref<1x1024xi32, #tpu.memory_space<vmem>> -> memref<1024xi32, #tpu.memory_space<vmem>>
    %dma_start3A_42 = arith.constant 0 : i32
    %dma_start3A_43 = arith.constant 0 : i32
    %dma_start3A_44 = tpu.memref_slice %arg15[%dma_start3A_42, %dma_start3A_43] : memref<10240x16xf32, #tpu.memory_space<vmem_shared>> -> memref<10240x16xf32, #tpu.memory_space<vmem_shared>>
    tpu.enqueue_indirect_dma source(%arg11 : memref<1024x16xf32, #tpu.memory_space<vmem>>) target(%dma_start3A_44 : memref<10240x16xf32, #tpu.memory_space<vmem_shared>>) offsets(%dma_start3A_41 : memref<1024xi32, #tpu.memory_space<vmem>>) semaphore(%arg22 : memref<!tpu.dma_semaphore, #tpu.memory_space<semaphore_mem>>) {add = true}
    %dma_start3A_45 = arith.constant 3 : i32
    %dma_start3A_46 = arith.constant 0 : i32
    %dma_start3A_47 = tpu.memref_slice %arg8[%dma_start3A_45, %dma_start3A_46] : memref<10x1024xi32, #tpu.memory_space<vmem>> -> memref<1x1024xi32, #tpu.memory_space<vmem>>
    %dma_start3A_48 = tpu.memref_squeeze %dma_start3A_47 : memref<1x1024xi32, #tpu.memory_space<vmem>> -> memref<1024xi32, #tpu.memory_space<vmem>>
    %dma_start3A_49 = arith.constant 0 : i32
    %dma_start3A_50 = arith.constant 0 : i32
    %dma_start3A_51 = tpu.memref_slice %arg16[%dma_start3A_49, %dma_start3A_50] : memref<10240x16xf32, #tpu.memory_space<vmem_shared>> -> memref<10240x16xf32, #tpu.memory_space<vmem_shared>>
    tpu.enqueue_indirect_dma source(%dma_start3A_51 : memref<10240x16xf32, #tpu.memory_space<vmem_shared>>) target(%arg13 : memref<1024x16xf32, #tpu.memory_space<vmem>>) offsets(%dma_start3A_48 : memref<1024xi32, #tpu.memory_space<vmem>>) semaphore(%arg20 : memref<!tpu.dma_semaphore, #tpu.memory_space<semaphore_mem>>)
    tpu.wait_dma2 semaphore(%arg19 : memref<!tpu.dma_semaphore, #tpu.memory_space<semaphore_mem>>) src(%arg6 : memref<1024x16xf32, #tpu.memory_space<hbm>>) dst(%arg12 : memref<1024x16xf32, #tpu.memory_space<vmem>>)
    %dma_start3A_52 = arith.constant 2 : i32
    %dma_start3A_53 = arith.constant 0 : i32
    %dma_start3A_54 = tpu.memref_slice %arg9[%dma_start3A_52, %dma_start3A_53] : memref<10x1024xi32, #tpu.memory_space<vmem>> -> memref<1x1024xi32, #tpu.memory_space<vmem>>
    %dma_start3A_55 = tpu.memref_squeeze %dma_start3A_54 : memref<1x1024xi32, #tpu.memory_space<vmem>> -> memref<1024xi32, #tpu.memory_space<vmem>>
    %dma_start3A_56 = arith.constant 0 : i32
    %dma_start3A_57 = arith.constant 0 : i32
    %dma_start3A_58 = tpu.memref_slice %arg15[%dma_start3A_56, %dma_start3A_57] : memref<10240x16xf32, #tpu.memory_space<vmem_shared>> -> memref<10240x16xf32, #tpu.memory_space<vmem_shared>>
    tpu.enqueue_indirect_dma source(%arg12 : memref<1024x16xf32, #tpu.memory_space<vmem>>) target(%dma_start3A_58 : memref<10240x16xf32, #tpu.memory_space<vmem_shared>>) offsets(%dma_start3A_55 : memref<1024xi32, #tpu.memory_space<vmem>>) semaphore(%arg23 : memref<!tpu.dma_semaphore, #tpu.memory_space<semaphore_mem>>) {add = true}
    tpu.wait_dma2 semaphore(%arg21 : memref<!tpu.dma_semaphore, #tpu.memory_space<semaphore_mem>>) src(%arg6 : memref<1024x16xf32, #tpu.memory_space<hbm>>) dst(%arg10 : memref<1024x16xf32, #tpu.memory_space<vmem>>)
    %dma_start3A_59 = arith.constant 4 : i32
    %dma_start3A_60 = arith.constant 0 : i32
    %dma_start3A_61 = tpu.memref_slice %arg8[%dma_start3A_59, %dma_start3A_60] : memref<10x1024xi32, #tpu.memory_space<vmem>> -> memref<1x1024xi32, #tpu.memory_space<vmem>>
    %dma_start3A_62 = tpu.memref_squeeze %dma_start3A_61 : memref<1x1024xi32, #tpu.memory_space<vmem>> -> memref<1024xi32, #tpu.memory_space<vmem>>
    %dma_start3A_63 = arith.constant 0 : i32
    %dma_start3A_64 = arith.constant 0 : i32
    %dma_start3A_65 = tpu.memref_slice %arg16[%dma_start3A_63, %dma_start3A_64] : memref<10240x16xf32, #tpu.memory_space<vmem_shared>> -> memref<10240x16xf32, #tpu.memory_space<vmem_shared>>
    tpu.enqueue_indirect_dma source(%dma_start3A_65 : memref<10240x16xf32, #tpu.memory_space<vmem_shared>>) target(%arg10 : memref<1024x16xf32, #tpu.memory_space<vmem>>) offsets(%dma_start3A_62 : memref<1024xi32, #tpu.memory_space<vmem>>) semaphore(%arg17 : memref<!tpu.dma_semaphore, #tpu.memory_space<semaphore_mem>>)
    tpu.wait_dma2 semaphore(%arg20 : memref<!tpu.dma_semaphore, #tpu.memory_space<semaphore_mem>>) src(%arg6 : memref<1024x16xf32, #tpu.memory_space<hbm>>) dst(%arg13 : memref<1024x16xf32, #tpu.memory_space<vmem>>)
    %dma_start3A_66 = arith.constant 3 : i32
    %dma_start3A_67 = arith.constant 0 : i32
    %dma_start3A_68 = tpu.memref_slice %arg9[%dma_start3A_66, %dma_start3A_67] : memref<10x1024xi32, #tpu.memory_space<vmem>> -> memref<1x1024xi32, #tpu.memory_space<vmem>>
    %dma_start3A_69 = tpu.memref_squeeze %dma_start3A_68 : memref<1x1024xi32, #tpu.memory_space<vmem>> -> memref<1024xi32, #tpu.memory_space<vmem>>
    %dma_start3A_70 = arith.constant 0 : i32
    %dma_start3A_71 = arith.constant 0 : i32
    %dma_start3A_72 = tpu.memref_slice %arg15[%dma_start3A_70, %dma_start3A_71] : memref<10240x16xf32, #tpu.memory_space<vmem_shared>> -> memref<10240x16xf32, #tpu.memory_space<vmem_shared>>
    tpu.enqueue_indirect_dma source(%arg13 : memref<1024x16xf32, #tpu.memory_space<vmem>>) target(%dma_start3A_72 : memref<10240x16xf32, #tpu.memory_space<vmem_shared>>) offsets(%dma_start3A_69 : memref<1024xi32, #tpu.memory_space<vmem>>) semaphore(%arg24 : memref<!tpu.dma_semaphore, #tpu.memory_space<semaphore_mem>>) {add = true}
    tpu.wait_dma2 semaphore(%arg22 : memref<!tpu.dma_semaphore, #tpu.memory_space<semaphore_mem>>) src(%arg6 : memref<1024x16xf32, #tpu.memory_space<hbm>>) dst(%arg11 : memref<1024x16xf32, #tpu.memory_space<vmem>>)
    %dma_start3A_73 = arith.constant 5 : i32
    %dma_start3A_74 = arith.constant 0 : i32
    %dma_start3A_75 = tpu.memref_slice %arg8[%dma_start3A_73, %dma_start3A_74] : memref<10x1024xi32, #tpu.memory_space<vmem>> -> memref<1x1024xi32, #tpu.memory_space<vmem>>
    %dma_start3A_76 = tpu.memref_squeeze %dma_start3A_75 : memref<1x1024xi32, #tpu.memory_space<vmem>> -> memref<1024xi32, #tpu.memory_space<vmem>>
    %dma_start3A_77 = arith.constant 0 : i32
    %dma_start3A_78 = arith.constant 0 : i32
    %dma_start3A_79 = tpu.memref_slice %arg16[%dma_start3A_77, %dma_start3A_78] : memref<10240x16xf32, #tpu.memory_space<vmem_shared>> -> memref<10240x16xf32, #tpu.memory_space<vmem_shared>>
    tpu.enqueue_indirect_dma source(%dma_start3A_79 : memref<10240x16xf32, #tpu.memory_space<vmem_shared>>) target(%arg11 : memref<1024x16xf32, #tpu.memory_space<vmem>>) offsets(%dma_start3A_76 : memref<1024xi32, #tpu.memory_space<vmem>>) semaphore(%arg18 : memref<!tpu.dma_semaphore, #tpu.memory_space<semaphore_mem>>)
    tpu.wait_dma2 semaphore(%arg17 : memref<!tpu.dma_semaphore, #tpu.memory_space<semaphore_mem>>) src(%arg6 : memref<1024x16xf32, #tpu.memory_space<hbm>>) dst(%arg10 : memref<1024x16xf32, #tpu.memory_space<vmem>>)
    %dma_start3A_80 = arith.constant 4 : i32
    %dma_start3A_81 = arith.constant 0 : i32
    %dma_start3A_82 = tpu.memref_slice %arg9[%dma_start3A_80, %dma_start3A_81] : memref<10x1024xi32, #tpu.memory_space<vmem>> -> memref<1x1024xi32, #tpu.memory_space<vmem>>
    %dma_start3A_83 = tpu.memref_squeeze %dma_start3A_82 : memref<1x1024xi32, #tpu.memory_space<vmem>> -> memref<1024xi32, #tpu.memory_space<vmem>>
    %dma_start3A_84 = arith.constant 0 : i32
    %dma_start3A_85 = arith.constant 0 : i32
    %dma_start3A_86 = tpu.memref_slice %arg15[%dma_start3A_84, %dma_start3A_85] : memref<10240x16xf32, #tpu.memory_space<vmem_shared>> -> memref<10240x16xf32, #tpu.memory_space<vmem_shared>>
    tpu.enqueue_indirect_dma source(%arg10 : memref<1024x16xf32, #tpu.memory_space<vmem>>) target(%dma_start3A_86 : memref<10240x16xf32, #tpu.memory_space<vmem_shared>>) offsets(%dma_start3A_83 : memref<1024xi32, #tpu.memory_space<vmem>>) semaphore(%arg21 : memref<!tpu.dma_semaphore, #tpu.memory_space<semaphore_mem>>) {add = true}
    tpu.wait_dma2 semaphore(%arg23 : memref<!tpu.dma_semaphore, #tpu.memory_space<semaphore_mem>>) src(%arg6 : memref<1024x16xf32, #tpu.memory_space<hbm>>) dst(%arg12 : memref<1024x16xf32, #tpu.memory_space<vmem>>)
    %dma_start3A_87 = arith.constant 6 : i32
    %dma_start3A_88 = arith.constant 0 : i32
    %dma_start3A_89 = tpu.memref_slice %arg8[%dma_start3A_87, %dma_start3A_88] : memref<10x1024xi32, #tpu.memory_space<vmem>> -> memref<1x1024xi32, #tpu.memory_space<vmem>>
    %dma_start3A_90 = tpu.memref_squeeze %dma_start3A_89 : memref<1x1024xi32, #tpu.memory_space<vmem>> -> memref<1024xi32, #tpu.memory_space<vmem>>
    %dma_start3A_91 = arith.constant 0 : i32
    %dma_start3A_92 = arith.constant 0 : i32
    %dma_start3A_93 = tpu.memref_slice %arg16[%dma_start3A_91, %dma_start3A_92] : memref<10240x16xf32, #tpu.memory_space<vmem_shared>> -> memref<10240x16xf32, #tpu.memory_space<vmem_shared>>
    tpu.enqueue_indirect_dma source(%dma_start3A_93 : memref<10240x16xf32, #tpu.memory_space<vmem_shared>>) target(%arg12 : memref<1024x16xf32, #tpu.memory_space<vmem>>) offsets(%dma_start3A_90 : memref<1024xi32, #tpu.memory_space<vmem>>) semaphore(%arg19 : memref<!tpu.dma_semaphore, #tpu.memory_space<semaphore_mem>>)
    tpu.wait_dma2 semaphore(%arg18 : memref<!tpu.dma_semaphore, #tpu.memory_space<semaphore_mem>>) src(%arg6 : memref<1024x16xf32, #tpu.memory_space<hbm>>) dst(%arg11 : memref<1024x16xf32, #tpu.memory_space<vmem>>)
    %dma_start3A_94 = arith.constant 5 : i32
    %dma_start3A_95 = arith.constant 0 : i32
    %dma_start3A_96 = tpu.memref_slice %arg9[%dma_start3A_94, %dma_start3A_95] : memref<10x1024xi32, #tpu.memory_space<vmem>> -> memref<1x1024xi32, #tpu.memory_space<vmem>>
    %dma_start3A_97 = tpu.memref_squeeze %dma_start3A_96 : memref<1x1024xi32, #tpu.memory_space<vmem>> -> memref<1024xi32, #tpu.memory_space<vmem>>
    %dma_start3A_98 = arith.constant 0 : i32
    %dma_start3A_99 = arith.constant 0 : i32
    %dma_start3A_100 = tpu.memref_slice %arg15[%dma_start3A_98, %dma_start3A_99] : memref<10240x16xf32, #tpu.memory_space<vmem_shared>> -> memref<10240x16xf32, #tpu.memory_space<vmem_shared>>
    tpu.enqueue_indirect_dma source(%arg11 : memref<1024x16xf32, #tpu.memory_space<vmem>>) target(%dma_start3A_100 : memref<10240x16xf32, #tpu.memory_space<vmem_shared>>) offsets(%dma_start3A_97 : memref<1024xi32, #tpu.memory_space<vmem>>) semaphore(%arg22 : memref<!tpu.dma_semaphore, #tpu.memory_space<semaphore_mem>>) {add = true}
    tpu.wait_dma2 semaphore(%arg24 : memref<!tpu.dma_semaphore, #tpu.memory_space<semaphore_mem>>) src(%arg6 : memref<1024x16xf32, #tpu.memory_space<hbm>>) dst(%arg13 : memref<1024x16xf32, #tpu.memory_space<vmem>>)
    %dma_start3A_101 = arith.constant 7 : i32
    %dma_start3A_102 = arith.constant 0 : i32
    %dma_start3A_103 = tpu.memref_slice %arg8[%dma_start3A_101, %dma_start3A_102] : memref<10x1024xi32, #tpu.memory_space<vmem>> -> memref<1x1024xi32, #tpu.memory_space<vmem>>
    %dma_start3A_104 = tpu.memref_squeeze %dma_start3A_103 : memref<1x1024xi32, #tpu.memory_space<vmem>> -> memref<1024xi32, #tpu.memory_space<vmem>>
    %dma_start3A_105 = arith.constant 0 : i32
    %dma_start3A_106 = arith.constant 0 : i32
    %dma_start3A_107 = tpu.memref_slice %arg16[%dma_start3A_105, %dma_start3A_106] : memref<10240x16xf32, #tpu.memory_space<vmem_shared>> -> memref<10240x16xf32, #tpu.memory_space<vmem_shared>>
    tpu.enqueue_indirect_dma source(%dma_start3A_107 : memref<10240x16xf32, #tpu.memory_space<vmem_shared>>) target(%arg13 : memref<1024x16xf32, #tpu.memory_space<vmem>>) offsets(%dma_start3A_104 : memref<1024xi32, #tpu.memory_space<vmem>>) semaphore(%arg20 : memref<!tpu.dma_semaphore, #tpu.memory_space<semaphore_mem>>)
    tpu.wait_dma2 semaphore(%arg19 : memref<!tpu.dma_semaphore, #tpu.memory_space<semaphore_mem>>) src(%arg6 : memref<1024x16xf32, #tpu.memory_space<hbm>>) dst(%arg12 : memref<1024x16xf32, #tpu.memory_space<vmem>>)
    %dma_start3A_108 = arith.constant 6 : i32
    %dma_start3A_109 = arith.constant 0 : i32
    %dma_start3A_110 = tpu.memref_slice %arg9[%dma_start3A_108, %dma_start3A_109] : memref<10x1024xi32, #tpu.memory_space<vmem>> -> memref<1x1024xi32, #tpu.memory_space<vmem>>
    %dma_start3A_111 = tpu.memref_squeeze %dma_start3A_110 : memref<1x1024xi32, #tpu.memory_space<vmem>> -> memref<1024xi32, #tpu.memory_space<vmem>>
    %dma_start3A_112 = arith.constant 0 : i32
    %dma_start3A_113 = arith.constant 0 : i32
    %dma_start3A_114 = tpu.memref_slice %arg15[%dma_start3A_112, %dma_start3A_113] : memref<10240x16xf32, #tpu.memory_space<vmem_shared>> -> memref<10240x16xf32, #tpu.memory_space<vmem_shared>>
    tpu.enqueue_indirect_dma source(%arg12 : memref<1024x16xf32, #tpu.memory_space<vmem>>) target(%dma_start3A_114 : memref<10240x16xf32, #tpu.memory_space<vmem_shared>>) offsets(%dma_start3A_111 : memref<1024xi32, #tpu.memory_space<vmem>>) semaphore(%arg23 : memref<!tpu.dma_semaphore, #tpu.memory_space<semaphore_mem>>) {add = true}
    tpu.wait_dma2 semaphore(%arg21 : memref<!tpu.dma_semaphore, #tpu.memory_space<semaphore_mem>>) src(%arg6 : memref<1024x16xf32, #tpu.memory_space<hbm>>) dst(%arg10 : memref<1024x16xf32, #tpu.memory_space<vmem>>)
    %dma_start3A_115 = arith.constant 8 : i32
    %dma_start3A_116 = arith.constant 0 : i32
    %dma_start3A_117 = tpu.memref_slice %arg8[%dma_start3A_115, %dma_start3A_116] : memref<10x1024xi32, #tpu.memory_space<vmem>> -> memref<1x1024xi32, #tpu.memory_space<vmem>>
    %dma_start3A_118 = tpu.memref_squeeze %dma_start3A_117 : memref<1x1024xi32, #tpu.memory_space<vmem>> -> memref<1024xi32, #tpu.memory_space<vmem>>
    %dma_start3A_119 = arith.constant 0 : i32
    %dma_start3A_120 = arith.constant 0 : i32
    %dma_start3A_121 = tpu.memref_slice %arg16[%dma_start3A_119, %dma_start3A_120] : memref<10240x16xf32, #tpu.memory_space<vmem_shared>> -> memref<10240x16xf32, #tpu.memory_space<vmem_shared>>
    tpu.enqueue_indirect_dma source(%dma_start3A_121 : memref<10240x16xf32, #tpu.memory_space<vmem_shared>>) target(%arg10 : memref<1024x16xf32, #tpu.memory_space<vmem>>) offsets(%dma_start3A_118 : memref<1024xi32, #tpu.memory_space<vmem>>) semaphore(%arg17 : memref<!tpu.dma_semaphore, #tpu.memory_space<semaphore_mem>>)
    tpu.wait_dma2 semaphore(%arg20 : memref<!tpu.dma_semaphore, #tpu.memory_space<semaphore_mem>>) src(%arg6 : memref<1024x16xf32, #tpu.memory_space<hbm>>) dst(%arg13 : memref<1024x16xf32, #tpu.memory_space<vmem>>)
    %dma_start3A_122 = arith.constant 7 : i32
    %dma_start3A_123 = arith.constant 0 : i32
    %dma_start3A_124 = tpu.memref_slice %arg9[%dma_start3A_122, %dma_start3A_123] : memref<10x1024xi32, #tpu.memory_space<vmem>> -> memref<1x1024xi32, #tpu.memory_space<vmem>>
    %dma_start3A_125 = tpu.memref_squeeze %dma_start3A_124 : memref<1x1024xi32, #tpu.memory_space<vmem>> -> memref<1024xi32, #tpu.memory_space<vmem>>
    %dma_start3A_126 = arith.constant 0 : i32
    %dma_start3A_127 = arith.constant 0 : i32
    %dma_start3A_128 = tpu.memref_slice %arg15[%dma_start3A_126, %dma_start3A_127] : memref<10240x16xf32, #tpu.memory_space<vmem_shared>> -> memref<10240x16xf32, #tpu.memory_space<vmem_shared>>
    tpu.enqueue_indirect_dma source(%arg13 : memref<1024x16xf32, #tpu.memory_space<vmem>>) target(%dma_start3A_128 : memref<10240x16xf32, #tpu.memory_space<vmem_shared>>) offsets(%dma_start3A_125 : memref<1024xi32, #tpu.memory_space<vmem>>) semaphore(%arg24 : memref<!tpu.dma_semaphore, #tpu.memory_space<semaphore_mem>>) {add = true}
    tpu.wait_dma2 semaphore(%arg22 : memref<!tpu.dma_semaphore, #tpu.memory_space<semaphore_mem>>) src(%arg6 : memref<1024x16xf32, #tpu.memory_space<hbm>>) dst(%arg11 : memref<1024x16xf32, #tpu.memory_space<vmem>>)
    %dma_start3A_129 = arith.constant 9 : i32
    %dma_start3A_130 = arith.constant 0 : i32
    %dma_start3A_131 = tpu.memref_slice %arg8[%dma_start3A_129, %dma_start3A_130] : memref<10x1024xi32, #tpu.memory_space<vmem>> -> memref<1x1024xi32, #tpu.memory_space<vmem>>
    %dma_start3A_132 = tpu.memref_squeeze %dma_start3A_131 : memref<1x1024xi32, #tpu.memory_space<vmem>> -> memref<1024xi32, #tpu.memory_space<vmem>>
    %dma_start3A_133 = arith.constant 0 : i32
    %dma_start3A_134 = arith.constant 0 : i32
    %dma_start3A_135 = tpu.memref_slice %arg16[%dma_start3A_133, %dma_start3A_134] : memref<10240x16xf32, #tpu.memory_space<vmem_shared>> -> memref<10240x16xf32, #tpu.memory_space<vmem_shared>>
    tpu.enqueue_indirect_dma source(%dma_start3A_135 : memref<10240x16xf32, #tpu.memory_space<vmem_shared>>) target(%arg11 : memref<1024x16xf32, #tpu.memory_space<vmem>>) offsets(%dma_start3A_132 : memref<1024xi32, #tpu.memory_space<vmem>>) semaphore(%arg18 : memref<!tpu.dma_semaphore, #tpu.memory_space<semaphore_mem>>)
    tpu.wait_dma2 semaphore(%arg17 : memref<!tpu.dma_semaphore, #tpu.memory_space<semaphore_mem>>) src(%arg6 : memref<1024x16xf32, #tpu.memory_space<hbm>>) dst(%arg10 : memref<1024x16xf32, #tpu.memory_space<vmem>>)
    %dma_start3A_136 = arith.constant 8 : i32
    %dma_start3A_137 = arith.constant 0 : i32
    %dma_start3A_138 = tpu.memref_slice %arg9[%dma_start3A_136, %dma_start3A_137] : memref<10x1024xi32, #tpu.memory_space<vmem>> -> memref<1x1024xi32, #tpu.memory_space<vmem>>
    %dma_start3A_139 = tpu.memref_squeeze %dma_start3A_138 : memref<1x1024xi32, #tpu.memory_space<vmem>> -> memref<1024xi32, #tpu.memory_space<vmem>>
    %dma_start3A_140 = arith.constant 0 : i32
    %dma_start3A_141 = arith.constant 0 : i32
    %dma_start3A_142 = tpu.memref_slice %arg15[%dma_start3A_140, %dma_start3A_141] : memref<10240x16xf32, #tpu.memory_space<vmem_shared>> -> memref<10240x16xf32, #tpu.memory_space<vmem_shared>>
    tpu.enqueue_indirect_dma source(%arg10 : memref<1024x16xf32, #tpu.memory_space<vmem>>) target(%dma_start3A_142 : memref<10240x16xf32, #tpu.memory_space<vmem_shared>>) offsets(%dma_start3A_139 : memref<1024xi32, #tpu.memory_space<vmem>>) semaphore(%arg21 : memref<!tpu.dma_semaphore, #tpu.memory_space<semaphore_mem>>) {add = true}
    tpu.wait_dma2 semaphore(%arg18 : memref<!tpu.dma_semaphore, #tpu.memory_space<semaphore_mem>>) src(%arg6 : memref<1024x16xf32, #tpu.memory_space<hbm>>) dst(%arg11 : memref<1024x16xf32, #tpu.memory_space<vmem>>)
    %dma_start3A_143 = arith.constant 9 : i32
    %dma_start3A_144 = arith.constant 0 : i32
    %dma_start3A_145 = tpu.memref_slice %arg9[%dma_start3A_143, %dma_start3A_144] : memref<10x1024xi32, #tpu.memory_space<vmem>> -> memref<1x1024xi32, #tpu.memory_space<vmem>>
    %dma_start3A_146 = tpu.memref_squeeze %dma_start3A_145 : memref<1x1024xi32, #tpu.memory_space<vmem>> -> memref<1024xi32, #tpu.memory_space<vmem>>
    %dma_start3A_147 = arith.constant 0 : i32
    %dma_start3A_148 = arith.constant 0 : i32
    %dma_start3A_149 = tpu.memref_slice %arg15[%dma_start3A_147, %dma_start3A_148] : memref<10240x16xf32, #tpu.memory_space<vmem_shared>> -> memref<10240x16xf32, #tpu.memory_space<vmem_shared>>
    tpu.enqueue_indirect_dma source(%arg11 : memref<1024x16xf32, #tpu.memory_space<vmem>>) target(%dma_start3A_149 : memref<10240x16xf32, #tpu.memory_space<vmem_shared>>) offsets(%dma_start3A_146 : memref<1024xi32, #tpu.memory_space<vmem>>) semaphore(%arg22 : memref<!tpu.dma_semaphore, #tpu.memory_space<semaphore_mem>>) {add = true}
    tpu.wait_dma2 semaphore(%arg23 : memref<!tpu.dma_semaphore, #tpu.memory_space<semaphore_mem>>) src(%arg6 : memref<1024x16xf32, #tpu.memory_space<hbm>>) dst(%arg12 : memref<1024x16xf32, #tpu.memory_space<vmem>>)
    tpu.wait_dma2 semaphore(%arg24 : memref<!tpu.dma_semaphore, #tpu.memory_space<semaphore_mem>>) src(%arg6 : memref<1024x16xf32, #tpu.memory_space<hbm>>) dst(%arg13 : memref<1024x16xf32, #tpu.memory_space<vmem>>)
    tpu.wait_dma2 semaphore(%arg21 : memref<!tpu.dma_semaphore, #tpu.memory_space<semaphore_mem>>) src(%arg6 : memref<1024x16xf32, #tpu.memory_space<hbm>>) dst(%arg10 : memref<1024x16xf32, #tpu.memory_space<vmem>>)
    tpu.wait_dma2 semaphore(%arg22 : memref<!tpu.dma_semaphore, #tpu.memory_space<semaphore_mem>>) src(%arg6 : memref<1024x16xf32, #tpu.memory_space<hbm>>) dst(%arg11 : memref<1024x16xf32, #tpu.memory_space<vmem>>)
    %barrier3A_150 = arith.constant 0 : index
    tpu.barrier barrier_id(%barrier3A_150)
    %mul3A_151 = arith.constant 640 : i32
    %mul3A_152 = arith.muli %arg1, %mul3A_151 : i32
    "tpu.region"() ({
      %run_scoped3A = tpu.sem_alloc : memref<!tpu.dma_semaphore, #tpu.memory_space<semaphore_mem>>
      %dma_start3A_158 = arith.constant 0 : i32
      %dma_start3A_159 = tpu.memref_slice %arg15[%mul3A_152, %dma_start3A_158] : memref<10240x16xf32, #tpu.memory_space<vmem_shared>> -> memref<640x16xf32, #tpu.memory_space<vmem_shared>>
      %dma_start3A_160 = arith.constant 0 : i32
      %dma_start3A_161 = tpu.memref_slice %arg15[%mul3A_152, %dma_start3A_160] : memref<10240x16xf32, #tpu.memory_space<vmem_shared>> -> memref<640x16xf32, #tpu.memory_space<vmem_shared>>
      tpu.enqueue_dma source(%dma_start3A_161 : memref<640x16xf32, #tpu.memory_space<vmem_shared>>) target(%arg14 : memref<640x16xf32, #tpu.memory_space<vmem>>) target_semaphore(%run_scoped3A : memref<!tpu.dma_semaphore, #tpu.memory_space<semaphore_mem>>)
      %dma_wait3A = arith.constant 0 : i32
      %dma_wait3A_162 = tpu.memref_slice %arg15[%mul3A_152, %dma_wait3A] : memref<10240x16xf32, #tpu.memory_space<vmem_shared>> -> memref<640x16xf32, #tpu.memory_space<vmem_shared>>
      %dma_wait3A_163 = arith.constant 0 : i32
      %dma_wait3A_164 = tpu.memref_slice %arg15[%mul3A_152, %dma_wait3A_163] : memref<10240x16xf32, #tpu.memory_space<vmem_shared>> -> memref<640x16xf32, #tpu.memory_space<vmem_shared>>
      tpu.wait_dma2 semaphore(%run_scoped3A : memref<!tpu.dma_semaphore, #tpu.memory_space<semaphore_mem>>) src(%dma_wait3A_164 : memref<640x16xf32, #tpu.memory_space<vmem_shared>>) dst(%arg14 : memref<640x16xf32, #tpu.memory_space<vmem>>)
      tpu.yield
    }) : () -> ()
    %mul3A_153 = arith.constant 10240 : i32
    %mul3A_154 = arith.muli %arg0, %mul3A_153 : i32
    %mul3A_155 = arith.constant 640 : i32
    %mul3A_156 = arith.muli %arg1, %mul3A_155 : i32
    %add3A_157 = arith.addi %mul3A_154, %mul3A_156 : i32
    "tpu.region"() ({
      %run_scoped3A = tpu.sem_alloc : memref<!tpu.dma_semaphore, #tpu.memory_space<semaphore_mem>>
      %dma_start3A_158 = arith.constant 0 : i32
      %dma_start3A_159 = tpu.memref_slice %arg7[%add3A_157, %dma_start3A_158] : memref<20480x16xf32, #tpu.memory_space<hbm>> -> memref<640x16xf32, #tpu.memory_space<hbm>>
      %dma_start3A_160 = arith.constant 0 : i32
      %dma_start3A_161 = tpu.memref_slice %arg7[%add3A_157, %dma_start3A_160] : memref<20480x16xf32, #tpu.memory_space<hbm>> -> memref<640x16xf32, #tpu.memory_space<hbm>>
      tpu.enqueue_dma source(%arg14 : memref<640x16xf32, #tpu.memory_space<vmem>>) target(%dma_start3A_161 : memref<640x16xf32, #tpu.memory_space<hbm>>) target_semaphore(%run_scoped3A : memref<!tpu.dma_semaphore, #tpu.memory_space<semaphore_mem>>)
      %dma_wait3A = arith.constant 0 : i32
      %dma_wait3A_162 = tpu.memref_slice %arg7[%add3A_157, %dma_wait3A] : memref<20480x16xf32, #tpu.memory_space<hbm>> -> memref<640x16xf32, #tpu.memory_space<hbm>>
      %dma_wait3A_163 = arith.constant 0 : i32
      %dma_wait3A_164 = tpu.memref_slice %arg7[%add3A_157, %dma_wait3A_163] : memref<20480x16xf32, #tpu.memory_space<hbm>> -> memref<640x16xf32, #tpu.memory_space<hbm>>
      tpu.wait_dma2 semaphore(%run_scoped3A : memref<!tpu.dma_semaphore, #tpu.memory_space<semaphore_mem>>) src(%arg14 : memref<640x16xf32, #tpu.memory_space<vmem>>) dst(%dma_wait3A_164 : memref<640x16xf32, #tpu.memory_space<hbm>>)
      tpu.yield
    }) : () -> ()
    return
  }
}

#map = affine_map<(d0, d1) -> (0, 0)>
module attributes {stable_mosaic.version = 14 : i64} {
  func.func @gcn_scatter(%arg0: i32, %arg1: i32, %arg2: memref<320x1024xi32, #tpu.memory_space<hbm>>, %arg3: memref<320x1024xi32, #tpu.memory_space<hbm>>, %arg4: memref<10240x16xf32, #tpu.memory_space<hbm>>, %arg5: memref<768x16xf32, #tpu.memory_space<hbm>>, %arg6: memref<1024x16xf32, #tpu.memory_space<hbm>>, %arg7: memref<20480x16xf32, #tpu.memory_space<hbm>>, %arg8: memref<10x1024xi32, #tpu.memory_space<vmem>>, %arg9: memref<10x1024xi32, #tpu.memory_space<vmem>>, %arg10: memref<1024x16xf32, #tpu.memory_space<vmem>>, %arg11: memref<1024x16xf32, #tpu.memory_space<vmem>>, %arg12: memref<1024x16xf32, #tpu.memory_space<vmem>>, %arg13: memref<1024x16xf32, #tpu.memory_space<vmem>>, %arg14: memref<640x16xf32, #tpu.memory_space<vmem>>, %arg15: memref<10240x16xf32, #tpu.memory_space<vmem_shared>>, %arg16: memref<10240x16xf32, #tpu.memory_space<vmem_shared>>, %arg17: memref<!tpu.dma_semaphore, #tpu.memory_space<semaphore_mem>>, %arg18: memref<!tpu.dma_semaphore, #tpu.memory_space<semaphore_mem>>, %arg19: memref<!tpu.dma_semaphore, #tpu.memory_space<semaphore_mem>>, %arg20: memref<!tpu.dma_semaphore, #tpu.memory_space<semaphore_mem>>, %arg21: memref<!tpu.dma_semaphore, #tpu.memory_space<semaphore_mem>>, %arg22: memref<!tpu.dma_semaphore, #tpu.memory_space<semaphore_mem>>, %arg23: memref<!tpu.dma_semaphore, #tpu.memory_space<semaphore_mem>>, %arg24: memref<!tpu.dma_semaphore, #tpu.memory_space<semaphore_mem>>) attributes {dimension_semantics = [#tpu.dimension_semantics<core_parallel>, #tpu.dimension_semantics<subcore_parallel>], iteration_bounds = array<i64: 2, 16>, scalar_prefetch = 0 : i64, scratch_operands = 17 : i64, tpu.core_type = #tpu.core_type<sc_vector_subcore>, window_params = [{transform_indices = #map}, {transform_indices = #map}, {transform_indices = #map}, {transform_indices = #map}, {transform_indices = #map}, {transform_indices = #map}]} {
    %mul3A = arith.constant 16 : i32
    %mul3A_0 = arith.muli %arg0, %mul3A : i32
    %add3A = arith.addi %mul3A_0, %arg1 : i32
    "tpu.region"() ({
      %run_scoped3A = tpu.sem_alloc : memref<!tpu.dma_semaphore, #tpu.memory_space<semaphore_mem>>
      %dma_start3A_158 = arith.constant 0 : i32
      %dma_start3A_159 = arith.constant 0 : i32
      %dma_start3A_160 = tpu.memref_slice %arg5[%dma_start3A_158, %dma_start3A_159] : memref<768x16xf32, #tpu.memory_space<hbm>> -> memref<640x16xf32, #tpu.memory_space<hbm>>
      %dma_start3A_161 = arith.constant 0 : i32
      %dma_start3A_162 = arith.constant 0 : i32
      %dma_start3A_163 = tpu.memref_slice %arg5[%dma_start3A_161, %dma_start3A_162] : memref<768x16xf32, #tpu.memory_space<hbm>> -> memref<640x16xf32, #tpu.memory_space<hbm>>
      tpu.enqueue_dma source(%dma_start3A_163 : memref<640x16xf32, #tpu.memory_space<hbm>>) target(%arg14 : memref<640x16xf32, #tpu.memory_space<vmem>>) target_semaphore(%run_scoped3A : memref<!tpu.dma_semaphore, #tpu.memory_space<semaphore_mem>>)
      %dma_wait3A = arith.constant 0 : i32
      %dma_wait3A_164 = arith.constant 0 : i32
      %dma_wait3A_165 = tpu.memref_slice %arg5[%dma_wait3A, %dma_wait3A_164] : memref<768x16xf32, #tpu.memory_space<hbm>> -> memref<640x16xf32, #tpu.memory_space<hbm>>
      %dma_wait3A_166 = arith.constant 0 : i32
      %dma_wait3A_167 = arith.constant 0 : i32
      %dma_wait3A_168 = tpu.memref_slice %arg5[%dma_wait3A_166, %dma_wait3A_167] : memref<768x16xf32, #tpu.memory_space<hbm>> -> memref<640x16xf32, #tpu.memory_space<hbm>>
      tpu.wait_dma2 semaphore(%run_scoped3A : memref<!tpu.dma_semaphore, #tpu.memory_space<semaphore_mem>>) src(%dma_wait3A_168 : memref<640x16xf32, #tpu.memory_space<hbm>>) dst(%arg14 : memref<640x16xf32, #tpu.memory_space<vmem>>)
      tpu.yield
    }) : () -> ()
    %mul3A_1 = arith.constant 640 : i32
    %mul3A_2 = arith.muli %arg1, %mul3A_1 : i32
    "tpu.region"() ({
      %run_scoped3A = tpu.sem_alloc : memref<!tpu.dma_semaphore, #tpu.memory_space<semaphore_mem>>
      %dma_start3A_158 = arith.constant 0 : i32
      %dma_start3A_159 = tpu.memref_slice %arg15[%mul3A_2, %dma_start3A_158] : memref<10240x16xf32, #tpu.memory_space<vmem_shared>> -> memref<640x16xf32, #tpu.memory_space<vmem_shared>>
      %dma_start3A_160 = arith.constant 0 : i32
      %dma_start3A_161 = tpu.memref_slice %arg15[%mul3A_2, %dma_start3A_160] : memref<10240x16xf32, #tpu.memory_space<vmem_shared>> -> memref<640x16xf32, #tpu.memory_space<vmem_shared>>
      tpu.enqueue_dma source(%arg14 : memref<640x16xf32, #tpu.memory_space<vmem>>) target(%dma_start3A_161 : memref<640x16xf32, #tpu.memory_space<vmem_shared>>) target_semaphore(%run_scoped3A : memref<!tpu.dma_semaphore, #tpu.memory_space<semaphore_mem>>)
      %dma_wait3A = arith.constant 0 : i32
      %dma_wait3A_162 = tpu.memref_slice %arg15[%mul3A_2, %dma_wait3A] : memref<10240x16xf32, #tpu.memory_space<vmem_shared>> -> memref<640x16xf32, #tpu.memory_space<vmem_shared>>
      %dma_wait3A_163 = arith.constant 0 : i32
      %dma_wait3A_164 = tpu.memref_slice %arg15[%mul3A_2, %dma_wait3A_163] : memref<10240x16xf32, #tpu.memory_space<vmem_shared>> -> memref<640x16xf32, #tpu.memory_space<vmem_shared>>
      tpu.wait_dma2 semaphore(%run_scoped3A : memref<!tpu.dma_semaphore, #tpu.memory_space<semaphore_mem>>) src(%arg14 : memref<640x16xf32, #tpu.memory_space<vmem>>) dst(%dma_wait3A_164 : memref<640x16xf32, #tpu.memory_space<vmem_shared>>)
      tpu.yield
    }) : () -> ()
    %mul3A_3 = arith.constant 640 : i32
    %mul3A_4 = arith.muli %arg1, %mul3A_3 : i32
    %mul3A_5 = arith.constant 640 : i32
    %mul3A_6 = arith.muli %arg1, %mul3A_5 : i32
    "tpu.region"() ({
      %run_scoped3A = tpu.sem_alloc : memref<!tpu.dma_semaphore, #tpu.memory_space<semaphore_mem>>
      %dma_start3A_158 = arith.constant 0 : i32
      %dma_start3A_159 = tpu.memref_slice %arg16[%mul3A_6, %dma_start3A_158] : memref<10240x16xf32, #tpu.memory_space<vmem_shared>> -> memref<640x16xf32, #tpu.memory_space<vmem_shared>>
      %dma_start3A_160 = arith.constant 0 : i32
      %dma_start3A_161 = tpu.memref_slice %arg4[%mul3A_4, %dma_start3A_160] : memref<10240x16xf32, #tpu.memory_space<hbm>> -> memref<640x16xf32, #tpu.memory_space<hbm>>
      tpu.enqueue_dma source(%dma_start3A_161 : memref<640x16xf32, #tpu.memory_space<hbm>>) target(%dma_start3A_159 : memref<640x16xf32, #tpu.memory_space<vmem_shared>>) target_semaphore(%run_scoped3A : memref<!tpu.dma_semaphore, #tpu.memory_space<semaphore_mem>>)
      %dma_wait3A = arith.constant 0 : i32
      %dma_wait3A_162 = tpu.memref_slice %arg16[%mul3A_6, %dma_wait3A] : memref<10240x16xf32, #tpu.memory_space<vmem_shared>> -> memref<640x16xf32, #tpu.memory_space<vmem_shared>>
      %dma_wait3A_163 = arith.constant 0 : i32
      %dma_wait3A_164 = tpu.memref_slice %arg4[%mul3A_4, %dma_wait3A_163] : memref<10240x16xf32, #tpu.memory_space<hbm>> -> memref<640x16xf32, #tpu.memory_space<hbm>>
      tpu.wait_dma2 semaphore(%run_scoped3A : memref<!tpu.dma_semaphore, #tpu.memory_space<semaphore_mem>>) src(%dma_wait3A_164 : memref<640x16xf32, #tpu.memory_space<hbm>>) dst(%dma_wait3A_162 : memref<640x16xf32, #tpu.memory_space<vmem_shared>>)
      tpu.yield
    }) : () -> ()
    %barrier3A = arith.constant 0 : index
    tpu.barrier barrier_id(%barrier3A)
    %mul3A_7 = arith.constant 10 : i32
    %mul3A_8 = arith.muli %add3A, %mul3A_7 : i32
    "tpu.region"() ({
      %run_scoped3A = tpu.sem_alloc : memref<!tpu.dma_semaphore, #tpu.memory_space<semaphore_mem>>
      %dma_start3A_158 = arith.constant 0 : i32
      %dma_start3A_159 = tpu.memref_slice %arg3[%mul3A_8, %dma_start3A_158] : memref<320x1024xi32, #tpu.memory_space<hbm>> -> memref<10x1024xi32, #tpu.memory_space<hbm>>
      %dma_start3A_160 = arith.constant 0 : i32
      %dma_start3A_161 = tpu.memref_slice %arg3[%mul3A_8, %dma_start3A_160] : memref<320x1024xi32, #tpu.memory_space<hbm>> -> memref<10x1024xi32, #tpu.memory_space<hbm>>
      tpu.enqueue_dma source(%dma_start3A_161 : memref<10x1024xi32, #tpu.memory_space<hbm>>) target(%arg9 : memref<10x1024xi32, #tpu.memory_space<vmem>>) target_semaphore(%run_scoped3A : memref<!tpu.dma_semaphore, #tpu.memory_space<semaphore_mem>>)
      %dma_wait3A = arith.constant 0 : i32
      %dma_wait3A_162 = tpu.memref_slice %arg3[%mul3A_8, %dma_wait3A] : memref<320x1024xi32, #tpu.memory_space<hbm>> -> memref<10x1024xi32, #tpu.memory_space<hbm>>
      %dma_wait3A_163 = arith.constant 0 : i32
      %dma_wait3A_164 = tpu.memref_slice %arg3[%mul3A_8, %dma_wait3A_163] : memref<320x1024xi32, #tpu.memory_space<hbm>> -> memref<10x1024xi32, #tpu.memory_space<hbm>>
      tpu.wait_dma2 semaphore(%run_scoped3A : memref<!tpu.dma_semaphore, #tpu.memory_space<semaphore_mem>>) src(%dma_wait3A_164 : memref<10x1024xi32, #tpu.memory_space<hbm>>) dst(%arg9 : memref<10x1024xi32, #tpu.memory_space<vmem>>)
      tpu.yield
    }) : () -> ()
    %mul3A_9 = arith.constant 10 : i32
    %mul3A_10 = arith.muli %add3A, %mul3A_9 : i32
    "tpu.region"() ({
      %run_scoped3A = tpu.sem_alloc : memref<!tpu.dma_semaphore, #tpu.memory_space<semaphore_mem>>
      %dma_start3A_158 = arith.constant 0 : i32
      %dma_start3A_159 = tpu.memref_slice %arg2[%mul3A_10, %dma_start3A_158] : memref<320x1024xi32, #tpu.memory_space<hbm>> -> memref<10x1024xi32, #tpu.memory_space<hbm>>
      %dma_start3A_160 = arith.constant 0 : i32
      %dma_start3A_161 = tpu.memref_slice %arg2[%mul3A_10, %dma_start3A_160] : memref<320x1024xi32, #tpu.memory_space<hbm>> -> memref<10x1024xi32, #tpu.memory_space<hbm>>
      tpu.enqueue_dma source(%dma_start3A_161 : memref<10x1024xi32, #tpu.memory_space<hbm>>) target(%arg8 : memref<10x1024xi32, #tpu.memory_space<vmem>>) target_semaphore(%run_scoped3A : memref<!tpu.dma_semaphore, #tpu.memory_space<semaphore_mem>>)
      %dma_wait3A = arith.constant 0 : i32
      %dma_wait3A_162 = tpu.memref_slice %arg2[%mul3A_10, %dma_wait3A] : memref<320x1024xi32, #tpu.memory_space<hbm>> -> memref<10x1024xi32, #tpu.memory_space<hbm>>
      %dma_wait3A_163 = arith.constant 0 : i32
      %dma_wait3A_164 = tpu.memref_slice %arg2[%mul3A_10, %dma_wait3A_163] : memref<320x1024xi32, #tpu.memory_space<hbm>> -> memref<10x1024xi32, #tpu.memory_space<hbm>>
      tpu.wait_dma2 semaphore(%run_scoped3A : memref<!tpu.dma_semaphore, #tpu.memory_space<semaphore_mem>>) src(%dma_wait3A_164 : memref<10x1024xi32, #tpu.memory_space<hbm>>) dst(%arg8 : memref<10x1024xi32, #tpu.memory_space<vmem>>)
      tpu.yield
    }) : () -> ()
    %dma_start3A = arith.constant 0 : i32
    %dma_start3A_11 = arith.constant 0 : i32
    %dma_start3A_12 = tpu.memref_slice %arg8[%dma_start3A, %dma_start3A_11] : memref<10x1024xi32, #tpu.memory_space<vmem>> -> memref<1x1024xi32, #tpu.memory_space<vmem>>
    %dma_start3A_13 = tpu.memref_squeeze %dma_start3A_12 : memref<1x1024xi32, #tpu.memory_space<vmem>> -> memref<1024xi32, #tpu.memory_space<vmem>>
    %dma_start3A_14 = arith.constant 0 : i32
    %dma_start3A_15 = arith.constant 0 : i32
    %dma_start3A_16 = tpu.memref_slice %arg16[%dma_start3A_14, %dma_start3A_15] : memref<10240x16xf32, #tpu.memory_space<vmem_shared>> -> memref<10240x16xf32, #tpu.memory_space<vmem_shared>>
    tpu.enqueue_indirect_dma source(%dma_start3A_16 : memref<10240x16xf32, #tpu.memory_space<vmem_shared>>) target(%arg10 : memref<1024x16xf32, #tpu.memory_space<vmem>>) offsets(%dma_start3A_13 : memref<1024xi32, #tpu.memory_space<vmem>>) semaphore(%arg17 : memref<!tpu.dma_semaphore, #tpu.memory_space<semaphore_mem>>)
    %dma_start3A_17 = arith.constant 1 : i32
    %dma_start3A_18 = arith.constant 0 : i32
    %dma_start3A_19 = tpu.memref_slice %arg8[%dma_start3A_17, %dma_start3A_18] : memref<10x1024xi32, #tpu.memory_space<vmem>> -> memref<1x1024xi32, #tpu.memory_space<vmem>>
    %dma_start3A_20 = tpu.memref_squeeze %dma_start3A_19 : memref<1x1024xi32, #tpu.memory_space<vmem>> -> memref<1024xi32, #tpu.memory_space<vmem>>
    %dma_start3A_21 = arith.constant 0 : i32
    %dma_start3A_22 = arith.constant 0 : i32
    %dma_start3A_23 = tpu.memref_slice %arg16[%dma_start3A_21, %dma_start3A_22] : memref<10240x16xf32, #tpu.memory_space<vmem_shared>> -> memref<10240x16xf32, #tpu.memory_space<vmem_shared>>
    tpu.enqueue_indirect_dma source(%dma_start3A_23 : memref<10240x16xf32, #tpu.memory_space<vmem_shared>>) target(%arg11 : memref<1024x16xf32, #tpu.memory_space<vmem>>) offsets(%dma_start3A_20 : memref<1024xi32, #tpu.memory_space<vmem>>) semaphore(%arg18 : memref<!tpu.dma_semaphore, #tpu.memory_space<semaphore_mem>>)
    tpu.wait_dma2 semaphore(%arg17 : memref<!tpu.dma_semaphore, #tpu.memory_space<semaphore_mem>>) src(%arg6 : memref<1024x16xf32, #tpu.memory_space<hbm>>) dst(%arg10 : memref<1024x16xf32, #tpu.memory_space<vmem>>)
    %dma_start3A_24 = arith.constant 0 : i32
    %dma_start3A_25 = arith.constant 0 : i32
    %dma_start3A_26 = tpu.memref_slice %arg9[%dma_start3A_24, %dma_start3A_25] : memref<10x1024xi32, #tpu.memory_space<vmem>> -> memref<1x1024xi32, #tpu.memory_space<vmem>>
    %dma_start3A_27 = tpu.memref_squeeze %dma_start3A_26 : memref<1x1024xi32, #tpu.memory_space<vmem>> -> memref<1024xi32, #tpu.memory_space<vmem>>
    %dma_start3A_28 = arith.constant 0 : i32
    %dma_start3A_29 = arith.constant 0 : i32
    %dma_start3A_30 = tpu.memref_slice %arg15[%dma_start3A_28, %dma_start3A_29] : memref<10240x16xf32, #tpu.memory_space<vmem_shared>> -> memref<10240x16xf32, #tpu.memory_space<vmem_shared>>
    tpu.enqueue_indirect_dma source(%arg10 : memref<1024x16xf32, #tpu.memory_space<vmem>>) target(%dma_start3A_30 : memref<10240x16xf32, #tpu.memory_space<vmem_shared>>) offsets(%dma_start3A_27 : memref<1024xi32, #tpu.memory_space<vmem>>) semaphore(%arg21 : memref<!tpu.dma_semaphore, #tpu.memory_space<semaphore_mem>>) {add = true}
    %dma_start3A_31 = arith.constant 2 : i32
    %dma_start3A_32 = arith.constant 0 : i32
    %dma_start3A_33 = tpu.memref_slice %arg8[%dma_start3A_31, %dma_start3A_32] : memref<10x1024xi32, #tpu.memory_space<vmem>> -> memref<1x1024xi32, #tpu.memory_space<vmem>>
    %dma_start3A_34 = tpu.memref_squeeze %dma_start3A_33 : memref<1x1024xi32, #tpu.memory_space<vmem>> -> memref<1024xi32, #tpu.memory_space<vmem>>
    %dma_start3A_35 = arith.constant 0 : i32
    %dma_start3A_36 = arith.constant 0 : i32
    %dma_start3A_37 = tpu.memref_slice %arg16[%dma_start3A_35, %dma_start3A_36] : memref<10240x16xf32, #tpu.memory_space<vmem_shared>> -> memref<10240x16xf32, #tpu.memory_space<vmem_shared>>
    tpu.enqueue_indirect_dma source(%dma_start3A_37 : memref<10240x16xf32, #tpu.memory_space<vmem_shared>>) target(%arg12 : memref<1024x16xf32, #tpu.memory_space<vmem>>) offsets(%dma_start3A_34 : memref<1024xi32, #tpu.memory_space<vmem>>) semaphore(%arg19 : memref<!tpu.dma_semaphore, #tpu.memory_space<semaphore_mem>>)
    tpu.wait_dma2 semaphore(%arg18 : memref<!tpu.dma_semaphore, #tpu.memory_space<semaphore_mem>>) src(%arg6 : memref<1024x16xf32, #tpu.memory_space<hbm>>) dst(%arg11 : memref<1024x16xf32, #tpu.memory_space<vmem>>)
    %dma_start3A_38 = arith.constant 1 : i32
    %dma_start3A_39 = arith.constant 0 : i32
    %dma_start3A_40 = tpu.memref_slice %arg9[%dma_start3A_38, %dma_start3A_39] : memref<10x1024xi32, #tpu.memory_space<vmem>> -> memref<1x1024xi32, #tpu.memory_space<vmem>>
    %dma_start3A_41 = tpu.memref_squeeze %dma_start3A_40 : memref<1x1024xi32, #tpu.memory_space<vmem>> -> memref<1024xi32, #tpu.memory_space<vmem>>
    %dma_start3A_42 = arith.constant 0 : i32
    %dma_start3A_43 = arith.constant 0 : i32
    %dma_start3A_44 = tpu.memref_slice %arg15[%dma_start3A_42, %dma_start3A_43] : memref<10240x16xf32, #tpu.memory_space<vmem_shared>> -> memref<10240x16xf32, #tpu.memory_space<vmem_shared>>
    tpu.enqueue_indirect_dma source(%arg11 : memref<1024x16xf32, #tpu.memory_space<vmem>>) target(%dma_start3A_44 : memref<10240x16xf32, #tpu.memory_space<vmem_shared>>) offsets(%dma_start3A_41 : memref<1024xi32, #tpu.memory_space<vmem>>) semaphore(%arg22 : memref<!tpu.dma_semaphore, #tpu.memory_space<semaphore_mem>>) {add = true}
    %dma_start3A_45 = arith.constant 3 : i32
    %dma_start3A_46 = arith.constant 0 : i32
    %dma_start3A_47 = tpu.memref_slice %arg8[%dma_start3A_45, %dma_start3A_46] : memref<10x1024xi32, #tpu.memory_space<vmem>> -> memref<1x1024xi32, #tpu.memory_space<vmem>>
    %dma_start3A_48 = tpu.memref_squeeze %dma_start3A_47 : memref<1x1024xi32, #tpu.memory_space<vmem>> -> memref<1024xi32, #tpu.memory_space<vmem>>
    %dma_start3A_49 = arith.constant 0 : i32
    %dma_start3A_50 = arith.constant 0 : i32
    %dma_start3A_51 = tpu.memref_slice %arg16[%dma_start3A_49, %dma_start3A_50] : memref<10240x16xf32, #tpu.memory_space<vmem_shared>> -> memref<10240x16xf32, #tpu.memory_space<vmem_shared>>
    tpu.enqueue_indirect_dma source(%dma_start3A_51 : memref<10240x16xf32, #tpu.memory_space<vmem_shared>>) target(%arg13 : memref<1024x16xf32, #tpu.memory_space<vmem>>) offsets(%dma_start3A_48 : memref<1024xi32, #tpu.memory_space<vmem>>) semaphore(%arg20 : memref<!tpu.dma_semaphore, #tpu.memory_space<semaphore_mem>>)
    tpu.wait_dma2 semaphore(%arg19 : memref<!tpu.dma_semaphore, #tpu.memory_space<semaphore_mem>>) src(%arg6 : memref<1024x16xf32, #tpu.memory_space<hbm>>) dst(%arg12 : memref<1024x16xf32, #tpu.memory_space<vmem>>)
    %dma_start3A_52 = arith.constant 2 : i32
    %dma_start3A_53 = arith.constant 0 : i32
    %dma_start3A_54 = tpu.memref_slice %arg9[%dma_start3A_52, %dma_start3A_53] : memref<10x1024xi32, #tpu.memory_space<vmem>> -> memref<1x1024xi32, #tpu.memory_space<vmem>>
    %dma_start3A_55 = tpu.memref_squeeze %dma_start3A_54 : memref<1x1024xi32, #tpu.memory_space<vmem>> -> memref<1024xi32, #tpu.memory_space<vmem>>
    %dma_start3A_56 = arith.constant 0 : i32
    %dma_start3A_57 = arith.constant 0 : i32
    %dma_start3A_58 = tpu.memref_slice %arg15[%dma_start3A_56, %dma_start3A_57] : memref<10240x16xf32, #tpu.memory_space<vmem_shared>> -> memref<10240x16xf32, #tpu.memory_space<vmem_shared>>
    tpu.enqueue_indirect_dma source(%arg12 : memref<1024x16xf32, #tpu.memory_space<vmem>>) target(%dma_start3A_58 : memref<10240x16xf32, #tpu.memory_space<vmem_shared>>) offsets(%dma_start3A_55 : memref<1024xi32, #tpu.memory_space<vmem>>) semaphore(%arg23 : memref<!tpu.dma_semaphore, #tpu.memory_space<semaphore_mem>>) {add = true}
    tpu.wait_dma2 semaphore(%arg21 : memref<!tpu.dma_semaphore, #tpu.memory_space<semaphore_mem>>) src(%arg6 : memref<1024x16xf32, #tpu.memory_space<hbm>>) dst(%arg10 : memref<1024x16xf32, #tpu.memory_space<vmem>>)
    %dma_start3A_59 = arith.constant 4 : i32
    %dma_start3A_60 = arith.constant 0 : i32
    %dma_start3A_61 = tpu.memref_slice %arg8[%dma_start3A_59, %dma_start3A_60] : memref<10x1024xi32, #tpu.memory_space<vmem>> -> memref<1x1024xi32, #tpu.memory_space<vmem>>
    %dma_start3A_62 = tpu.memref_squeeze %dma_start3A_61 : memref<1x1024xi32, #tpu.memory_space<vmem>> -> memref<1024xi32, #tpu.memory_space<vmem>>
    %dma_start3A_63 = arith.constant 0 : i32
    %dma_start3A_64 = arith.constant 0 : i32
    %dma_start3A_65 = tpu.memref_slice %arg16[%dma_start3A_63, %dma_start3A_64] : memref<10240x16xf32, #tpu.memory_space<vmem_shared>> -> memref<10240x16xf32, #tpu.memory_space<vmem_shared>>
    tpu.enqueue_indirect_dma source(%dma_start3A_65 : memref<10240x16xf32, #tpu.memory_space<vmem_shared>>) target(%arg10 : memref<1024x16xf32, #tpu.memory_space<vmem>>) offsets(%dma_start3A_62 : memref<1024xi32, #tpu.memory_space<vmem>>) semaphore(%arg17 : memref<!tpu.dma_semaphore, #tpu.memory_space<semaphore_mem>>)
    tpu.wait_dma2 semaphore(%arg20 : memref<!tpu.dma_semaphore, #tpu.memory_space<semaphore_mem>>) src(%arg6 : memref<1024x16xf32, #tpu.memory_space<hbm>>) dst(%arg13 : memref<1024x16xf32, #tpu.memory_space<vmem>>)
    %dma_start3A_66 = arith.constant 3 : i32
    %dma_start3A_67 = arith.constant 0 : i32
    %dma_start3A_68 = tpu.memref_slice %arg9[%dma_start3A_66, %dma_start3A_67] : memref<10x1024xi32, #tpu.memory_space<vmem>> -> memref<1x1024xi32, #tpu.memory_space<vmem>>
    %dma_start3A_69 = tpu.memref_squeeze %dma_start3A_68 : memref<1x1024xi32, #tpu.memory_space<vmem>> -> memref<1024xi32, #tpu.memory_space<vmem>>
    %dma_start3A_70 = arith.constant 0 : i32
    %dma_start3A_71 = arith.constant 0 : i32
    %dma_start3A_72 = tpu.memref_slice %arg15[%dma_start3A_70, %dma_start3A_71] : memref<10240x16xf32, #tpu.memory_space<vmem_shared>> -> memref<10240x16xf32, #tpu.memory_space<vmem_shared>>
    tpu.enqueue_indirect_dma source(%arg13 : memref<1024x16xf32, #tpu.memory_space<vmem>>) target(%dma_start3A_72 : memref<10240x16xf32, #tpu.memory_space<vmem_shared>>) offsets(%dma_start3A_69 : memref<1024xi32, #tpu.memory_space<vmem>>) semaphore(%arg24 : memref<!tpu.dma_semaphore, #tpu.memory_space<semaphore_mem>>) {add = true}
    tpu.wait_dma2 semaphore(%arg22 : memref<!tpu.dma_semaphore, #tpu.memory_space<semaphore_mem>>) src(%arg6 : memref<1024x16xf32, #tpu.memory_space<hbm>>) dst(%arg11 : memref<1024x16xf32, #tpu.memory_space<vmem>>)
    %dma_start3A_73 = arith.constant 5 : i32
    %dma_start3A_74 = arith.constant 0 : i32
    %dma_start3A_75 = tpu.memref_slice %arg8[%dma_start3A_73, %dma_start3A_74] : memref<10x1024xi32, #tpu.memory_space<vmem>> -> memref<1x1024xi32, #tpu.memory_space<vmem>>
    %dma_start3A_76 = tpu.memref_squeeze %dma_start3A_75 : memref<1x1024xi32, #tpu.memory_space<vmem>> -> memref<1024xi32, #tpu.memory_space<vmem>>
    %dma_start3A_77 = arith.constant 0 : i32
    %dma_start3A_78 = arith.constant 0 : i32
    %dma_start3A_79 = tpu.memref_slice %arg16[%dma_start3A_77, %dma_start3A_78] : memref<10240x16xf32, #tpu.memory_space<vmem_shared>> -> memref<10240x16xf32, #tpu.memory_space<vmem_shared>>
    tpu.enqueue_indirect_dma source(%dma_start3A_79 : memref<10240x16xf32, #tpu.memory_space<vmem_shared>>) target(%arg11 : memref<1024x16xf32, #tpu.memory_space<vmem>>) offsets(%dma_start3A_76 : memref<1024xi32, #tpu.memory_space<vmem>>) semaphore(%arg18 : memref<!tpu.dma_semaphore, #tpu.memory_space<semaphore_mem>>)
    tpu.wait_dma2 semaphore(%arg17 : memref<!tpu.dma_semaphore, #tpu.memory_space<semaphore_mem>>) src(%arg6 : memref<1024x16xf32, #tpu.memory_space<hbm>>) dst(%arg10 : memref<1024x16xf32, #tpu.memory_space<vmem>>)
    %dma_start3A_80 = arith.constant 4 : i32
    %dma_start3A_81 = arith.constant 0 : i32
    %dma_start3A_82 = tpu.memref_slice %arg9[%dma_start3A_80, %dma_start3A_81] : memref<10x1024xi32, #tpu.memory_space<vmem>> -> memref<1x1024xi32, #tpu.memory_space<vmem>>
    %dma_start3A_83 = tpu.memref_squeeze %dma_start3A_82 : memref<1x1024xi32, #tpu.memory_space<vmem>> -> memref<1024xi32, #tpu.memory_space<vmem>>
    %dma_start3A_84 = arith.constant 0 : i32
    %dma_start3A_85 = arith.constant 0 : i32
    %dma_start3A_86 = tpu.memref_slice %arg15[%dma_start3A_84, %dma_start3A_85] : memref<10240x16xf32, #tpu.memory_space<vmem_shared>> -> memref<10240x16xf32, #tpu.memory_space<vmem_shared>>
    tpu.enqueue_indirect_dma source(%arg10 : memref<1024x16xf32, #tpu.memory_space<vmem>>) target(%dma_start3A_86 : memref<10240x16xf32, #tpu.memory_space<vmem_shared>>) offsets(%dma_start3A_83 : memref<1024xi32, #tpu.memory_space<vmem>>) semaphore(%arg21 : memref<!tpu.dma_semaphore, #tpu.memory_space<semaphore_mem>>) {add = true}
    tpu.wait_dma2 semaphore(%arg23 : memref<!tpu.dma_semaphore, #tpu.memory_space<semaphore_mem>>) src(%arg6 : memref<1024x16xf32, #tpu.memory_space<hbm>>) dst(%arg12 : memref<1024x16xf32, #tpu.memory_space<vmem>>)
    %dma_start3A_87 = arith.constant 6 : i32
    %dma_start3A_88 = arith.constant 0 : i32
    %dma_start3A_89 = tpu.memref_slice %arg8[%dma_start3A_87, %dma_start3A_88] : memref<10x1024xi32, #tpu.memory_space<vmem>> -> memref<1x1024xi32, #tpu.memory_space<vmem>>
    %dma_start3A_90 = tpu.memref_squeeze %dma_start3A_89 : memref<1x1024xi32, #tpu.memory_space<vmem>> -> memref<1024xi32, #tpu.memory_space<vmem>>
    %dma_start3A_91 = arith.constant 0 : i32
    %dma_start3A_92 = arith.constant 0 : i32
    %dma_start3A_93 = tpu.memref_slice %arg16[%dma_start3A_91, %dma_start3A_92] : memref<10240x16xf32, #tpu.memory_space<vmem_shared>> -> memref<10240x16xf32, #tpu.memory_space<vmem_shared>>
    tpu.enqueue_indirect_dma source(%dma_start3A_93 : memref<10240x16xf32, #tpu.memory_space<vmem_shared>>) target(%arg12 : memref<1024x16xf32, #tpu.memory_space<vmem>>) offsets(%dma_start3A_90 : memref<1024xi32, #tpu.memory_space<vmem>>) semaphore(%arg19 : memref<!tpu.dma_semaphore, #tpu.memory_space<semaphore_mem>>)
    tpu.wait_dma2 semaphore(%arg18 : memref<!tpu.dma_semaphore, #tpu.memory_space<semaphore_mem>>) src(%arg6 : memref<1024x16xf32, #tpu.memory_space<hbm>>) dst(%arg11 : memref<1024x16xf32, #tpu.memory_space<vmem>>)
    %dma_start3A_94 = arith.constant 5 : i32
    %dma_start3A_95 = arith.constant 0 : i32
    %dma_start3A_96 = tpu.memref_slice %arg9[%dma_start3A_94, %dma_start3A_95] : memref<10x1024xi32, #tpu.memory_space<vmem>> -> memref<1x1024xi32, #tpu.memory_space<vmem>>
    %dma_start3A_97 = tpu.memref_squeeze %dma_start3A_96 : memref<1x1024xi32, #tpu.memory_space<vmem>> -> memref<1024xi32, #tpu.memory_space<vmem>>
    %dma_start3A_98 = arith.constant 0 : i32
    %dma_start3A_99 = arith.constant 0 : i32
    %dma_start3A_100 = tpu.memref_slice %arg15[%dma_start3A_98, %dma_start3A_99] : memref<10240x16xf32, #tpu.memory_space<vmem_shared>> -> memref<10240x16xf32, #tpu.memory_space<vmem_shared>>
    tpu.enqueue_indirect_dma source(%arg11 : memref<1024x16xf32, #tpu.memory_space<vmem>>) target(%dma_start3A_100 : memref<10240x16xf32, #tpu.memory_space<vmem_shared>>) offsets(%dma_start3A_97 : memref<1024xi32, #tpu.memory_space<vmem>>) semaphore(%arg22 : memref<!tpu.dma_semaphore, #tpu.memory_space<semaphore_mem>>) {add = true}
    tpu.wait_dma2 semaphore(%arg24 : memref<!tpu.dma_semaphore, #tpu.memory_space<semaphore_mem>>) src(%arg6 : memref<1024x16xf32, #tpu.memory_space<hbm>>) dst(%arg13 : memref<1024x16xf32, #tpu.memory_space<vmem>>)
    %dma_start3A_101 = arith.constant 7 : i32
    %dma_start3A_102 = arith.constant 0 : i32
    %dma_start3A_103 = tpu.memref_slice %arg8[%dma_start3A_101, %dma_start3A_102] : memref<10x1024xi32, #tpu.memory_space<vmem>> -> memref<1x1024xi32, #tpu.memory_space<vmem>>
    %dma_start3A_104 = tpu.memref_squeeze %dma_start3A_103 : memref<1x1024xi32, #tpu.memory_space<vmem>> -> memref<1024xi32, #tpu.memory_space<vmem>>
    %dma_start3A_105 = arith.constant 0 : i32
    %dma_start3A_106 = arith.constant 0 : i32
    %dma_start3A_107 = tpu.memref_slice %arg16[%dma_start3A_105, %dma_start3A_106] : memref<10240x16xf32, #tpu.memory_space<vmem_shared>> -> memref<10240x16xf32, #tpu.memory_space<vmem_shared>>
    tpu.enqueue_indirect_dma source(%dma_start3A_107 : memref<10240x16xf32, #tpu.memory_space<vmem_shared>>) target(%arg13 : memref<1024x16xf32, #tpu.memory_space<vmem>>) offsets(%dma_start3A_104 : memref<1024xi32, #tpu.memory_space<vmem>>) semaphore(%arg20 : memref<!tpu.dma_semaphore, #tpu.memory_space<semaphore_mem>>)
    tpu.wait_dma2 semaphore(%arg19 : memref<!tpu.dma_semaphore, #tpu.memory_space<semaphore_mem>>) src(%arg6 : memref<1024x16xf32, #tpu.memory_space<hbm>>) dst(%arg12 : memref<1024x16xf32, #tpu.memory_space<vmem>>)
    %dma_start3A_108 = arith.constant 6 : i32
    %dma_start3A_109 = arith.constant 0 : i32
    %dma_start3A_110 = tpu.memref_slice %arg9[%dma_start3A_108, %dma_start3A_109] : memref<10x1024xi32, #tpu.memory_space<vmem>> -> memref<1x1024xi32, #tpu.memory_space<vmem>>
    %dma_start3A_111 = tpu.memref_squeeze %dma_start3A_110 : memref<1x1024xi32, #tpu.memory_space<vmem>> -> memref<1024xi32, #tpu.memory_space<vmem>>
    %dma_start3A_112 = arith.constant 0 : i32
    %dma_start3A_113 = arith.constant 0 : i32
    %dma_start3A_114 = tpu.memref_slice %arg15[%dma_start3A_112, %dma_start3A_113] : memref<10240x16xf32, #tpu.memory_space<vmem_shared>> -> memref<10240x16xf32, #tpu.memory_space<vmem_shared>>
    tpu.enqueue_indirect_dma source(%arg12 : memref<1024x16xf32, #tpu.memory_space<vmem>>) target(%dma_start3A_114 : memref<10240x16xf32, #tpu.memory_space<vmem_shared>>) offsets(%dma_start3A_111 : memref<1024xi32, #tpu.memory_space<vmem>>) semaphore(%arg23 : memref<!tpu.dma_semaphore, #tpu.memory_space<semaphore_mem>>) {add = true}
    tpu.wait_dma2 semaphore(%arg21 : memref<!tpu.dma_semaphore, #tpu.memory_space<semaphore_mem>>) src(%arg6 : memref<1024x16xf32, #tpu.memory_space<hbm>>) dst(%arg10 : memref<1024x16xf32, #tpu.memory_space<vmem>>)
    %dma_start3A_115 = arith.constant 8 : i32
    %dma_start3A_116 = arith.constant 0 : i32
    %dma_start3A_117 = tpu.memref_slice %arg8[%dma_start3A_115, %dma_start3A_116] : memref<10x1024xi32, #tpu.memory_space<vmem>> -> memref<1x1024xi32, #tpu.memory_space<vmem>>
    %dma_start3A_118 = tpu.memref_squeeze %dma_start3A_117 : memref<1x1024xi32, #tpu.memory_space<vmem>> -> memref<1024xi32, #tpu.memory_space<vmem>>
    %dma_start3A_119 = arith.constant 0 : i32
    %dma_start3A_120 = arith.constant 0 : i32
    %dma_start3A_121 = tpu.memref_slice %arg16[%dma_start3A_119, %dma_start3A_120] : memref<10240x16xf32, #tpu.memory_space<vmem_shared>> -> memref<10240x16xf32, #tpu.memory_space<vmem_shared>>
    tpu.enqueue_indirect_dma source(%dma_start3A_121 : memref<10240x16xf32, #tpu.memory_space<vmem_shared>>) target(%arg10 : memref<1024x16xf32, #tpu.memory_space<vmem>>) offsets(%dma_start3A_118 : memref<1024xi32, #tpu.memory_space<vmem>>) semaphore(%arg17 : memref<!tpu.dma_semaphore, #tpu.memory_space<semaphore_mem>>)
    tpu.wait_dma2 semaphore(%arg20 : memref<!tpu.dma_semaphore, #tpu.memory_space<semaphore_mem>>) src(%arg6 : memref<1024x16xf32, #tpu.memory_space<hbm>>) dst(%arg13 : memref<1024x16xf32, #tpu.memory_space<vmem>>)
    %dma_start3A_122 = arith.constant 7 : i32
    %dma_start3A_123 = arith.constant 0 : i32
    %dma_start3A_124 = tpu.memref_slice %arg9[%dma_start3A_122, %dma_start3A_123] : memref<10x1024xi32, #tpu.memory_space<vmem>> -> memref<1x1024xi32, #tpu.memory_space<vmem>>
    %dma_start3A_125 = tpu.memref_squeeze %dma_start3A_124 : memref<1x1024xi32, #tpu.memory_space<vmem>> -> memref<1024xi32, #tpu.memory_space<vmem>>
    %dma_start3A_126 = arith.constant 0 : i32
    %dma_start3A_127 = arith.constant 0 : i32
    %dma_start3A_128 = tpu.memref_slice %arg15[%dma_start3A_126, %dma_start3A_127] : memref<10240x16xf32, #tpu.memory_space<vmem_shared>> -> memref<10240x16xf32, #tpu.memory_space<vmem_shared>>
    tpu.enqueue_indirect_dma source(%arg13 : memref<1024x16xf32, #tpu.memory_space<vmem>>) target(%dma_start3A_128 : memref<10240x16xf32, #tpu.memory_space<vmem_shared>>) offsets(%dma_start3A_125 : memref<1024xi32, #tpu.memory_space<vmem>>) semaphore(%arg24 : memref<!tpu.dma_semaphore, #tpu.memory_space<semaphore_mem>>) {add = true}
    tpu.wait_dma2 semaphore(%arg22 : memref<!tpu.dma_semaphore, #tpu.memory_space<semaphore_mem>>) src(%arg6 : memref<1024x16xf32, #tpu.memory_space<hbm>>) dst(%arg11 : memref<1024x16xf32, #tpu.memory_space<vmem>>)
    %dma_start3A_129 = arith.constant 9 : i32
    %dma_start3A_130 = arith.constant 0 : i32
    %dma_start3A_131 = tpu.memref_slice %arg8[%dma_start3A_129, %dma_start3A_130] : memref<10x1024xi32, #tpu.memory_space<vmem>> -> memref<1x1024xi32, #tpu.memory_space<vmem>>
    %dma_start3A_132 = tpu.memref_squeeze %dma_start3A_131 : memref<1x1024xi32, #tpu.memory_space<vmem>> -> memref<1024xi32, #tpu.memory_space<vmem>>
    %dma_start3A_133 = arith.constant 0 : i32
    %dma_start3A_134 = arith.constant 0 : i32
    %dma_start3A_135 = tpu.memref_slice %arg16[%dma_start3A_133, %dma_start3A_134] : memref<10240x16xf32, #tpu.memory_space<vmem_shared>> -> memref<10240x16xf32, #tpu.memory_space<vmem_shared>>
    tpu.enqueue_indirect_dma source(%dma_start3A_135 : memref<10240x16xf32, #tpu.memory_space<vmem_shared>>) target(%arg11 : memref<1024x16xf32, #tpu.memory_space<vmem>>) offsets(%dma_start3A_132 : memref<1024xi32, #tpu.memory_space<vmem>>) semaphore(%arg18 : memref<!tpu.dma_semaphore, #tpu.memory_space<semaphore_mem>>)
    tpu.wait_dma2 semaphore(%arg17 : memref<!tpu.dma_semaphore, #tpu.memory_space<semaphore_mem>>) src(%arg6 : memref<1024x16xf32, #tpu.memory_space<hbm>>) dst(%arg10 : memref<1024x16xf32, #tpu.memory_space<vmem>>)
    %dma_start3A_136 = arith.constant 8 : i32
    %dma_start3A_137 = arith.constant 0 : i32
    %dma_start3A_138 = tpu.memref_slice %arg9[%dma_start3A_136, %dma_start3A_137] : memref<10x1024xi32, #tpu.memory_space<vmem>> -> memref<1x1024xi32, #tpu.memory_space<vmem>>
    %dma_start3A_139 = tpu.memref_squeeze %dma_start3A_138 : memref<1x1024xi32, #tpu.memory_space<vmem>> -> memref<1024xi32, #tpu.memory_space<vmem>>
    %dma_start3A_140 = arith.constant 0 : i32
    %dma_start3A_141 = arith.constant 0 : i32
    %dma_start3A_142 = tpu.memref_slice %arg15[%dma_start3A_140, %dma_start3A_141] : memref<10240x16xf32, #tpu.memory_space<vmem_shared>> -> memref<10240x16xf32, #tpu.memory_space<vmem_shared>>
    tpu.enqueue_indirect_dma source(%arg10 : memref<1024x16xf32, #tpu.memory_space<vmem>>) target(%dma_start3A_142 : memref<10240x16xf32, #tpu.memory_space<vmem_shared>>) offsets(%dma_start3A_139 : memref<1024xi32, #tpu.memory_space<vmem>>) semaphore(%arg21 : memref<!tpu.dma_semaphore, #tpu.memory_space<semaphore_mem>>) {add = true}
    tpu.wait_dma2 semaphore(%arg18 : memref<!tpu.dma_semaphore, #tpu.memory_space<semaphore_mem>>) src(%arg6 : memref<1024x16xf32, #tpu.memory_space<hbm>>) dst(%arg11 : memref<1024x16xf32, #tpu.memory_space<vmem>>)
    %dma_start3A_143 = arith.constant 9 : i32
    %dma_start3A_144 = arith.constant 0 : i32
    %dma_start3A_145 = tpu.memref_slice %arg9[%dma_start3A_143, %dma_start3A_144] : memref<10x1024xi32, #tpu.memory_space<vmem>> -> memref<1x1024xi32, #tpu.memory_space<vmem>>
    %dma_start3A_146 = tpu.memref_squeeze %dma_start3A_145 : memref<1x1024xi32, #tpu.memory_space<vmem>> -> memref<1024xi32, #tpu.memory_space<vmem>>
    %dma_start3A_147 = arith.constant 0 : i32
    %dma_start3A_148 = arith.constant 0 : i32
    %dma_start3A_149 = tpu.memref_slice %arg15[%dma_start3A_147, %dma_start3A_148] : memref<10240x16xf32, #tpu.memory_space<vmem_shared>> -> memref<10240x16xf32, #tpu.memory_space<vmem_shared>>
    tpu.enqueue_indirect_dma source(%arg11 : memref<1024x16xf32, #tpu.memory_space<vmem>>) target(%dma_start3A_149 : memref<10240x16xf32, #tpu.memory_space<vmem_shared>>) offsets(%dma_start3A_146 : memref<1024xi32, #tpu.memory_space<vmem>>) semaphore(%arg22 : memref<!tpu.dma_semaphore, #tpu.memory_space<semaphore_mem>>) {add = true}
    tpu.wait_dma2 semaphore(%arg23 : memref<!tpu.dma_semaphore, #tpu.memory_space<semaphore_mem>>) src(%arg6 : memref<1024x16xf32, #tpu.memory_space<hbm>>) dst(%arg12 : memref<1024x16xf32, #tpu.memory_space<vmem>>)
    tpu.wait_dma2 semaphore(%arg24 : memref<!tpu.dma_semaphore, #tpu.memory_space<semaphore_mem>>) src(%arg6 : memref<1024x16xf32, #tpu.memory_space<hbm>>) dst(%arg13 : memref<1024x16xf32, #tpu.memory_space<vmem>>)
    tpu.wait_dma2 semaphore(%arg21 : memref<!tpu.dma_semaphore, #tpu.memory_space<semaphore_mem>>) src(%arg6 : memref<1024x16xf32, #tpu.memory_space<hbm>>) dst(%arg10 : memref<1024x16xf32, #tpu.memory_space<vmem>>)
    tpu.wait_dma2 semaphore(%arg22 : memref<!tpu.dma_semaphore, #tpu.memory_space<semaphore_mem>>) src(%arg6 : memref<1024x16xf32, #tpu.memory_space<hbm>>) dst(%arg11 : memref<1024x16xf32, #tpu.memory_space<vmem>>)
    %barrier3A_150 = arith.constant 0 : index
    tpu.barrier barrier_id(%barrier3A_150)
    %mul3A_151 = arith.constant 640 : i32
    %mul3A_152 = arith.muli %arg1, %mul3A_151 : i32
    "tpu.region"() ({
      %run_scoped3A = tpu.sem_alloc : memref<!tpu.dma_semaphore, #tpu.memory_space<semaphore_mem>>
      %dma_start3A_158 = arith.constant 0 : i32
      %dma_start3A_159 = tpu.memref_slice %arg15[%mul3A_152, %dma_start3A_158] : memref<10240x16xf32, #tpu.memory_space<vmem_shared>> -> memref<640x16xf32, #tpu.memory_space<vmem_shared>>
      %dma_start3A_160 = arith.constant 0 : i32
      %dma_start3A_161 = tpu.memref_slice %arg15[%mul3A_152, %dma_start3A_160] : memref<10240x16xf32, #tpu.memory_space<vmem_shared>> -> memref<640x16xf32, #tpu.memory_space<vmem_shared>>
      tpu.enqueue_dma source(%dma_start3A_161 : memref<640x16xf32, #tpu.memory_space<vmem_shared>>) target(%arg14 : memref<640x16xf32, #tpu.memory_space<vmem>>) target_semaphore(%run_scoped3A : memref<!tpu.dma_semaphore, #tpu.memory_space<semaphore_mem>>)
      %dma_wait3A = arith.constant 0 : i32
      %dma_wait3A_162 = tpu.memref_slice %arg15[%mul3A_152, %dma_wait3A] : memref<10240x16xf32, #tpu.memory_space<vmem_shared>> -> memref<640x16xf32, #tpu.memory_space<vmem_shared>>
      %dma_wait3A_163 = arith.constant 0 : i32
      %dma_wait3A_164 = tpu.memref_slice %arg15[%mul3A_152, %dma_wait3A_163] : memref<10240x16xf32, #tpu.memory_space<vmem_shared>> -> memref<640x16xf32, #tpu.memory_space<vmem_shared>>
      tpu.wait_dma2 semaphore(%run_scoped3A : memref<!tpu.dma_semaphore, #tpu.memory_space<semaphore_mem>>) src(%dma_wait3A_164 : memref<640x16xf32, #tpu.memory_space<vmem_shared>>) dst(%arg14 : memref<640x16xf32, #tpu.memory_space<vmem>>)
      tpu.yield
    }) : () -> ()
    %mul3A_153 = arith.constant 10240 : i32
    %mul3A_154 = arith.muli %arg0, %mul3A_153 : i32
    %mul3A_155 = arith.constant 640 : i32
    %mul3A_156 = arith.muli %arg1, %mul3A_155 : i32
    %add3A_157 = arith.addi %mul3A_154, %mul3A_156 : i32
    "tpu.region"() ({
      %run_scoped3A = tpu.sem_alloc : memref<!tpu.dma_semaphore, #tpu.memory_space<semaphore_mem>>
      %dma_start3A_158 = arith.constant 0 : i32
      %dma_start3A_159 = tpu.memref_slice %arg7[%add3A_157, %dma_start3A_158] : memref<20480x16xf32, #tpu.memory_space<hbm>> -> memref<640x16xf32, #tpu.memory_space<hbm>>
      %dma_start3A_160 = arith.constant 0 : i32
      %dma_start3A_161 = tpu.memref_slice %arg7[%add3A_157, %dma_start3A_160] : memref<20480x16xf32, #tpu.memory_space<hbm>> -> memref<640x16xf32, #tpu.memory_space<hbm>>
      tpu.enqueue_dma source(%arg14 : memref<640x16xf32, #tpu.memory_space<vmem>>) target(%dma_start3A_161 : memref<640x16xf32, #tpu.memory_space<hbm>>) target_semaphore(%run_scoped3A : memref<!tpu.dma_semaphore, #tpu.memory_space<semaphore_mem>>)
      %dma_wait3A = arith.constant 0 : i32
      %dma_wait3A_162 = tpu.memref_slice %arg7[%add3A_157, %dma_wait3A] : memref<20480x16xf32, #tpu.memory_space<hbm>> -> memref<640x16xf32, #tpu.memory_space<hbm>>
      %dma_wait3A_163 = arith.constant 0 : i32
      %dma_wait3A_164 = tpu.memref_slice %arg7[%add3A_157, %dma_wait3A_163] : memref<20480x16xf32, #tpu.memory_space<hbm>> -> memref<640x16xf32, #tpu.memory_space<hbm>>
      tpu.wait_dma2 semaphore(%run_scoped3A : memref<!tpu.dma_semaphore, #tpu.memory_space<semaphore_mem>>) src(%arg14 : memref<640x16xf32, #tpu.memory_space<vmem>>) dst(%dma_wait3A_164 : memref<640x16xf32, #tpu.memory_space<hbm>>)
      tpu.yield
    }) : () -> ()
    return
  }
}

module attributes {stable_mosaic.version = 14 : i64} {
  func.func @_tc1a_body(%arg0: memref<1280x1024xf32, #tpu.memory_space<vmem>>, %arg1: memref<1024x128xf32, #tpu.memory_space<vmem>>, %arg2: memref<1280x128xf32, #tpu.memory_space<vmem>>) attributes {dimension_semantics = [], scalar_prefetch = 0 : i64, scratch_operands = 0 : i64, tpu.core_type = #tpu.core_type<tc>} {
    %get3A = arith.constant 0 : index
    %get3A_0 = arith.constant 0 : index
    %get3A_1 = vector.load %arg0[%get3A, %get3A_0] : memref<1280x1024xf32, #tpu.memory_space<vmem>>, vector<1280x1024xf32>
    %get3A_2 = arith.constant 0 : index
    %get3A_3 = arith.constant 0 : index
    %get3A_4 = vector.load %arg1[%get3A_2, %get3A_3] : memref<1024x128xf32, #tpu.memory_space<vmem>>, vector<1024x128xf32>
    %dot_general3A = arith.constant dense<0.000000e+00> : vector<1280x128xf32>
    %dot_general3A_5 = tpu.matmul %get3A_1, %get3A_4, %dot_general3A {dimension_numbers = #tpu.dot_dimension_numbers<[1], [0], [0], [1], [0, 0, 1, 1], [], []>, transpose_lhs_hint = false} : vector<1280x1024xf32>, vector<1024x128xf32>, vector<1280x128xf32> -> vector<1280x128xf32>
    %swap3A = arith.constant 0 : index
    %swap3A_6 = arith.constant 0 : index
    %swap3A_7 = vector.load %arg2[%swap3A, %swap3A_6] : memref<1280x128xf32, #tpu.memory_space<vmem>>, vector<1280x128xf32>
    tpu.vector_store %arg2[%swap3A, %swap3A_6], %dot_general3A_5 {strides = array<i32>} : memref<1280x128xf32, #tpu.memory_space<vmem>>, vector<1280x128xf32>,
    return
  }
}

module attributes {stable_mosaic.version = 14 : i64} {
  func.func @_tc1b_body(%arg0: memref<1280x128xf32, #tpu.memory_space<vmem>>, %arg1: memref<2560x128xf32, #tpu.memory_space<vmem>>, %arg2: memref<1280x128xf32, #tpu.memory_space<vmem>>, %arg3: memref<1280x128xf32, #tpu.memory_space<vmem>>) attributes {dimension_semantics = [], scalar_prefetch = 0 : i64, scratch_operands = 0 : i64, tpu.core_type = #tpu.core_type<tc>} {
    %get3A = arith.constant 0 : index
    %get3A_0 = arith.constant 0 : index
    %get3A_1 = vector.load %arg1[%get3A, %get3A_0] : memref<2560x128xf32, #tpu.memory_space<vmem>>, vector<1280x128xf32>
    %get3A_2 = arith.constant 1280 : index
    %get3A_3 = arith.constant 0 : index
    %get3A_4 = vector.load %arg1[%get3A_2, %get3A_3] : memref<2560x128xf32, #tpu.memory_space<vmem>>, vector<1280x128xf32>
    %add3A = arith.addf %get3A_1, %get3A_4 : vector<1280x128xf32>
    %add3A_5 = arith.constant 1.000000e+00 : f32
    %add3A_6 = vector.broadcast %add3A_5 : f32 to vector<1280x128xf32>
    %add3A_7 = arith.addf %add3A, %add3A_6 : vector<1280x128xf32>
    %rsqrt3A = math.rsqrt %add3A_7 : vector<1280x128xf32>
    %get3A_8 = arith.constant 0 : index
    %get3A_9 = arith.constant 0 : index
    %get3A_10 = vector.load %arg0[%get3A_8, %get3A_9] : memref<1280x128xf32, #tpu.memory_space<vmem>>, vector<1280x128xf32>
    %mul3A = arith.mulf %get3A_10, %rsqrt3A : vector<1280x128xf32>
    %swap3A = arith.constant 0 : index
    %swap3A_11 = arith.constant 0 : index
    %swap3A_12 = vector.load %arg2[%swap3A, %swap3A_11] : memref<1280x128xf32, #tpu.memory_space<vmem>>, vector<1280x128xf32>
    tpu.vector_store %arg2[%swap3A, %swap3A_11], %mul3A {strides = array<i32>} : memref<1280x128xf32, #tpu.memory_space<vmem>>, vector<1280x128xf32>,
    %swap3A_13 = arith.constant 0 : index
    %swap3A_14 = arith.constant 0 : index
    %swap3A_15 = vector.load %arg3[%swap3A_13, %swap3A_14] : memref<1280x128xf32, #tpu.memory_space<vmem>>, vector<1280x128xf32>
    tpu.vector_store %arg3[%swap3A_13, %swap3A_14], %rsqrt3A {strides = array<i32>} : memref<1280x128xf32, #tpu.memory_space<vmem>>, vector<1280x128xf32>,
    return
  }
}

module attributes {stable_mosaic.version = 14 : i64} {
  func.func @_tc2_body(%arg0: memref<2560x128xf32, #tpu.memory_space<vmem>>, %arg1: memref<1280x128xf32, #tpu.memory_space<vmem>>, %arg2: memref<1280x128xf32, #tpu.memory_space<vmem>>, %arg3: memref<1x128xf32, #tpu.memory_space<vmem>>, %arg4: memref<128x128xf32, #tpu.memory_space<vmem>>, %arg5: memref<1280x128xf32, #tpu.memory_space<vmem>>) attributes {dimension_semantics = [], scalar_prefetch = 0 : i64, scratch_operands = 0 : i64, tpu.core_type = #tpu.core_type<tc>} {
    %get3A = arith.constant 0 : index
    %get3A_0 = arith.constant 0 : index
    %get3A_1 = vector.load %arg0[%get3A, %get3A_0] : memref<2560x128xf32, #tpu.memory_space<vmem>>, vector<1280x128xf32>
    %get3A_2 = arith.constant 1280 : index
    %get3A_3 = arith.constant 0 : index
    %get3A_4 = vector.load %arg0[%get3A_2, %get3A_3] : memref<2560x128xf32, #tpu.memory_space<vmem>>, vector<1280x128xf32>
    %add3A = arith.addf %get3A_1, %get3A_4 : vector<1280x128xf32>
    %get3A_5 = arith.constant 0 : index
    %get3A_6 = arith.constant 0 : index
    %get3A_7 = vector.load %arg1[%get3A_5, %get3A_6] : memref<1280x128xf32, #tpu.memory_space<vmem>>, vector<1280x128xf32>
    %add3A_8 = arith.addf %add3A, %get3A_7 : vector<1280x128xf32>
    %get3A_9 = arith.constant 0 : index
    %get3A_10 = arith.constant 0 : index
    %get3A_11 = vector.load %arg2[%get3A_9, %get3A_10] : memref<1280x128xf32, #tpu.memory_space<vmem>>, vector<1280x128xf32>
    %mul3A = arith.mulf %get3A_11, %add3A_8 : vector<1280x128xf32>
    %get3A_12 = arith.constant 0 : index
    %get3A_13 = arith.constant 0 : index
    %get3A_14 = vector.load %arg3[%get3A_12, %get3A_13] : memref<1x128xf32, #tpu.memory_space<vmem>>, vector<1x128xf32>
    %add3A_15 = vector.broadcast %get3A_14 : vector<1x128xf32> to vector<1280x128xf32>
    %add3A_16 = arith.addf %mul3A, %add3A_15 : vector<1280x128xf32>
    %max3A = arith.constant 0.000000e+00 : f32
    %max3A_17 = vector.broadcast %max3A : f32 to vector<1280x128xf32>
    %max3A_18 = arith.maximumf %add3A_16, %max3A_17 : vector<1280x128xf32>
    %get3A_19 = arith.constant 0 : index
    %get3A_20 = arith.constant 0 : index
    %get3A_21 = vector.load %arg4[%get3A_19, %get3A_20] : memref<128x128xf32, #tpu.memory_space<vmem>>, vector<128x128xf32>
    %dot_general3A = arith.constant dense<0.000000e+00> : vector<1280x128xf32>
    %dot_general3A_22 = tpu.matmul %max3A_18, %get3A_21, %dot_general3A {dimension_numbers = #tpu.dot_dimension_numbers<[1], [0], [0], [1], [0, 0, 1, 1], [], []>, transpose_lhs_hint = false} : vector<1280x128xf32>, vector<128x128xf32>, vector<1280x128xf32> -> vector<1280x128xf32>
    %get3A_23 = arith.constant 0 : index
    %get3A_24 = arith.constant 0 : index
    %get3A_25 = vector.load %arg2[%get3A_23, %get3A_24] : memref<1280x128xf32, #tpu.memory_space<vmem>>, vector<1280x128xf32>
    %mul3A_26 = arith.mulf %dot_general3A_22, %get3A_25 : vector<1280x128xf32>
    %swap3A = arith.constant 0 : index
    %swap3A_27 = arith.constant 0 : index
    %swap3A_28 = vector.load %arg5[%swap3A, %swap3A_27] : memref<1280x128xf32, #tpu.memory_space<vmem>>, vector<1280x128xf32>
    tpu.vector_store %arg5[%swap3A, %swap3A_27], %mul3A_26 {strides = array<i32>} : memref<1280x128xf32, #tpu.memory_space<vmem>>, vector<1280x128xf32>,
    return
  }
}

module attributes {stable_mosaic.version = 14 : i64} {
  func.func @_tc3_body(%arg0: memref<2560x128xf32, #tpu.memory_space<vmem>>, %arg1: memref<1280x128xf32, #tpu.memory_space<vmem>>, %arg2: memref<1280x128xf32, #tpu.memory_space<vmem>>, %arg3: memref<1x128xf32, #tpu.memory_space<vmem>>, %arg4: memref<1280x128xf32, #tpu.memory_space<vmem>>) attributes {dimension_semantics = [], scalar_prefetch = 0 : i64, scratch_operands = 0 : i64, tpu.core_type = #tpu.core_type<tc>} {
    %get3A = arith.constant 0 : index
    %get3A_0 = arith.constant 0 : index
    %get3A_1 = vector.load %arg2[%get3A, %get3A_0] : memref<1280x128xf32, #tpu.memory_space<vmem>>, vector<1280x128xf32>
    %get3A_2 = arith.constant 0 : index
    %get3A_3 = arith.constant 0 : index
    %get3A_4 = vector.load %arg0[%get3A_2, %get3A_3] : memref<2560x128xf32, #tpu.memory_space<vmem>>, vector<1280x128xf32>
    %get3A_5 = arith.constant 1280 : index
    %get3A_6 = arith.constant 0 : index
    %get3A_7 = vector.load %arg0[%get3A_5, %get3A_6] : memref<2560x128xf32, #tpu.memory_space<vmem>>, vector<1280x128xf32>
    %add3A = arith.addf %get3A_4, %get3A_7 : vector<1280x128xf32>
    %get3A_8 = arith.constant 0 : index
    %get3A_9 = arith.constant 0 : index
    %get3A_10 = vector.load %arg1[%get3A_8, %get3A_9] : memref<1280x128xf32, #tpu.memory_space<vmem>>, vector<1280x128xf32>
    %add3A_11 = arith.addf %add3A, %get3A_10 : vector<1280x128xf32>
    %mul3A = arith.mulf %get3A_1, %add3A_11 : vector<1280x128xf32>
    %get3A_12 = arith.constant 0 : index
    %get3A_13 = arith.constant 0 : index
    %get3A_14 = vector.load %arg3[%get3A_12, %get3A_13] : memref<1x128xf32, #tpu.memory_space<vmem>>, vector<1x128xf32>
    %add3A_15 = vector.broadcast %get3A_14 : vector<1x128xf32> to vector<1280x128xf32>
    %add3A_16 = arith.addf %mul3A, %add3A_15 : vector<1280x128xf32>
    %swap3A = arith.constant 0 : index
    %swap3A_17 = arith.constant 0 : index
    %swap3A_18 = vector.load %arg4[%swap3A, %swap3A_17] : memref<1280x128xf32, #tpu.memory_space<vmem>>, vector<1280x128xf32>
    tpu.vector_store %arg4[%swap3A, %swap3A_17], %add3A_16 {strides = array<i32>} : memref<1280x128xf32, #tpu.memory_space<vmem>>, vector<1280x128xf32>,
    return
  }
}

</mosaic_0001>

<sc_bundles>
// kernel: gcn_degree.3.cloned.1.call-start
scs
__scs_entry_jumppad:
0x0: {  	(pc) =	sbr.rel $0x88, $3  }
0x1: {  	(tag) =	ssettag $0x0;
	lr =	simm.s32 $0x1  }
0x2: {  	[smem:$0x3F9B] =	sst lr;
	_ =	strace $0xD0000000  }
0x3: {  	_ = 	snop  }
0x4: {  	_ = 	snop  }
0x5: {  	_ = 	snop  }
0x6: {  	_ = 	snop  }
0x7: {  	_ = 	snop  }
__scs_overlays_trampoline_lowered:
0x8: {  	[smem:$0x3FAA] =	sst s0  }
0x9: {  	[smem:$0x3FAB] =	sst s1  }
0xa: {  	[smem:$0x3FAC] =	sst s2  }
0xb: {  	[smem:$0x3FAD] =	sst s3  }
0xc: {  	[smem:$0x3FAE] =	sst s4  }
0xd: {  	[smem:$0x3FAF] =	sst s5  }
0xe: {  	[smem:$0x3FB0] =	sst s6  }
0xf: {  	[smem:$0x3FB1] =	sst s7  }
0x10: {  	[smem:$0x3FB2] =	sst s8  }
0x11: {  	[smem:$0x3FB3] =	sst s9;
	s0 =	simm.s32 @!p0 $0x0  }
0x12: {  	s1 =	sld [smem:$0x3F99];
	s0 =	simm.s32 @p0 $0x1  }
0x13: {  	[smem:$0x3FB4] =	sst s0;
	s0 =	simm.s32 @!p1 $0x0  }
0x14: {  	s2 =	sld [smem:$0x3F98];
	s0 =	simm.s32 @p1 $0x1  }
0x15: {  	[smem:$0x3FB5] =	sst s0;
	s0 =	simm.s32 @!p2 $0x0  }
0x16: {  	s3 =	sld [smem:$0x3FDB];
	s0 =	simm.s32 @p2 $0x1  }
0x17: {  	s4 =	simm.s32 $0x1BF5;
	[smem:$0x3FB7] =	sst s0  }
0x18: {  	s0 =	sld [smem:$0x3F9A];
	_ =	swait.ge [sflag:s4], $0x0  }
0x19: {  	s7 =	sld [smem:$0x3F9B]  }
0x1a: {  	s8 =	sadd.s32 $0xFFFFE003, lr  }
0x1b: {  	s9 =	sadd.s32 $0xFFFFFEF7, lr;
	s5 =	simm.s32 $0xFFFFFFFF;
	p2 =	slt.u32 s8, $0xFFFFF086  }
0x1c: {  	p1 =	slt.u32 s9, $0xF7A;
	s5 =	simm.s32 @!p2 $0x0  }
0x1d: {  	s5 =	simm.s32 @p1 $0x1;
	p0 =	seq.s32 s7, s2  }
0x1e: {  	s7 =	smul.u32 @!p0 $0xF7A, s2;
	p2 =	seq.s32 @!p0 s5, $0x0  }
0x1f: {  	s9 =	smul.u32 $0xF7A, s1;
	s8 =	simm.s32 @!p0 $0x1BF5;
	p2 =	por !p2, p0  }
0x20: {  	[sflag:s8] =	ssyncset.s32 @!p0 $0xFFFFF086;
	s6 =	sadd.s32 @!p0 s3, s7;
	s7 =	simm.s32 @!p0 $0x108  }
0x21: {  	s3 =	sadd.s32 s3, s9;
	s6 =	sadd.s32 @!p0 $0x88, s6;
	s7 =	simm.s32 @p2 $0x1082  }
0x22: {  	[simem:s7], [sflag:s8] =	dma.local @!p0 [hbm:s6], $0xF7A  }
0x23: {  	s9 =	sor.u32 $0xD0000000, s2;
	s6 =	simm.s32 $0x108;
	_ =	swait.ge @!p0 [sflag:s8], $0x0  }
0x24: {  	s3 =	sadd.s32 $0x88, s3;
	s6 =	simm.s32 @!p1 $0x1082;
	[sflag:s4] =	ssyncset.s32 $0xFFFFF086  }
0x25: {  	[simem:s6], [sflag:s4] =	dma.local [hbm:s3], $0xF7A  }
0x26: {  	[smem:$0x3F9B] =	sst s1;
	(tag) =	ssettag s2;
	_ =	strace s9  }
0x27: {  	s1 =	sld [smem:$0x3FAB]  }
0x28: {  	s2 =	sld [smem:$0x3FAC]  }
0x29: {  	s4 =	sld [smem:$0x3FAE]  }
0x2a: {  	p0 =	seq.s32 s5, $0x0;
	s5 =	sld [smem:$0x3FAF]  }
0x2b: {  	s6 =	sld [smem:$0x3FB0]  }
0x2c: {  	s7 =	sld [smem:$0x3FB1]  }
0x2d: {  	s3 =	simm.s32 $0x108;
	s8 =	sld [smem:$0x3FB2]  }
0x2e: {  	s3 =	simm.s32 @!p0 $0x1082;
	s9 =	sld [smem:$0x3FB3]  }
0x2f: {  	lr =	sadd.s32 s0, s3;
	s0 =	sld [smem:$0x3FAA]  }
0x30: {  	s3 =	sld [smem:$0x3FAD]  }
0x31: {  	[smem:$0x3FB6] =	sst s10  }
0x32: {  	s10 =	sld [smem:$0x3FB4];
	_ =	sdelay $0x3  }
0x33: {  	p0 =	seq.s32 s10, $0x1;
	s10 =	sld [smem:$0x3FB6];
	_ =	sdelay $0x3  }
0x34: {  	[smem:$0x3FB6] =	sst s10  }
0x35: {  	s10 =	sld [smem:$0x3FB5];
	_ =	sdelay $0x3  }
0x36: {  	p1 =	seq.s32 s10, $0x1;
	s10 =	sld [smem:$0x3FB6];
	_ =	sdelay $0x3  }
0x37: {  	[smem:$0x3FB6] =	sst s10  }
0x38: {  	s10 =	sld [smem:$0x3FB7]  }
0x39: {  	_ = 	snop;
	(pc) =	sbr.ind lr, $3  }
0x3a: {  	_ = 	snop  }
0x3b: {  	_ = 	snop  }
0x3c: {  	p2 =	seq.s32 s10, $0x1;
	s10 =	sld [smem:$0x3FB6]  }
0x3d: {  	_ =	shalt  }
0x3e: {  	_ =	shalt  }
0x3f: {  	_ =	shalt  }
0x40: {  	_ =	shalt  }
0x41: {  	_ =	shalt  }
0x42: {  	_ =	shalt  }
0x43: {  	_ =	shalt  }
0x44: {  	_ =	shalt  }
0x45: {  	_ =	shalt  }
0x46: {  	_ =	shalt  }
0x47: {  	_ =	shalt  }
0x48: {  	_ =	shalt  }
0x49: {  	_ =	shalt  }
0x4a: {  	_ =	shalt  }
0x4b: {  	_ =	shalt  }
0x4c: {  	_ =	shalt  }
0x4d: {  	_ =	shalt  }
0x4e: {  	_ =	shalt  }
0x4f: {  	_ =	shalt  }
0x50: {  	_ =	shalt  }
0x51: {  	_ =	shalt  }
0x52: {  	_ =	shalt  }
0x53: {  	_ =	shalt  }
0x54: {  	_ =	shalt  }
0x55: {  	_ =	shalt  }
0x56: {  	_ =	shalt  }
0x57: {  	_ =	shalt  }
0x58: {  	_ =	shalt  }
0x59: {  	_ =	shalt  }
0x5a: {  	_ =	shalt  }
0x5b: {  	_ =	shalt  }
0x5c: {  	_ =	shalt  }
0x5d: {  	_ =	shalt  }
0x5e: {  	_ =	shalt  }
0x5f: {  	_ =	shalt  }
0x60: {  	_ =	shalt  }
0x61: {  	_ =	shalt  }
0x62: {  	_ =	shalt  }
0x63: {  	_ =	shalt  }
0x64: {  	_ =	shalt  }
0x65: {  	_ =	shalt  }
0x66: {  	_ =	shalt  }
0x67: {  	_ =	shalt  }
0x68: {  	_ =	shalt  }
0x69: {  	_ =	shalt  }
0x6a: {  	_ =	shalt  }
0x6b: {  	_ =	shalt  }
0x6c: {  	_ =	shalt  }
0x6d: {  	_ =	shalt  }
0x6e: {  	_ =	shalt  }
0x6f: {  	_ =	shalt  }
0x70: {  	_ =	shalt  }
0x71: {  	_ =	shalt  }
0x72: {  	_ =	shalt  }
0x73: {  	_ =	shalt  }
0x74: {  	_ =	shalt  }
0x75: {  	_ =	shalt  }
0x76: {  	_ =	shalt  }
0x77: {  	_ =	shalt  }
0x78: {  	_ =	shalt  }
0x79: {  	_ =	shalt  }
0x7a: {  	_ =	shalt  }
0x7b: {  	_ =	shalt  }
0x7c: {  	_ =	shalt  }
0x7d: {  	_ =	shalt  }
0x7e: {  	_ =	shalt  }
0x7f: {  	_ =	shalt  }
0x80: {  	_ =	shalt  }
0x81: {  	_ =	shalt  }
0x82: {  	_ =	shalt  }
0x83: {  	_ =	shalt  }
0x84: {  	_ =	shalt  }
0x85: {  	_ =	shalt  }
0x86: {  	_ =	shalt  }
0x87: {  	_ =	shalt  }
.Lfunc_end0:
.L_simem_size_0:
called_computation_lowered:
.L_overlay_start_0:
0x88: {  	s2 =	sld [smem:$0x3FD9]  }
0x89: {  	s3 =	sld [smem:$0x3FFE];
	_ =	sdelay $0x1  }
0x8a: {  	s1 =	srdreg.scid  }
0x8b: {  	s0 =	sand.u32 $0x1, s1  }
0x8c: {  	s17 =	sshll.u32 s0, $0xA;
	s2 =	sadd.s32 s3, s2  }
0x8d: {  	s2 =	sadd.s32 s2, s17  }
0x8e: {  	[smem:$0x3FC2] =	sst s2  }
0x8f: {  	_ = 	snop  }
0x90: {  	s2 =	sld [smem:$0x3FD0];
	(tm) =	ssettm $0x1  }
0x91: {  	s18 =	sld [smem:$0x3FFB];
	_ =	sdelay $0x3  }
0x92: {  	_ =	strace s18  }
0x93: {  	s3 =	sld [smem:$0x3FFC];
	_ =	sdelay $0x3  }
0x94: {  	_ =	strace s3  }
0x95: {  	s3 =	sld [smem:$0x3FFD];
	_ =	sdelay $0x3  }
0x96: {  	_ =	strace s3  }
0x97: {  	_ =	strace $0x8FFFFFFF  }
0x98: {  	s19 =	sld [smem:$0x3FDB];
	_ =	sdelay $0x1  }
0x99: {  	s4 =	simm.s32 $_scs_section_size  }
0x9a: {  	s5 =	simm.s32 $_size__tile_overlayer_lowered;
	s6 =	simm.s32 $_tile_overlayer_lowered  }
0x9b: {  	s22 =	simm.s32 $0x1BFF;
	s21 =	sshll.u32 s6, $0x1;
	s3 =	sadd.s32 s4, s19  }
0x9c: {  	s7 =	simm.s32 $0x0;
	s20 =	sshll.u32 s5, $0x1;
	s5 =	sadd.s32 s21, s3  }
0x9d: {  	[timem:s7], [sflag:s22] =	dma.local [hbm:s5], s20  }
0x9e: {  	_ =	swait.ge [sflag:s22], s20  }
0x9f: {  	s4 =	ssub.s32 $0x0, s20;
	[sflag:s22] =	ssyncset.done $0x0  }
0xa0: {  	[sflag:s22] =	ssyncadd.s32 s4;
	_ =	sdelay $0x1  }
0xa1: {  	s23 =	simm.s32 $0x1B8B  }
0xa2: {  	_ =	swait.ge [sflag:s23], $0x1  }
0xa3: {  	[sflag:s23] =	ssyncset.done $0x0  }
0xa4: {  	s25 =	simm.s32 $0x1B8E;
	s24 =	sld [smem:$0x3FFE];
	[sflag:s23] =	ssyncadd.s32 $0xFFFFFFFF  }
0xa5: {  	s26 =	simm.s32 $execute0_lowered;
	[smem:$0x3FD2] =	sst s25  }
0xa6: {  	s5 =	sshll.u32 s26, $0x1;
	_ =	strace $0x80000046;
	[dreg:$0x1] =	wrdreg $0xFFFFFFFF  }
0xa7: {  	s28 =	simm.s32 $_size_execute0_lowered;
	s3 =	sadd.s32 s3, s5;
	[dreg:$0x0] =	wrdreg $0x0  }
0xa8: {  	s5 =	sshll.u32 s28, $0x1;
	[dreg:$0x2] =	wrdreg s3  }
0xa9: {  	[dreg:$0x3] =	wrdreg s5  }
0xaa: {  	[dreg:$0x4] =	wrdreg $0xC0  }
0xab: {  	_ =	task [dreg:s7], $0x5FFFF  }
0xac: {  	[dreg:$0x1] =	wrdreg $0xFFFFFFFF  }
0xad: {  	[dreg:$0x0] =	wrdreg $0x60  }
0xae: {  	[dreg:$0x2] =	wrdreg s24  }
0xaf: {  	[dreg:$0x3] =	wrdreg s2  }
0xb0: {  	[dreg:$0x4] =	wrdreg $0x90000  }
0xb1: {  	[dreg:$0x5] =	wrdreg $0x9  }
0xb2: {  	_ =	task.clear_ibuf [dreg:s7], $0x6FFFF;
	_ =	strace $0x90000046  }
0xb3: {  	s29 =	simm.s32 $0x9;
	_ =	strace $0x80000048  }
0xb4: {  	_ =	swait.ge [sflag:s29], $0x1  }
0xb5: {  	[sflag:s29] =	ssyncadd.s32 $0xFFFFFFFF  }
0xb6: {  	_ =	strace $0x90000048  }
0xb7: {  	_ =	sfence  }
0xb8: {  	s30 =	sld [smem:$0x0];
	_ =	sdelay $0x2  }
0xb9: {  	s31 =	sshll.u32 s1, $0xD;
	s1 =	sshrl.u32 s1, $0x2  }
0xba: {  	s3 =	sand.u32 $0x4000, s31;
	s1 =	sadd.s32 s1, s30  }
0xbb: {  	s0 =	sor.u32 s3, s0;
	s1 =	sshll.u32 s1, $0x11  }
0xbc: {  	s0 =	sor.u32 s1, s0  }
0xbd: {  	s0 =	sadd.s32 $0x8F2B, s0  }
0xbe: {  	[sflag:s0] =	ssyncadd.remote.s32 $0x1  }
0xbf: {  	_ =	sfence.sel $0xFFFF  }
0xc0: {  	[dreg:$0x0] =	wrdreg $0xFFFFFFFF;
	(pc) =	sbr.abs _section_cstart, $3  }
0xc1: {  	[dreg:$0x1] =	wrdreg $0xFFFFFFFF  }
0xc2: {  	_ =	task.clear_ibuf [dreg:s7], $0x2FFFF;
	_ =	strace $0x9FFFFFFF  }
0xc3: {  	(tm) =	ssettm $0x7FFFFFFF  }
tec
execute0_lowered:
.L_overlay_start_1:
0x0: {  	(tag) =	ssettag $0x1  }
0x1: {  	s21 =	rddreg [dreg:$0x0]  }
0x2: {  	s1 =	rddreg [dreg:$0x1]  }
0x3: {  	s2 =	rddreg [dreg:$0x2]  }
0x4: {  	s0 =	rddreg [dreg:$0x3]  }
0x5: {  	s4 =	simm.s32 $0x0;
	s8 =	srdreg.scid;
	s3 =	stileid.u32  }
0x6: {  	s7 =	simm.s32 $0x6800;
	s6 =	simm.s32 $0x2;
	[smem:$0x7FF] =	sst s4  }
0x7: {  	s5 =	sadd.s32 $0x2000, s21;
	s9 =	smul.u32 $0xA000, s3;
	_ =	strace $0x80000047  }
0x8: {  	[tilespmem:s7], [sflag:$0x2] =	stream.linear.gather [hbm4b:s5+s4], $0x2800, $0x38;
	[tilespmem:$0xB800] =	vst v63  }
0x9: {  	s22 =	sand.u32 $0x1, s8;
	_ =	swait.ge [sflag:s6], $0x2800  }
0xa: {  	s8 =	sshll.u32 s22, $0x4;
	s9 =	sshrl.u32 s9, $0x2;
	[sflag:s6] =	ssyncset.done $0x0  }
0xb: {  	s10 =	sor.u32 s3, s8;
	s8 =	sadd.s32 s9, s2;
	[sflag:s6] =	ssyncadd.s32 $0xFFFFD800  }
0xc: {  	[spmem:s8] =	stream.linear.scatter [tilespmem:s7], [sflag:$0x2], $0x2800, $0x38;
	[tilespmem:$0xB800] =	vst v63  }
0xd: {  	s30 =	smul.u32 $0x500, s10;
	_ =	swait.ge [sflag:s6], $0x2800  }
0xe: {  	[sflag:s6] =	ssyncset.done $0x0  }
0xf: {  	s9 =	sadd.s32 s30, s21;
	[sflag:s6] =	ssyncadd.s32 $0xFFFFD800  }
0x10: {  	s9 =	sadd.s32 $0x2600, s9;
	[bflag:$0x0] =	sbarrier.arrive $0xFFFF  }
0x11: {  	[tilespmem:s4], [sflag:$0x2] =	stream.linear.gather [hbm4b:s9+s4], $0x2800, $0x38;
	[tilespmem:$0xB800] =	vst v63  }
0x12: {  	_ =	swait.ge [sflag:s6], $0x2800  }
0x13: {  	[sflag:s6] =	ssyncset.done $0x0  }
0x14: {  	s10 =	simm.s32 $0x2800;
	[sflag:s6] =	ssyncadd.s32 $0xFFFFD800  }
0x15: {  	[tilespmem:s10], [sflag:$0x2] =	stream.linear.gather [hbm4b:s1+s4], $0x4000, $0x38;
	[tilespmem:$0xB800] =	vst v63  }
0x16: {  	_ =	swait.ge [sflag:s6], $0x4000  }
0x17: {  	[sflag:s6] =	ssyncset.done $0x0  }
0x18: {  	s11 =	simm.s32 $0x400;
	[sflag:s6] =	ssyncadd.s32 $0xFFFFC000  }
0x19: {  	[spmem:s2] =	stream.indirect.scatter.add.f32 [tilespmem:s10], [sflag:$0x1], $0x10, s4, s11, $0xb8;
	[tilespmem:$0xB800] =	vst v63  }
0x1a: {  	_ = 	snop  }
0x1b: {  	[spmem:s2] =	stream.indirect.scatter.add.f32 [tilespmem:s10], [sflag:$0x1], $0x10, s11, s11, $0xb8;
	[tilespmem:$0xB800] =	vst v63  }
0x1c: {  	s12 =	simm.s32 $0x800  }
0x1d: {  	[spmem:s2] =	stream.indirect.scatter.add.f32 [tilespmem:s10], [sflag:$0x1], $0x10, s12, s11, $0xb8;
	[tilespmem:$0xB800] =	vst v63  }
0x1e: {  	s13 =	simm.s32 $0xC00  }
0x1f: {  	[spmem:s2] =	stream.indirect.scatter.add.f32 [tilespmem:s10], [sflag:$0x1], $0x10, s13, s11, $0xb8;
	[tilespmem:$0xB800] =	vst v63  }
0x20: {  	s14 =	simm.s32 $0x1000  }
0x21: {  	[spmem:s2] =	stream.indirect.scatter.add.f32 [tilespmem:s10], [sflag:$0x1], $0x10, s14, s11, $0xb8;
	[tilespmem:$0xB800] =	vst v63  }
0x22: {  	s15 =	simm.s32 $0x1400  }
0x23: {  	[spmem:s2] =	stream.indirect.scatter.add.f32 [tilespmem:s10], [sflag:$0x1], $0x10, s15, s11, $0xb8;
	[tilespmem:$0xB800] =	vst v63  }
0x24: {  	s16 =	simm.s32 $0x1800  }
0x25: {  	[spmem:s2] =	stream.indirect.scatter.add.f32 [tilespmem:s10], [sflag:$0x1], $0x10, s16, s11, $0xb8;
	[tilespmem:$0xB800] =	vst v63  }
0x26: {  	s17 =	simm.s32 $0x1C00  }
0x27: {  	[spmem:s2] =	stream.indirect.scatter.add.f32 [tilespmem:s10], [sflag:$0x1], $0x10, s17, s11, $0xb8;
	[tilespmem:$0xB800] =	vst v63  }
0x28: {  	s18 =	simm.s32 $0x2000  }
0x29: {  	[spmem:s2] =	stream.indirect.scatter.add.f32 [tilespmem:s10], [sflag:$0x1], $0x10, s18, s11, $0xb8;
	[tilespmem:$0xB800] =	vst v63  }
0x2a: {  	s19 =	simm.s32 $0x2400;
	s20 =	simm.s32 $0x1  }
0x2b: {  	[spmem:s2] =	stream.indirect.scatter.add.f32 [tilespmem:s10], [sflag:$0x1], $0x10, s19, s11, $0xb8;
	[tilespmem:$0xB800] =	vst v63  }
0x2c: {  	_ =	swait.ge [sflag:s20], $0x4000  }
0x2d: {  	[sflag:s20] =	ssyncset.done $0x0  }
0x2e: {  	[sflag:s20] =	ssyncadd.s32 $0xFFFFC000  }
0x2f: {  	_ =	swait.ge [sflag:s20], $0x4000  }
0x30: {  	[sflag:s20] =	ssyncset.done $0x0  }
0x31: {  	[sflag:s20] =	ssyncadd.s32 $0xFFFFC000  }
0x32: {  	_ =	swait.ge [sflag:s20], $0x4000  }
0x33: {  	[sflag:s20] =	ssyncset.done $0x0  }
0x34: {  	[sflag:s20] =	ssyncadd.s32 $0xFFFFC000  }
0x35: {  	_ =	swait.ge [sflag:s20], $0x4000  }
0x36: {  	[sflag:s20] =	ssyncset.done $0x0  }
0x37: {  	[sflag:s20] =	ssyncadd.s32 $0xFFFFC000  }
0x38: {  	_ =	swait.ge [sflag:s20], $0x4000  }
0x39: {  	[sflag:s20] =	ssyncset.done $0x0  }
0x3a: {  	[sflag:s20] =	ssyncadd.s32 $0xFFFFC000  }
0x3b: {  	_ =	swait.ge [sflag:s20], $0x4000  }
0x3c: {  	[sflag:s20] =	ssyncset.done $0x0  }
0x3d: {  	[sflag:s20] =	ssyncadd.s32 $0xFFFFC000  }
0x3e: {  	_ =	swait.ge [sflag:s20], $0x4000  }
0x3f: {  	[sflag:s20] =	ssyncset.done $0x0  }
0x40: {  	[sflag:s20] =	ssyncadd.s32 $0xFFFFC000  }
0x41: {  	_ =	swait.ge [sflag:s20], $0x4000  }
0x42: {  	[sflag:s20] =	ssyncset.done $0x0  }
0x43: {  	[sflag:s20] =	ssyncadd.s32 $0xFFFFC000  }
0x44: {  	_ =	swait.ge [sflag:s20], $0x4000  }
0x45: {  	[sflag:s20] =	ssyncset.done $0x0  }
0x46: {  	[sflag:s20] =	ssyncadd.s32 $0xFFFFC000  }
0x47: {  	s23 =	smul.u32 $0x5000, s22;
	s22 =	ssub.s32 $0x2, s22;
	_ =	swait.ge [sflag:s20], $0x4000  }
0x48: {  	s31 =	sshrl.u32 s22, $0x1;
	[sflag:s20] =	ssyncset.done $0x0  }
0x49: {  	s22 =	ssub.s32 s22, s31;
	[sflag:s20] =	ssyncadd.s32 $0xFFFFC000  }
0x4a: {  	s24 =	smul.u32 $0x500, s3;
	s22 =	smax.u32 s22, $0x1;
	[bflag:$0x0] =	sbarrier.arrive $0xFFFF  }
0x4b: {  	[tilespmem:s7], [sflag:$0x2] =	stream.linear.gather [spmem:s8], $0x2800, $0x38;
	[tilespmem:$0xB800] =	vst v63  }
0x4c: {  	s23 =	sadd.s32 s24, s23;
	p0 =	sne.s32 s22, $0x1;
	_ =	swait.ge [sflag:s6], $0x2800  }
.Ltmp0:
0x4d: {  	s21 =	sadd.s32 s23, s21;
	[sflag:s6] =	ssyncset.done $0x0;
	(pc) =	sbr.rel @!p0 .LBB2_2-.Ltmp0, $4  }
0x4e: {  	s21 =	sadd.s32 $0xC600, s21;
	[sflag:s6] =	ssyncadd.s32 $0xFFFFD800  }
0x4f: {  	[hbm4b:s21+s4] =	stream.linear.scatter [tilespmem:s7], [sflag:$0x2], $0x2800, $0x38;
	[tilespmem:$0xB800] =	vst v63  }
0x50: {  	_ =	swait.ge [sflag:s6], $0x2800  }
0x51: {  	s22 =	sadd.s32 $0xFFFFFFFF, s22;
	[sflag:s6] =	ssyncset.done $0x0  }
.LBB2_1:
0x52: {  	p0 =	sne.s32 s22, $0x1;
	s22 =	sadd.s32 $0xFFFFFFFF, s22;
	[sflag:s6] =	ssyncadd.s32 $0xFFFFD800  }
0x53: {  	[tilespmem:s7], [sflag:$0x2] =	stream.linear.gather [hbm4b:s5+s4], $0x2800, $0x38;
	[tilespmem:$0xB800] =	vst v63  }
0x54: {  	_ =	swait.ge [sflag:s6], $0x2800  }
0x55: {  	[sflag:s6] =	ssyncset.done $0x0  }
0x56: {  	[sflag:s6] =	ssyncadd.s32 $0xFFFFD800  }
0x57: {  	[spmem:s8] =	stream.linear.scatter [tilespmem:s7], [sflag:$0x2], $0x2800, $0x38;
	[tilespmem:$0xB800] =	vst v63  }
0x58: {  	_ =	swait.ge [sflag:s6], $0x2800  }
0x59: {  	[sflag:s6] =	ssyncset.done $0x0  }
0x5a: {  	[sflag:s6] =	ssyncadd.s32 $0xFFFFD800  }
0x5b: {  	[bflag:$0x0] =	sbarrier.arrive $0xFFFF  }
0x5c: {  	[tilespmem:s4], [sflag:$0x2] =	stream.linear.gather [hbm4b:s9+s4], $0x2800, $0x38;
	[tilespmem:$0xB800] =	vst v63  }
0x5d: {  	_ =	swait.ge [sflag:s6], $0x2800  }
0x5e: {  	[sflag:s6] =	ssyncset.done $0x0  }
0x5f: {  	[sflag:s6] =	ssyncadd.s32 $0xFFFFD800  }
0x60: {  	[tilespmem:s10], [sflag:$0x2] =	stream.linear.gather [hbm4b:s1+s4], $0x4000, $0x38;
	[tilespmem:$0xB800] =	vst v63  }
0x61: {  	_ =	swait.ge [sflag:s6], $0x4000  }
0x62: {  	[sflag:s6] =	ssyncset.done $0x0  }
0x63: {  	[sflag:s6] =	ssyncadd.s32 $0xFFFFC000  }
0x64: {  	[spmem:s2] =	stream.indirect.scatter.add.f32 [tilespmem:s10], [sflag:$0x1], $0x10, s4, s11, $0xb8;
	[tilespmem:$0xB800] =	vst v63  }
0x65: {  	_ = 	snop  }
0x66: {  	[spmem:s2] =	stream.indirect.scatter.add.f32 [tilespmem:s10], [sflag:$0x1], $0x10, s11, s11, $0xb8;
	[tilespmem:$0xB800] =	vst v63  }
0x67: {  	_ = 	snop  }
0x68: {  	[spmem:s2] =	stream.indirect.scatter.add.f32 [tilespmem:s10], [sflag:$0x1], $0x10, s12, s11, $0xb8;
	[tilespmem:$0xB800] =	vst v63  }
0x69: {  	_ = 	snop  }
0x6a: {  	[spmem:s2] =	stream.indirect.scatter.add.f32 [tilespmem:s10], [sflag:$0x1], $0x10, s13, s11, $0xb8;
	[tilespmem:$0xB800] =	vst v63  }
0x6b: {  	_ = 	snop  }
0x6c: {  	[spmem:s2] =	stream.indirect.scatter.add.f32 [tilespmem:s10], [sflag:$0x1], $0x10, s14, s11, $0xb8;
	[tilespmem:$0xB800] =	vst v63  }
0x6d: {  	_ = 	snop  }
0x6e: {  	[spmem:s2] =	stream.indirect.scatter.add.f32 [tilespmem:s10], [sflag:$0x1], $0x10, s15, s11, $0xb8;
	[tilespmem:$0xB800] =	vst v63  }
0x6f: {  	_ = 	snop  }
0x70: {  	[spmem:s2] =	stream.indirect.scatter.add.f32 [tilespmem:s10], [sflag:$0x1], $0x10, s16, s11, $0xb8;
	[tilespmem:$0xB800] =	vst v63  }
0x71: {  	_ = 	snop  }
0x72: {  	[spmem:s2] =	stream.indirect.scatter.add.f32 [tilespmem:s10], [sflag:$0x1], $0x10, s17, s11, $0xb8;
	[tilespmem:$0xB800] =	vst v63  }
0x73: {  	_ = 	snop  }
0x74: {  	[spmem:s2] =	stream.indirect.scatter.add.f32 [tilespmem:s10], [sflag:$0x1], $0x10, s18, s11, $0xb8;
	[tilespmem:$0xB800] =	vst v63  }
0x75: {  	_ = 	snop  }
0x76: {  	[spmem:s2] =	stream.indirect.scatter.add.f32 [tilespmem:s10], [sflag:$0x1], $0x10, s19, s11, $0xb8;
	[tilespmem:$0xB800] =	vst v63  }
0x77: {  	_ =	swait.ge [sflag:s20], $0x4000  }
0x78: {  	[sflag:s20] =	ssyncset.done $0x0  }
0x79: {  	[sflag:s20] =	ssyncadd.s32 $0xFFFFC000  }
0x7a: {  	_ =	swait.ge [sflag:s20], $0x4000  }
0x7b: {  	[sflag:s20] =	ssyncset.done $0x0  }
0x7c: {  	[sflag:s20] =	ssyncadd.s32 $0xFFFFC000  }
0x7d: {  	_ =	swait.ge [sflag:s20], $0x4000  }
0x7e: {  	[sflag:s20] =	ssyncset.done $0x0  }
0x7f: {  	[sflag:s20] =	ssyncadd.s32 $0xFFFFC000  }
0x80: {  	_ =	swait.ge [sflag:s20], $0x4000  }
0x81: {  	[sflag:s20] =	ssyncset.done $0x0  }
0x82: {  	[sflag:s20] =	ssyncadd.s32 $0xFFFFC000  }
0x83: {  	_ =	swait.ge [sflag:s20], $0x4000  }
0x84: {  	[sflag:s20] =	ssyncset.done $0x0  }
0x85: {  	[sflag:s20] =	ssyncadd.s32 $0xFFFFC000  }
0x86: {  	_ =	swait.ge [sflag:s20], $0x4000  }
0x87: {  	[sflag:s20] =	ssyncset.done $0x0  }
0x88: {  	[sflag:s20] =	ssyncadd.s32 $0xFFFFC000  }
0x89: {  	_ =	swait.ge [sflag:s20], $0x4000  }
0x8a: {  	[sflag:s20] =	ssyncset.done $0x0  }
0x8b: {  	[sflag:s20] =	ssyncadd.s32 $0xFFFFC000  }
0x8c: {  	_ =	swait.ge [sflag:s20], $0x4000  }
0x8d: {  	[sflag:s20] =	ssyncset.done $0x0  }
0x8e: {  	[sflag:s20] =	ssyncadd.s32 $0xFFFFC000  }
0x8f: {  	_ =	swait.ge [sflag:s20], $0x4000  }
0x90: {  	[sflag:s20] =	ssyncset.done $0x0  }
0x91: {  	[sflag:s20] =	ssyncadd.s32 $0xFFFFC000  }
0x92: {  	_ =	swait.ge [sflag:s20], $0x4000  }
0x93: {  	[sflag:s20] =	ssyncset.done $0x0  }
0x94: {  	[sflag:s20] =	ssyncadd.s32 $0xFFFFC000  }
0x95: {  	[bflag:$0x0] =	sbarrier.arrive $0xFFFF  }
0x96: {  	[tilespmem:s7], [sflag:$0x2] =	stream.linear.gather [spmem:s8], $0x2800, $0x38;
	[tilespmem:$0xB800] =	vst v63  }
0x97: {  	_ =	swait.ge [sflag:s6], $0x2800  }
.Ltmp1:
0x98: {  	[sflag:s6] =	ssyncset.done $0x0;
	(pc) =	sbr.rel @p0 .LBB2_1-.Ltmp1, $4  }
0x99: {  	[sflag:s6] =	ssyncadd.s32 $0xFFFFD800  }
0x9a: {  	[hbm4b:s21+s4] =	stream.linear.scatter [tilespmem:s7], [sflag:$0x2], $0x2800, $0x38;
	[tilespmem:$0xB800] =	vst v63  }
0x9b: {  	_ =	swait.ge [sflag:s6], $0x2800  }
0x9c: {  	[sflag:s6] =	ssyncset.done $0x0  }
.LBB2_2:
0x9d: {  	[sflag:s6] =	ssyncadd.s32 $0xFFFFD800  }
0x9e: {  	_ =	sfence.sel $0x180000  }
0x9f: {  	[bflag:$0x0] =	sbarrier.arrive $0xFFFF  }
0xa0: {  	p0 =	sne.s32 s3, $0x0;
	_ =	strace $0x90000047  }
0xa1: {  	s0 =	sadd.s32 @!p0 $0x100000, s0;
	[bflag:$0x2] =	sbarrier.arrive $0xFFFF  }
0xa2: {  	[sflag:s0] =	ssyncadd.tile.s32 @!p0 $0x1;
	_ =	shalt  }
.Lfunc_end2:
_tile_overlayer_lowered:
.L_overlay_start_2:
0xa3: {  	(tag) =	ssettag $0x2  }
0xa4: {  	s0 =	rddreg [dreg:$0x0];
	s2 =	stileid.u32  }
0xa5: {  	s1 =	rddreg [dreg:$0x1];
	p0 =	sne.s32 s2, $0x0  }
0xa6: {  	s3 =	rddreg [dreg:$0x2];
	[bflag:$0x3] =	sbarrier.arrive $0xFFFF;
	s2 =	simm.s32 @!p0 $0x1C02  }
0xa7: {  	[timem:s3], [sflag:s2] =	dma.local @!p0 [hbm:s0], s1  }
0xa8: {  	s0 =	simm.s32 @!p0 $0x2  }
0xa9: {  	_ =	swait.ge @!p0 [sflag:s0], s1  }
0xaa: {  	s1 =	ssub.s32 @!p0 $0x0, s1;
	[sflag:s0] =	ssyncset.done @!p0 $0x0  }
0xab: {  	[sflag:s0] =	ssyncadd.s32 @!p0 s1  }
0xac: {  	[bflag:$0x3] =	sbarrier.arrive $0xFFFF  }
0xad: {  	_ =	shalt  }

// kernel: gcn_scatter.4.cloned.1.call-start
scs
__scs_entry_jumppad:
0x0: {  	(pc) =	sbr.rel $0x88, $3  }
0x1: {  	(tag) =	ssettag $0x0;
	lr =	simm.s32 $0x1  }
0x2: {  	[smem:$0x3F9B] =	sst lr;
	_ =	strace $0xD0000000  }
0x3: {  	_ = 	snop  }
0x4: {  	_ = 	snop  }
0x5: {  	_ = 	snop  }
0x6: {  	_ = 	snop  }
0x7: {  	_ = 	snop  }
__scs_overlays_trampoline_lowered:
0x8: {  	[smem:$0x3FAA] =	sst s0  }
0x9: {  	[smem:$0x3FAB] =	sst s1  }
0xa: {  	[smem:$0x3FAC] =	sst s2  }
0xb: {  	[smem:$0x3FAD] =	sst s3  }
0xc: {  	[smem:$0x3FAE] =	sst s4  }
0xd: {  	[smem:$0x3FAF] =	sst s5  }
0xe: {  	[smem:$0x3FB0] =	sst s6  }
0xf: {  	[smem:$0x3FB1] =	sst s7  }
0x10: {  	[smem:$0x3FB2] =	sst s8  }
0x11: {  	[smem:$0x3FB3] =	sst s9;
	s0 =	simm.s32 @!p0 $0x0  }
0x12: {  	s1 =	sld [smem:$0x3F99];
	s0 =	simm.s32 @p0 $0x1  }
0x13: {  	[smem:$0x3FB4] =	sst s0;
	s0 =	simm.s32 @!p1 $0x0  }
0x14: {  	s2 =	sld [smem:$0x3F98];
	s0 =	simm.s32 @p1 $0x1  }
0x15: {  	[smem:$0x3FB5] =	sst s0;
	s0 =	simm.s32 @!p2 $0x0  }
0x16: {  	s3 =	sld [smem:$0x3FDB];
	s0 =	simm.s32 @p2 $0x1  }
0x17: {  	s4 =	simm.s32 $0x1BF5;
	[smem:$0x3FB7] =	sst s0  }
0x18: {  	s0 =	sld [smem:$0x3F9A];
	_ =	swait.ge [sflag:s4], $0x0  }
0x19: {  	s7 =	sld [smem:$0x3F9B]  }
0x1a: {  	s8 =	sadd.s32 $0xFFFFE003, lr  }
0x1b: {  	s9 =	sadd.s32 $0xFFFFFEF7, lr;
	s5 =	simm.s32 $0xFFFFFFFF;
	p2 =	slt.u32 s8, $0xFFFFF086  }
0x1c: {  	p1 =	slt.u32 s9, $0xF7A;
	s5 =	simm.s32 @!p2 $0x0  }
0x1d: {  	s5 =	simm.s32 @p1 $0x1;
	p0 =	seq.s32 s7, s2  }
0x1e: {  	s7 =	smul.u32 @!p0 $0xF7A, s2;
	p2 =	seq.s32 @!p0 s5, $0x0  }
0x1f: {  	s9 =	smul.u32 $0xF7A, s1;
	s8 =	simm.s32 @!p0 $0x1BF5;
	p2 =	por !p2, p0  }
0x20: {  	[sflag:s8] =	ssyncset.s32 @!p0 $0xFFFFF086;
	s6 =	sadd.s32 @!p0 s3, s7;
	s7 =	simm.s32 @!p0 $0x108  }
0x21: {  	s3 =	sadd.s32 s3, s9;
	s6 =	sadd.s32 @!p0 $0x88, s6;
	s7 =	simm.s32 @p2 $0x1082  }
0x22: {  	[simem:s7], [sflag:s8] =	dma.local @!p0 [hbm:s6], $0xF7A  }
0x23: {  	s9 =	sor.u32 $0xD0000000, s2;
	s6 =	simm.s32 $0x108;
	_ =	swait.ge @!p0 [sflag:s8], $0x0  }
0x24: {  	s3 =	sadd.s32 $0x88, s3;
	s6 =	simm.s32 @!p1 $0x1082;
	[sflag:s4] =	ssyncset.s32 $0xFFFFF086  }
0x25: {  	[simem:s6], [sflag:s4] =	dma.local [hbm:s3], $0xF7A  }
0x26: {  	[smem:$0x3F9B] =	sst s1;
	(tag) =	ssettag s2;
	_ =	strace s9  }
0x27: {  	s1 =	sld [smem:$0x3FAB]  }
0x28: {  	s2 =	sld [smem:$0x3FAC]  }
0x29: {  	s4 =	sld [smem:$0x3FAE]  }
0x2a: {  	p0 =	seq.s32 s5, $0x0;
	s5 =	sld [smem:$0x3FAF]  }
0x2b: {  	s6 =	sld [smem:$0x3FB0]  }
0x2c: {  	s7 =	sld [smem:$0x3FB1]  }
0x2d: {  	s3 =	simm.s32 $0x108;
	s8 =	sld [smem:$0x3FB2]  }
0x2e: {  	s3 =	simm.s32 @!p0 $0x1082;
	s9 =	sld [smem:$0x3FB3]  }
0x2f: {  	lr =	sadd.s32 s0, s3;
	s0 =	sld [smem:$0x3FAA]  }
0x30: {  	s3 =	sld [smem:$0x3FAD]  }
0x31: {  	[smem:$0x3FB6] =	sst s10  }
0x32: {  	s10 =	sld [smem:$0x3FB4];
	_ =	sdelay $0x3  }
0x33: {  	p0 =	seq.s32 s10, $0x1;
	s10 =	sld [smem:$0x3FB6];
	_ =	sdelay $0x3  }
0x34: {  	[smem:$0x3FB6] =	sst s10  }
0x35: {  	s10 =	sld [smem:$0x3FB5];
	_ =	sdelay $0x3  }
0x36: {  	p1 =	seq.s32 s10, $0x1;
	s10 =	sld [smem:$0x3FB6];
	_ =	sdelay $0x3  }
0x37: {  	[smem:$0x3FB6] =	sst s10  }
0x38: {  	s10 =	sld [smem:$0x3FB7]  }
0x39: {  	_ = 	snop;
	(pc) =	sbr.ind lr, $3  }
0x3a: {  	_ = 	snop  }
0x3b: {  	_ = 	snop  }
0x3c: {  	p2 =	seq.s32 s10, $0x1;
	s10 =	sld [smem:$0x3FB6]  }
0x3d: {  	_ =	shalt  }
0x3e: {  	_ =	shalt  }
0x3f: {  	_ =	shalt  }
0x40: {  	_ =	shalt  }
0x41: {  	_ =	shalt  }
0x42: {  	_ =	shalt  }
0x43: {  	_ =	shalt  }
0x44: {  	_ =	shalt  }
0x45: {  	_ =	shalt  }
0x46: {  	_ =	shalt  }
0x47: {  	_ =	shalt  }
0x48: {  	_ =	shalt  }
0x49: {  	_ =	shalt  }
0x4a: {  	_ =	shalt  }
0x4b: {  	_ =	shalt  }
0x4c: {  	_ =	shalt  }
0x4d: {  	_ =	shalt  }
0x4e: {  	_ =	shalt  }
0x4f: {  	_ =	shalt  }
0x50: {  	_ =	shalt  }
0x51: {  	_ =	shalt  }
0x52: {  	_ =	shalt  }
0x53: {  	_ =	shalt  }
0x54: {  	_ =	shalt  }
0x55: {  	_ =	shalt  }
0x56: {  	_ =	shalt  }
0x57: {  	_ =	shalt  }
0x58: {  	_ =	shalt  }
0x59: {  	_ =	shalt  }
0x5a: {  	_ =	shalt  }
0x5b: {  	_ =	shalt  }
0x5c: {  	_ =	shalt  }
0x5d: {  	_ =	shalt  }
0x5e: {  	_ =	shalt  }
0x5f: {  	_ =	shalt  }
0x60: {  	_ =	shalt  }
0x61: {  	_ =	shalt  }
0x62: {  	_ =	shalt  }
0x63: {  	_ =	shalt  }
0x64: {  	_ =	shalt  }
0x65: {  	_ =	shalt  }
0x66: {  	_ =	shalt  }
0x67: {  	_ =	shalt  }
0x68: {  	_ =	shalt  }
0x69: {  	_ =	shalt  }
0x6a: {  	_ =	shalt  }
0x6b: {  	_ =	shalt  }
0x6c: {  	_ =	shalt  }
0x6d: {  	_ =	shalt  }
0x6e: {  	_ =	shalt  }
0x6f: {  	_ =	shalt  }
0x70: {  	_ =	shalt  }
0x71: {  	_ =	shalt  }
0x72: {  	_ =	shalt  }
0x73: {  	_ =	shalt  }
0x74: {  	_ =	shalt  }
0x75: {  	_ =	shalt  }
0x76: {  	_ =	shalt  }
0x77: {  	_ =	shalt  }
0x78: {  	_ =	shalt  }
0x79: {  	_ =	shalt  }
0x7a: {  	_ =	shalt  }
0x7b: {  	_ =	shalt  }
0x7c: {  	_ =	shalt  }
0x7d: {  	_ =	shalt  }
0x7e: {  	_ =	shalt  }
0x7f: {  	_ =	shalt  }
0x80: {  	_ =	shalt  }
0x81: {  	_ =	shalt  }
0x82: {  	_ =	shalt  }
0x83: {  	_ =	shalt  }
0x84: {  	_ =	shalt  }
0x85: {  	_ =	shalt  }
0x86: {  	_ =	shalt  }
0x87: {  	_ =	shalt  }
.Lfunc_end0:
.L_simem_size_0:
called_computation.1_lowered:
.L_overlay_start_0:
0x88: {  	s2 =	sld [smem:$0x3FD9]  }
0x89: {  	s3 =	sld [smem:$0x3FFE];
	_ =	sdelay $0x1  }
0x8a: {  	s1 =	srdreg.scid  }
0x8b: {  	s0 =	sand.u32 $0x1, s1  }
0x8c: {  	s16 =	sshll.u32 s0, $0xA;
	s2 =	sadd.s32 s3, s2  }
0x8d: {  	s2 =	sadd.s32 s2, s16  }
0x8e: {  	[smem:$0x3FC2] =	sst s2  }
0x8f: {  	_ = 	snop  }
0x90: {  	(tm) =	ssettm $0x1  }
0x91: {  	s17 =	sld [smem:$0x3FFB];
	_ =	sdelay $0x3  }
0x92: {  	_ =	strace s17  }
0x93: {  	s2 =	sld [smem:$0x3FFC];
	_ =	sdelay $0x3  }
0x94: {  	_ =	strace s2  }
0x95: {  	s2 =	sld [smem:$0x3FFD];
	_ =	sdelay $0x3  }
0x96: {  	_ =	strace s2  }
0x97: {  	_ =	strace $0x8FFFFFFF  }
0x98: {  	s18 =	sld [smem:$0x3FDB];
	_ =	sdelay $0x1  }
0x99: {  	s19 =	simm.s32 $_scs_section_size  }
0x9a: {  	s4 =	simm.s32 $_size__tile_overlayer_lowered;
	s5 =	simm.s32 $_tile_overlayer_lowered  }
0x9b: {  	s22 =	simm.s32 $0x1BFF;
	s21 =	sshll.u32 s5, $0x1;
	s2 =	sadd.s32 s19, s18  }
0x9c: {  	s6 =	simm.s32 $0x0;
	s20 =	sshll.u32 s4, $0x1;
	s4 =	sadd.s32 s21, s2  }
0x9d: {  	[timem:s6], [sflag:s22] =	dma.local [hbm:s4], s20  }
0x9e: {  	_ =	swait.ge [sflag:s22], s20  }
0x9f: {  	s3 =	ssub.s32 $0x0, s20;
	[sflag:s22] =	ssyncset.done $0x0  }
0xa0: {  	[sflag:s22] =	ssyncadd.s32 s3;
	_ =	sdelay $0x1  }
0xa1: {  	s23 =	simm.s32 $0x1B8B  }
0xa2: {  	_ =	swait.ge [sflag:s23], $0x1  }
0xa3: {  	[sflag:s23] =	ssyncset.done $0x0  }
0xa4: {  	s25 =	simm.s32 $0x1B8E;
	s24 =	sld [smem:$0x3FFE];
	[sflag:s23] =	ssyncadd.s32 $0xFFFFFFFF  }
0xa5: {  	s26 =	simm.s32 $execute0_lowered;
	[smem:$0x3FD2] =	sst s25  }
0xa6: {  	s4 =	sshll.u32 s26, $0x1;
	_ =	strace $0x80000049;
	[dreg:$0x1] =	wrdreg $0xFFFFFFFF  }
0xa7: {  	s28 =	simm.s32 $_size_execute0_lowered;
	s2 =	sadd.s32 s2, s4;
	[dreg:$0x0] =	wrdreg $0x0  }
0xa8: {  	s4 =	sshll.u32 s28, $0x1;
	[dreg:$0x2] =	wrdreg s2  }
0xa9: {  	[dreg:$0x3] =	wrdreg s4  }
0xaa: {  	[dreg:$0x4] =	wrdreg $0xC0  }
0xab: {  	_ =	task [dreg:s6], $0x5FFFF  }
0xac: {  	[dreg:$0x1] =	wrdreg $0xFFFFFFFF  }
0xad: {  	[dreg:$0x0] =	wrdreg $0x60  }
0xae: {  	[dreg:$0x2] =	wrdreg s24  }
0xaf: {  	[dreg:$0x3] =	wrdreg $0x178000  }
0xb0: {  	[dreg:$0x4] =	wrdreg $0x1A0000  }
0xb1: {  	[dreg:$0x5] =	wrdreg $0x9  }
0xb2: {  	_ =	task.clear_ibuf [dreg:s6], $0x6FFFF;
	_ =	strace $0x90000049  }
0xb3: {  	s29 =	simm.s32 $0x9;
	_ =	strace $0x8000004B  }
0xb4: {  	_ =	swait.ge [sflag:s29], $0x1  }
0xb5: {  	[sflag:s29] =	ssyncadd.s32 $0xFFFFFFFF  }
0xb6: {  	_ =	strace $0x9000004B  }
0xb7: {  	_ =	sfence  }
0xb8: {  	s30 =	sld [smem:$0x0];
	_ =	sdelay $0x2  }
0xb9: {  	s31 =	sshll.u32 s1, $0xD;
	s1 =	sshrl.u32 s1, $0x2  }
0xba: {  	s3 =	sand.u32 $0x4000, s31;
	s1 =	sadd.s32 s1, s30  }
0xbb: {  	s0 =	sor.u32 s3, s0;
	s1 =	sshll.u32 s1, $0x11  }
0xbc: {  	s0 =	sor.u32 s1, s0  }
0xbd: {  	s0 =	sadd.s32 $0x8F2B, s0  }
0xbe: {  	[sflag:s0] =	ssyncadd.remote.s32 $0x1  }
0xbf: {  	_ =	sfence.sel $0xFFFF  }
0xc0: {  	[dreg:$0x0] =	wrdreg $0xFFFFFFFF;
	(pc) =	sbr.abs _section_cstart, $3  }
0xc1: {  	[dreg:$0x1] =	wrdreg $0xFFFFFFFF  }
0xc2: {  	_ =	task.clear_ibuf [dreg:s6], $0x2FFFF;
	_ =	strace $0x9FFFFFFF  }
0xc3: {  	(tm) =	ssettm $0x7FFFFFFF  }
tec
execute0_lowered:
.L_overlay_start_1:
0x0: {  	(tag) =	ssettag $0x1  }
0x1: {  	s5 =	rddreg [dreg:$0x0]  }
0x2: {  	s2 =	rddreg [dreg:$0x1]  }
0x3: {  	s0 =	srdreg.scid;
	s3 =	rddreg [dreg:$0x2];
	s4 =	simm.s32 $0x0  }
0x4: {  	s1 =	stileid.u32;
	[smem:$0x7FF] =	sst s4;
	s10 =	sadd.s32 $0x2000, s5  }
0x5: {  	s12 =	simm.s32 $0xC00;
	_ =	strace $0x8000004A;
	[dreg:$0x4] =	wrdreg s10  }
0x6: {  	s13 =	simm.s32 $0x3000;
	s14 =	simm.s32 $0x1000;
	[dreg:$0xd] =	wrdreg s12  }
0x7: {  	s15 =	simm.s32 $0x3400;
	s16 =	simm.s32 $0x1400;
	[dreg:$0xe] =	wrdreg s13  }
0x8: {  	s18 =	simm.s32 $0x3800;
	s7 =	smul.u32 $0x2800, s1;
	[dreg:$0xf] =	wrdreg s14  }
0x9: {  	s0 =	sand.u32 $0x1, s0;
	s9 =	smul.u32 $0x500, s1;
	[dreg:$0x10] =	wrdreg s15  }
0xa: {  	s26 =	sshll.u32 s1, $0x6;
	s6 =	sshll.u32 s0, $0x4;
	[dreg:$0x11] =	wrdreg s16  }
0xb: {  	s11 =	smul.u32 $0x5000, s0;
	s10 =	simm.s32 $0x800;
	[dreg:$0x12] =	wrdreg s18  }
0xc: {  	s6 =	sor.u32 s1, s6;
	s8 =	sshrl.u32 s7, $0x3;
	[dreg:$0xb] =	wrdreg s10  }
0xd: {  	s1 =	sadd.s32 s7, s3;
	s17 =	rddreg [dreg:$0x4];
	s6 =	smul.u32 $0x500, s6  }
0xe: {  	s8 =	sadd.s32 s8, s5;
	s9 =	sadd.s32 s9, s11;
	s11 =	simm.s32 $0x2C00  }
0xf: {  	s8 =	sadd.s32 $0xC600, s8;
	[dreg:$0xc] =	wrdreg s11;
	s6 =	sadd.s32 s6, s5  }
0x10: {  	[dreg:$0x5] =	wrdreg s8;
	s5 =	sadd.s32 s9, s5;
	s9 =	sshrl.u32 s1, $0x3  }
0x11: {  	s25 =	sadd.s32 $0x2600, s6;
	[dreg:$0xa] =	wrdreg s9  }
0x12: {  	s6 =	sadd.s32 $0x16600, s6;
	[dreg:$0x6] =	wrdreg s25  }
0x13: {  	s5 =	sadd.s32 $0x20600, s5;
	[dreg:$0x7] =	wrdreg s6  }
0x14: {  	[dreg:$0x8] =	wrdreg s5;
	s6 =	sor.u32 $0x1C09, s26  }
0x15: {  	s5 =	simm.s32 $0x9;
	[dreg:$0x9] =	wrdreg s6;
	s6 =	simm.s32 $0x15000  }
0x16: {  	[tilespmem:s6], [sflag:$0x9] =	stream.linear.gather [hbm4b:s17+s4], $0x2800, $0x38;
	[tilespmem:$0x1C800] =	vst v63  }
0x17: {  	_ =	swait.ge [sflag:s5], $0x2800  }
0x18: {  	[sflag:s5] =	ssyncset.done $0x0  }
0x19: {  	s7 =	sadd.s32 s7, s2;
	[sflag:s5] =	ssyncadd.s32 $0xFFFFD800  }
0x1a: {  	[spmem:s7] =	stream.linear.scatter [tilespmem:s6], [sflag:$0x9], $0x2800, $0x38;
	[tilespmem:$0x1C800] =	vst v63  }
0x1b: {  	_ =	swait.ge [sflag:s5], $0x2800  }
0x1c: {  	s19 =	rddreg [dreg:$0xa]  }
0x1d: {  	s20 =	rddreg [dreg:$0x5];
	[sflag:s5] =	ssyncset.done $0x0  }
0x1e: {  	s21 =	rddreg [dreg:$0x9];
	[sflag:s5] =	ssyncadd.s32 $0xFFFFD800  }
0x1f: {  	[spmem:s19], [sflag:s21] =	dma.local [hbm:s20], $0x500  }
0x20: {  	_ =	swait.ge [sflag:s5], $0x500  }
0x21: {  	[sflag:s5] =	ssyncset.done $0x0  }
0x22: {  	[sflag:s5] =	ssyncadd.s32 $0xFFFFFB00  }
0x23: {  	[bflag:$0x0] =	sbarrier.arrive $0xFFFF  }
0x24: {  	s8 =	simm.s32 $0x2800;
	s22 =	rddreg [dreg:$0x6]  }
0x25: {  	[tilespmem:s8], [sflag:$0x9] =	stream.linear.gather [hbm4b:s22+s4], $0x2800, $0x38;
	[tilespmem:$0x1C800] =	vst v63  }
0x26: {  	_ =	swait.ge [sflag:s5], $0x2800  }
0x27: {  	[sflag:s5] =	ssyncset.done $0x0  }
0x28: {  	s23 =	rddreg [dreg:$0x7];
	[sflag:s5] =	ssyncadd.s32 $0xFFFFD800  }
0x29: {  	[tilespmem:s4], [sflag:$0x9] =	stream.linear.gather [hbm4b:s23+s4], $0x2800, $0x38;
	[tilespmem:$0x1C800] =	vst v63  }
0x2a: {  	_ =	swait.ge [sflag:s5], $0x2800  }
0x2b: {  	[sflag:s5] =	ssyncset.done $0x0  }
0x2c: {  	s10 =	simm.s32 $0x5000;
	s9 =	simm.s32 $0x400;
	[sflag:s5] =	ssyncadd.s32 $0xFFFFD800  }
0x2d: {  	[tilespmem:s10], [sflag:$0x1] =	stream.indirect.gather [spmem:s3], $0x10, s4, s9, $0xb8;
	[tilespmem:$0x1C800] =	vst v63  }
0x2e: {  	s12 =	simm.s32 $0x1;
	s11 =	simm.s32 $0x9000  }
0x2f: {  	[tilespmem:s11], [sflag:$0x2] =	stream.indirect.gather [spmem:s3], $0x10, s9, s9, $0xb8;
	[tilespmem:$0x1C800] =	vst v63  }
0x30: {  	_ =	swait.ge [sflag:s12], $0x4000  }
0x31: {  	[sflag:s12] =	ssyncset.done $0x0  }
0x32: {  	[sflag:s12] =	ssyncadd.s32 $0xFFFFC000  }
0x33: {  	[spmem:s2] =	stream.indirect.scatter.add.f32 [tilespmem:s10], [sflag:$0x5], $0x10, s8, s9, $0xb8;
	[tilespmem:$0x1C800] =	vst v63  }
0x34: {  	s13 =	simm.s32 $0xD000;
	s14 =	simm.s32 $0x2;
	s15 =	rddreg [dreg:$0xb]  }
0x35: {  	[tilespmem:s13], [sflag:$0x3] =	stream.indirect.gather [spmem:s3], $0x10, s15, s9, $0xb8;
	[tilespmem:$0x1C800] =	vst v63  }
0x36: {  	_ =	swait.ge [sflag:s14], $0x4000  }
0x37: {  	[sflag:s14] =	ssyncset.done $0x0  }
0x38: {  	s24 =	rddreg [dreg:$0xc];
	[sflag:s14] =	ssyncadd.s32 $0xFFFFC000  }
0x39: {  	[spmem:s2] =	stream.indirect.scatter.add.f32 [tilespmem:s11], [sflag:$0x6], $0x10, s24, s9, $0xb8;
	[tilespmem:$0x1C800] =	vst v63  }
0x3a: {  	s16 =	simm.s32 $0x3;
	s15 =	simm.s32 $0x11000;
	s17 =	rddreg [dreg:$0xd]  }
0x3b: {  	[tilespmem:s15], [sflag:$0x4] =	stream.indirect.gather [spmem:s3], $0x10, s17, s9, $0xb8;
	[tilespmem:$0x1C800] =	vst v63  }
0x3c: {  	_ =	swait.ge [sflag:s16], $0x4000  }
0x3d: {  	[sflag:s16] =	ssyncset.done $0x0  }
0x3e: {  	s17 =	simm.s32 $0x5;
	s18 =	rddreg [dreg:$0xe];
	[sflag:s16] =	ssyncadd.s32 $0xFFFFC000  }
0x3f: {  	[spmem:s2] =	stream.indirect.scatter.add.f32 [tilespmem:s13], [sflag:$0x7], $0x10, s18, s9, $0xb8;
	[tilespmem:$0x1C800] =	vst v63  }
0x40: {  	_ =	swait.ge [sflag:s17], $0x4000  }
0x41: {  	[sflag:s17] =	ssyncset.done $0x0  }
0x42: {  	s18 =	simm.s32 $0x4;
	s19 =	rddreg [dreg:$0xf];
	[sflag:s17] =	ssyncadd.s32 $0xFFFFC000  }
0x43: {  	[tilespmem:s10], [sflag:$0x1] =	stream.indirect.gather [spmem:s3], $0x10, s19, s9, $0xb8;
	[tilespmem:$0x1C800] =	vst v63  }
0x44: {  	_ =	swait.ge [sflag:s18], $0x4000  }
0x45: {  	[sflag:s18] =	ssyncset.done $0x0  }
0x46: {  	s19 =	simm.s32 $0x6;
	s20 =	rddreg [dreg:$0x10];
	[sflag:s18] =	ssyncadd.s32 $0xFFFFC000  }
0x47: {  	[spmem:s2] =	stream.indirect.scatter.add.f32 [tilespmem:s15], [sflag:$0x8], $0x10, s20, s9, $0xb8;
	[tilespmem:$0x1C800] =	vst v63  }
0x48: {  	_ =	swait.ge [sflag:s19], $0x4000  }
0x49: {  	[sflag:s19] =	ssyncset.done $0x0  }
0x4a: {  	s25 =	rddreg [dreg:$0x11];
	[sflag:s19] =	ssyncadd.s32 $0xFFFFC000  }
0x4b: {  	[tilespmem:s11], [sflag:$0x2] =	stream.indirect.gather [spmem:s3], $0x10, s25, s9, $0xb8;
	[tilespmem:$0x1C800] =	vst v63  }
0x4c: {  	_ =	swait.ge [sflag:s12], $0x4000  }
0x4d: {  	[sflag:s12] =	ssyncset.done $0x0  }
0x4e: {  	s20 =	simm.s32 $0x7;
	s21 =	rddreg [dreg:$0x12];
	[sflag:s12] =	ssyncadd.s32 $0xFFFFC000  }
0x4f: {  	[spmem:s2] =	stream.indirect.scatter.add.f32 [tilespmem:s10], [sflag:$0x5], $0x10, s21, s9, $0xb8;
	[tilespmem:$0x1C800] =	vst v63  }
0x50: {  	_ =	swait.ge [sflag:s20], $0x4000  }
0x51: {  	[sflag:s20] =	ssyncset.done $0x0  }
0x52: {  	s26 =	simm.s32 $0x1800;
	[sflag:s20] =	ssyncadd.s32 $0xFFFFC000  }
0x53: {  	[tilespmem:s13], [sflag:$0x3] =	stream.indirect.gather [spmem:s3], $0x10, s26, s9, $0xb8;
	[tilespmem:$0x1C800] =	vst v63  }
0x54: {  	_ =	swait.ge [sflag:s14], $0x4000  }
0x55: {  	[sflag:s14] =	ssyncset.done $0x0  }
0x56: {  	s23 =	simm.s32 $0x8;
	s21 =	simm.s32 $0x3C00;
	[sflag:s14] =	ssyncadd.s32 $0xFFFFC000  }
0x57: {  	[spmem:s2] =	stream.indirect.scatter.add.f32 [tilespmem:s11], [sflag:$0x6], $0x10, s21, s9, $0xb8;
	[tilespmem:$0x1C800] =	vst v63  }
0x58: {  	_ =	swait.ge [sflag:s23], $0x4000  }
0x59: {  	[sflag:s23] =	ssyncset.done $0x0  }
0x5a: {  	s24 =	simm.s32 $0x1C00;
	[sflag:s23] =	ssyncadd.s32 $0xFFFFC000  }
0x5b: {  	[tilespmem:s15], [sflag:$0x4] =	stream.indirect.gather [spmem:s3], $0x10, s24, s9, $0xb8;
	[tilespmem:$0x1C800] =	vst v63  }
0x5c: {  	_ =	swait.ge [sflag:s16], $0x4000  }
0x5d: {  	[sflag:s16] =	ssyncset.done $0x0  }
0x5e: {  	s25 =	simm.s32 $0x4000;
	[sflag:s16] =	ssyncadd.s32 $0xFFFFC000  }
0x5f: {  	[spmem:s2] =	stream.indirect.scatter.add.f32 [tilespmem:s13], [sflag:$0x7], $0x10, s25, s9, $0xb8;
	[tilespmem:$0x1C800] =	vst v63  }
0x60: {  	_ =	swait.ge [sflag:s17], $0x4000  }
0x61: {  	[sflag:s17] =	ssyncset.done $0x0  }
0x62: {  	s26 =	simm.s32 $0x2000;
	[sflag:s17] =	ssyncadd.s32 $0xFFFFC000  }
0x63: {  	[tilespmem:s10], [sflag:$0x1] =	stream.indirect.gather [spmem:s3], $0x10, s26, s9, $0xb8;
	[tilespmem:$0x1C800] =	vst v63  }
0x64: {  	_ =	swait.ge [sflag:s18], $0x4000  }
0x65: {  	[sflag:s18] =	ssyncset.done $0x0  }
0x66: {  	s28 =	simm.s32 $0x4400;
	[sflag:s18] =	ssyncadd.s32 $0xFFFFC000  }
0x67: {  	[spmem:s2] =	stream.indirect.scatter.add.f32 [tilespmem:s15], [sflag:$0x8], $0x10, s28, s9, $0xb8;
	[tilespmem:$0x1C800] =	vst v63  }
0x68: {  	_ =	swait.ge [sflag:s19], $0x4000  }
0x69: {  	[sflag:s19] =	ssyncset.done $0x0  }
0x6a: {  	s29 =	simm.s32 $0x2400;
	[sflag:s19] =	ssyncadd.s32 $0xFFFFC000  }
0x6b: {  	[tilespmem:s11], [sflag:$0x2] =	stream.indirect.gather [spmem:s3], $0x10, s29, s9, $0xb8;
	[tilespmem:$0x1C800] =	vst v63  }
0x6c: {  	_ =	swait.ge [sflag:s12], $0x4000  }
0x6d: {  	[sflag:s12] =	ssyncset.done $0x0  }
0x6e: {  	s30 =	simm.s32 $0x4800;
	[sflag:s12] =	ssyncadd.s32 $0xFFFFC000  }
0x6f: {  	[spmem:s2] =	stream.indirect.scatter.add.f32 [tilespmem:s10], [sflag:$0x5], $0x10, s30, s9, $0xb8;
	[tilespmem:$0x1C800] =	vst v63  }
0x70: {  	_ =	swait.ge [sflag:s14], $0x4000  }
0x71: {  	[sflag:s14] =	ssyncset.done $0x0  }
0x72: {  	s31 =	simm.s32 $0x4C00;
	[sflag:s14] =	ssyncadd.s32 $0xFFFFC000  }
0x73: {  	[spmem:s2] =	stream.indirect.scatter.add.f32 [tilespmem:s11], [sflag:$0x6], $0x10, s31, s9, $0xb8;
	[tilespmem:$0x1C800] =	vst v63  }
0x74: {  	_ =	swait.ge [sflag:s20], $0x4000  }
0x75: {  	[sflag:s20] =	ssyncset.done $0x0  }
0x76: {  	[sflag:s20] =	ssyncadd.s32 $0xFFFFC000  }
0x77: {  	_ =	swait.ge [sflag:s23], $0x4000  }
0x78: {  	[sflag:s23] =	ssyncset.done $0x0  }
0x79: {  	[sflag:s23] =	ssyncadd.s32 $0xFFFFC000  }
0x7a: {  	_ =	swait.ge [sflag:s17], $0x4000  }
0x7b: {  	[sflag:s17] =	ssyncset.done $0x0  }
0x7c: {  	s0 =	ssub.s32 $0x2, s0;
	[sflag:s17] =	ssyncadd.s32 $0xFFFFC000  }
0x7d: {  	s22 =	sshrl.u32 s0, $0x1;
	_ =	swait.ge [sflag:s19], $0x4000  }
0x7e: {  	s0 =	ssub.s32 s0, s22;
	[sflag:s19] =	ssyncset.done $0x0  }
0x7f: {  	s0 =	smax.u32 s0, $0x1;
	[sflag:s19] =	ssyncadd.s32 $0xFFFFC000  }
0x80: {  	p0 =	sne.s32 s0, $0x1;
	[bflag:$0x0] =	sbarrier.arrive $0xFFFF  }
0x81: {  	[tilespmem:s6], [sflag:$0x9] =	stream.linear.gather [spmem:s7], $0x2800, $0x38;
	[tilespmem:$0x1C800] =	vst v63  }
.Ltmp0:
0x82: {  	_ = 	snop;
	(pc) =	sbr.rel @!p0 .LBB2_2-.Ltmp0, $4  }
0x83: {  	_ =	swait.ge [sflag:s5], $0x2800  }
0x84: {  	[sflag:s5] =	ssyncset.done $0x0  }
0x85: {  	s0 =	sadd.s32 $0xFFFFFFFF, s0;
	s21 =	rddreg [dreg:$0x8];
	[sflag:s5] =	ssyncadd.s32 $0xFFFFD800  }
0x86: {  	[hbm4b:s21+s4] =	stream.linear.scatter [tilespmem:s6], [sflag:$0x9], $0x2800, $0x38;
	[tilespmem:$0x1C800] =	vst v63  }
.LBB2_1:
0x87: {  	_ =	swait.ge [sflag:s5], $0x2800  }
0x88: {  	[sflag:s5] =	ssyncset.done $0x0  }
0x89: {  	s1 =	rddreg [dreg:$0x4];
	[sflag:s5] =	ssyncadd.s32 $0xFFFFD800  }
0x8a: {  	[tilespmem:s6], [sflag:$0x9] =	stream.linear.gather [hbm4b:s1+s4], $0x2800, $0x38;
	[tilespmem:$0x1C800] =	vst v63  }
0x8b: {  	_ =	swait.ge [sflag:s5], $0x2800  }
0x8c: {  	[sflag:s5] =	ssyncset.done $0x0  }
0x8d: {  	[sflag:s5] =	ssyncadd.s32 $0xFFFFD800  }
0x8e: {  	[spmem:s7] =	stream.linear.scatter [tilespmem:s6], [sflag:$0x9], $0x2800, $0x38;
	[tilespmem:$0x1C800] =	vst v63  }
0x8f: {  	_ =	swait.ge [sflag:s5], $0x2800  }
0x90: {  	s1 =	rddreg [dreg:$0xa]  }
0x91: {  	[sflag:s5] =	ssyncset.done $0x0;
	s21 =	rddreg [dreg:$0x5]  }
0x92: {  	s22 =	rddreg [dreg:$0x9];
	[sflag:s5] =	ssyncadd.s32 $0xFFFFD800  }
0x93: {  	[spmem:s1], [sflag:s22] =	dma.local [hbm:s21], $0x500  }
0x94: {  	_ =	swait.ge [sflag:s5], $0x500  }
0x95: {  	[sflag:s5] =	ssyncset.done $0x0  }
0x96: {  	[sflag:s5] =	ssyncadd.s32 $0xFFFFFB00  }
0x97: {  	[bflag:$0x0] =	sbarrier.arrive $0xFFFF  }
0x98: {  	s22 =	rddreg [dreg:$0x6]  }
0x99: {  	[tilespmem:s8], [sflag:$0x9] =	stream.linear.gather [hbm4b:s22+s4], $0x2800, $0x38;
	[tilespmem:$0x1C800] =	vst v63  }
0x9a: {  	_ =	swait.ge [sflag:s5], $0x2800  }
0x9b: {  	[sflag:s5] =	ssyncset.done $0x0  }
0x9c: {  	s21 =	rddreg [dreg:$0x7];
	[sflag:s5] =	ssyncadd.s32 $0xFFFFD800  }
0x9d: {  	[tilespmem:s4], [sflag:$0x9] =	stream.linear.gather [hbm4b:s21+s4], $0x2800, $0x38;
	[tilespmem:$0x1C800] =	vst v63  }
0x9e: {  	_ =	swait.ge [sflag:s5], $0x2800  }
0x9f: {  	[sflag:s5] =	ssyncset.done $0x0  }
0xa0: {  	[sflag:s5] =	ssyncadd.s32 $0xFFFFD800  }
0xa1: {  	[tilespmem:s10], [sflag:$0x1] =	stream.indirect.gather [spmem:s3], $0x10, s4, s9, $0xb8;
	[tilespmem:$0x1C800] =	vst v63  }
0xa2: {  	_ = 	snop  }
0xa3: {  	[tilespmem:s11], [sflag:$0x2] =	stream.indirect.gather [spmem:s3], $0x10, s9, s9, $0xb8;
	[tilespmem:$0x1C800] =	vst v63  }
0xa4: {  	_ =	swait.ge [sflag:s12], $0x4000  }
0xa5: {  	[sflag:s12] =	ssyncset.done $0x0  }
0xa6: {  	[sflag:s12] =	ssyncadd.s32 $0xFFFFC000  }
0xa7: {  	[spmem:s2] =	stream.indirect.scatter.add.f32 [tilespmem:s10], [sflag:$0x5], $0x10, s8, s9, $0xb8;
	[tilespmem:$0x1C800] =	vst v63  }
0xa8: {  	s22 =	rddreg [dreg:$0xb]  }
0xa9: {  	[tilespmem:s13], [sflag:$0x3] =	stream.indirect.gather [spmem:s3], $0x10, s22, s9, $0xb8;
	[tilespmem:$0x1C800] =	vst v63  }
0xaa: {  	_ =	swait.ge [sflag:s14], $0x4000  }
0xab: {  	[sflag:s14] =	ssyncset.done $0x0  }
0xac: {  	s21 =	rddreg [dreg:$0xc];
	[sflag:s14] =	ssyncadd.s32 $0xFFFFC000  }
0xad: {  	[spmem:s2] =	stream.indirect.scatter.add.f32 [tilespmem:s11], [sflag:$0x6], $0x10, s21, s9, $0xb8;
	[tilespmem:$0x1C800] =	vst v63  }
0xae: {  	s22 =	rddreg [dreg:$0xd]  }
0xaf: {  	[tilespmem:s15], [sflag:$0x4] =	stream.indirect.gather [spmem:s3], $0x10, s22, s9, $0xb8;
	[tilespmem:$0x1C800] =	vst v63  }
0xb0: {  	_ =	swait.ge [sflag:s16], $0x4000  }
0xb1: {  	[sflag:s16] =	ssyncset.done $0x0  }
0xb2: {  	s21 =	rddreg [dreg:$0xe];
	[sflag:s16] =	ssyncadd.s32 $0xFFFFC000  }
0xb3: {  	[spmem:s2] =	stream.indirect.scatter.add.f32 [tilespmem:s13], [sflag:$0x7], $0x10, s21, s9, $0xb8;
	[tilespmem:$0x1C800] =	vst v63  }
0xb4: {  	_ =	swait.ge [sflag:s17], $0x4000  }
0xb5: {  	[sflag:s17] =	ssyncset.done $0x0  }
0xb6: {  	s22 =	rddreg [dreg:$0xf];
	[sflag:s17] =	ssyncadd.s32 $0xFFFFC000  }
0xb7: {  	[tilespmem:s10], [sflag:$0x1] =	stream.indirect.gather [spmem:s3], $0x10, s22, s9, $0xb8;
	[tilespmem:$0x1C800] =	vst v63  }
0xb8: {  	_ =	swait.ge [sflag:s18], $0x4000  }
0xb9: {  	[sflag:s18] =	ssyncset.done $0x0  }
0xba: {  	s21 =	rddreg [dreg:$0x10];
	[sflag:s18] =	ssyncadd.s32 $0xFFFFC000  }
0xbb: {  	[spmem:s2] =	stream.indirect.scatter.add.f32 [tilespmem:s15], [sflag:$0x8], $0x10, s21, s9, $0xb8;
	[tilespmem:$0x1C800] =	vst v63  }
0xbc: {  	_ =	swait.ge [sflag:s19], $0x4000  }
0xbd: {  	[sflag:s19] =	ssyncset.done $0x0  }
0xbe: {  	s22 =	rddreg [dreg:$0x11];
	[sflag:s19] =	ssyncadd.s32 $0xFFFFC000  }
0xbf: {  	[tilespmem:s11], [sflag:$0x2] =	stream.indirect.gather [spmem:s3], $0x10, s22, s9, $0xb8;
	[tilespmem:$0x1C800] =	vst v63  }
0xc0: {  	_ =	swait.ge [sflag:s12], $0x4000  }
0xc1: {  	[sflag:s12] =	ssyncset.done $0x0  }
0xc2: {  	s21 =	rddreg [dreg:$0x12];
	[sflag:s12] =	ssyncadd.s32 $0xFFFFC000  }
0xc3: {  	[spmem:s2] =	stream.indirect.scatter.add.f32 [tilespmem:s10], [sflag:$0x5], $0x10, s21, s9, $0xb8;
	[tilespmem:$0x1C800] =	vst v63  }
0xc4: {  	_ =	swait.ge [sflag:s20], $0x4000  }
0xc5: {  	[sflag:s20] =	ssyncset.done $0x0  }
0xc6: {  	s22 =	simm.s32 $0x1800;
	[sflag:s20] =	ssyncadd.s32 $0xFFFFC000  }
0xc7: {  	[tilespmem:s13], [sflag:$0x3] =	stream.indirect.gather [spmem:s3], $0x10, s22, s9, $0xb8;
	[tilespmem:$0x1C800] =	vst v63  }
0xc8: {  	_ =	swait.ge [sflag:s14], $0x4000  }
0xc9: {  	[sflag:s14] =	ssyncset.done $0x0  }
0xca: {  	s21 =	simm.s32 $0x3C00;
	[sflag:s14] =	ssyncadd.s32 $0xFFFFC000  }
0xcb: {  	[spmem:s2] =	stream.indirect.scatter.add.f32 [tilespmem:s11], [sflag:$0x6], $0x10, s21, s9, $0xb8;
	[tilespmem:$0x1C800] =	vst v63  }
0xcc: {  	_ =	swait.ge [sflag:s23], $0x4000  }
0xcd: {  	[sflag:s23] =	ssyncset.done $0x0  }
0xce: {  	[sflag:s23] =	ssyncadd.s32 $0xFFFFC000  }
0xcf: {  	[tilespmem:s15], [sflag:$0x4] =	stream.indirect.gather [spmem:s3], $0x10, s24, s9, $0xb8;
	[tilespmem:$0x1C800] =	vst v63  }
0xd0: {  	_ =	swait.ge [sflag:s16], $0x4000  }
0xd1: {  	[sflag:s16] =	ssyncset.done $0x0  }
0xd2: {  	[sflag:s16] =	ssyncadd.s32 $0xFFFFC000  }
0xd3: {  	[spmem:s2] =	stream.indirect.scatter.add.f32 [tilespmem:s13], [sflag:$0x7], $0x10, s25, s9, $0xb8;
	[tilespmem:$0x1C800] =	vst v63  }
0xd4: {  	_ =	swait.ge [sflag:s17], $0x4000  }
0xd5: {  	[sflag:s17] =	ssyncset.done $0x0  }
0xd6: {  	[sflag:s17] =	ssyncadd.s32 $0xFFFFC000  }
0xd7: {  	[tilespmem:s10], [sflag:$0x1] =	stream.indirect.gather [spmem:s3], $0x10, s26, s9, $0xb8;
	[tilespmem:$0x1C800] =	vst v63  }
0xd8: {  	_ =	swait.ge [sflag:s18], $0x4000  }
0xd9: {  	[sflag:s18] =	ssyncset.done $0x0  }
0xda: {  	[sflag:s18] =	ssyncadd.s32 $0xFFFFC000  }
0xdb: {  	[spmem:s2] =	stream.indirect.scatter.add.f32 [tilespmem:s15], [sflag:$0x8], $0x10, s28, s9, $0xb8;
	[tilespmem:$0x1C800] =	vst v63  }
0xdc: {  	_ =	swait.ge [sflag:s19], $0x4000  }
0xdd: {  	[sflag:s19] =	ssyncset.done $0x0  }
0xde: {  	[sflag:s19] =	ssyncadd.s32 $0xFFFFC000  }
0xdf: {  	[tilespmem:s11], [sflag:$0x2] =	stream.indirect.gather [spmem:s3], $0x10, s29, s9, $0xb8;
	[tilespmem:$0x1C800] =	vst v63  }
0xe0: {  	_ =	swait.ge [sflag:s12], $0x4000  }
0xe1: {  	[sflag:s12] =	ssyncset.done $0x0  }
0xe2: {  	[sflag:s12] =	ssyncadd.s32 $0xFFFFC000  }
0xe3: {  	[spmem:s2] =	stream.indirect.scatter.add.f32 [tilespmem:s10], [sflag:$0x5], $0x10, s30, s9, $0xb8;
	[tilespmem:$0x1C800] =	vst v63  }
0xe4: {  	_ =	swait.ge [sflag:s14], $0x4000  }
0xe5: {  	[sflag:s14] =	ssyncset.done $0x0  }
0xe6: {  	[sflag:s14] =	ssyncadd.s32 $0xFFFFC000  }
0xe7: {  	[spmem:s2] =	stream.indirect.scatter.add.f32 [tilespmem:s11], [sflag:$0x6], $0x10, s31, s9, $0xb8;
	[tilespmem:$0x1C800] =	vst v63  }
0xe8: {  	_ =	swait.ge [sflag:s20], $0x4000  }
0xe9: {  	[sflag:s20] =	ssyncset.done $0x0  }
0xea: {  	[sflag:s20] =	ssyncadd.s32 $0xFFFFC000  }
0xeb: {  	_ =	swait.ge [sflag:s23], $0x4000  }
0xec: {  	[sflag:s23] =	ssyncset.done $0x0  }
0xed: {  	[sflag:s23] =	ssyncadd.s32 $0xFFFFC000  }
0xee: {  	_ =	swait.ge [sflag:s17], $0x4000  }
0xef: {  	[sflag:s17] =	ssyncset.done $0x0  }
0xf0: {  	[sflag:s17] =	ssyncadd.s32 $0xFFFFC000  }
0xf1: {  	_ =	swait.ge [sflag:s19], $0x4000  }
0xf2: {  	[sflag:s19] =	ssyncset.done $0x0  }
0xf3: {  	[sflag:s19] =	ssyncadd.s32 $0xFFFFC000  }
0xf4: {  	p0 =	sne.s32 s0, $0x1;
	[bflag:$0x0] =	sbarrier.arrive $0xFFFF  }
0xf5: {  	[tilespmem:s6], [sflag:$0x9] =	stream.linear.gather [spmem:s7], $0x2800, $0x38;
	[tilespmem:$0x1C800] =	vst v63  }
.Ltmp1:
0xf6: {  	_ = 	snop;
	(pc) =	sbr.rel @p0 .LBB2_1-.Ltmp1, $4  }
0xf7: {  	_ =	swait.ge [sflag:s5], $0x2800  }
0xf8: {  	[sflag:s5] =	ssyncset.done $0x0  }
0xf9: {  	s0 =	sadd.s32 $0xFFFFFFFF, s0;
	s22 =	rddreg [dreg:$0x8];
	[sflag:s5] =	ssyncadd.s32 $0xFFFFD800  }
0xfa: {  	[hbm4b:s22+s4] =	stream.linear.scatter [tilespmem:s6], [sflag:$0x9], $0x2800, $0x38;
	[tilespmem:$0x1C800] =	vst v63  }
.LBB2_2:
0xfb: {  	_ =	swait.ge [sflag:s5], $0x2800  }
0xfc: {  	[sflag:s5] =	ssyncset.done $0x0  }
0xfd: {  	[sflag:s5] =	ssyncadd.s32 $0xFFFFD800  }
0xfe: {  	_ =	sfence.sel $0x180000  }
0xff: {  	[bflag:$0x0] =	sbarrier.arrive $0xFFFF  }
0x100: {  	_ =	strace $0x9000004A  }
0x101: {  	s0 =	stileid.u32;
	[bflag:$0x2] =	sbarrier.arrive $0xFFFF  }
0x102: {  	p0 =	sne.s32 s0, $0x0;
	s0 =	rddreg [dreg:$0x3]  }
0x103: {  	s0 =	sadd.s32 @!p0 $0x100000, s0  }
0x104: {  	[sflag:s0] =	ssyncadd.tile.s32 @!p0 $0x1;
	_ =	shalt  }
.Lfunc_end2:
_tile_overlayer_lowered:
.L_overlay_start_2:
0x105: {  	(tag) =	ssettag $0x2  }
0x106: {  	s0 =	rddreg [dreg:$0x0];
	s2 =	stileid.u32  }
0x107: {  	s1 =	rddreg [dreg:$0x1];
	p0 =	sne.s32 s2, $0x0  }
0x108: {  	s3 =	rddreg [dreg:$0x2];
	[bflag:$0x3] =	sbarrier.arrive $0xFFFF;
	s2 =	simm.s32 @!p0 $0x1C09  }
0x109: {  	[timem:s3], [sflag:s2] =	dma.local @!p0 [hbm:s0], s1  }
0x10a: {  	s0 =	simm.s32 @!p0 $0x9  }
0x10b: {  	_ =	swait.ge @!p0 [sflag:s0], s1  }
0x10c: {  	s1 =	ssub.s32 @!p0 $0x0, s1;
	[sflag:s0] =	ssyncset.done @!p0 $0x0  }
0x10d: {  	[sflag:s0] =	ssyncadd.s32 @!p0 s1  }
0x10e: {  	[bflag:$0x3] =	sbarrier.arrive $0xFFFF  }
0x10f: {  	_ =	shalt  }

// kernel: gcn_scatter.7.cloned.1.call-start
scs
__scs_entry_jumppad:
0x0: {  	(pc) =	sbr.rel $0x88, $3  }
0x1: {  	(tag) =	ssettag $0x0;
	lr =	simm.s32 $0x1  }
0x2: {  	[smem:$0x3F9B] =	sst lr;
	_ =	strace $0xD0000000  }
0x3: {  	_ = 	snop  }
0x4: {  	_ = 	snop  }
0x5: {  	_ = 	snop  }
0x6: {  	_ = 	snop  }
0x7: {  	_ = 	snop  }
__scs_overlays_trampoline_lowered:
0x8: {  	[smem:$0x3FAA] =	sst s0  }
0x9: {  	[smem:$0x3FAB] =	sst s1  }
0xa: {  	[smem:$0x3FAC] =	sst s2  }
0xb: {  	[smem:$0x3FAD] =	sst s3  }
0xc: {  	[smem:$0x3FAE] =	sst s4  }
0xd: {  	[smem:$0x3FAF] =	sst s5  }
0xe: {  	[smem:$0x3FB0] =	sst s6  }
0xf: {  	[smem:$0x3FB1] =	sst s7  }
0x10: {  	[smem:$0x3FB2] =	sst s8  }
0x11: {  	[smem:$0x3FB3] =	sst s9;
	s0 =	simm.s32 @!p0 $0x0  }
0x12: {  	s1 =	sld [smem:$0x3F99];
	s0 =	simm.s32 @p0 $0x1  }
0x13: {  	[smem:$0x3FB4] =	sst s0;
	s0 =	simm.s32 @!p1 $0x0  }
0x14: {  	s2 =	sld [smem:$0x3F98];
	s0 =	simm.s32 @p1 $0x1  }
0x15: {  	[smem:$0x3FB5] =	sst s0;
	s0 =	simm.s32 @!p2 $0x0  }
0x16: {  	s3 =	sld [smem:$0x3FDB];
	s0 =	simm.s32 @p2 $0x1  }
0x17: {  	s4 =	simm.s32 $0x1BF5;
	[smem:$0x3FB7] =	sst s0  }
0x18: {  	s0 =	sld [smem:$0x3F9A];
	_ =	swait.ge [sflag:s4], $0x0  }
0x19: {  	s7 =	sld [smem:$0x3F9B]  }
0x1a: {  	s8 =	sadd.s32 $0xFFFFE003, lr  }
0x1b: {  	s9 =	sadd.s32 $0xFFFFFEF7, lr;
	s5 =	simm.s32 $0xFFFFFFFF;
	p2 =	slt.u32 s8, $0xFFFFF086  }
0x1c: {  	p1 =	slt.u32 s9, $0xF7A;
	s5 =	simm.s32 @!p2 $0x0  }
0x1d: {  	s5 =	simm.s32 @p1 $0x1;
	p0 =	seq.s32 s7, s2  }
0x1e: {  	s7 =	smul.u32 @!p0 $0xF7A, s2;
	p2 =	seq.s32 @!p0 s5, $0x0  }
0x1f: {  	s9 =	smul.u32 $0xF7A, s1;
	s8 =	simm.s32 @!p0 $0x1BF5;
	p2 =	por !p2, p0  }
0x20: {  	[sflag:s8] =	ssyncset.s32 @!p0 $0xFFFFF086;
	s6 =	sadd.s32 @!p0 s3, s7;
	s7 =	simm.s32 @!p0 $0x108  }
0x21: {  	s3 =	sadd.s32 s3, s9;
	s6 =	sadd.s32 @!p0 $0x88, s6;
	s7 =	simm.s32 @p2 $0x1082  }
0x22: {  	[simem:s7], [sflag:s8] =	dma.local @!p0 [hbm:s6], $0xF7A  }
0x23: {  	s9 =	sor.u32 $0xD0000000, s2;
	s6 =	simm.s32 $0x108;
	_ =	swait.ge @!p0 [sflag:s8], $0x0  }
0x24: {  	s3 =	sadd.s32 $0x88, s3;
	s6 =	simm.s32 @!p1 $0x1082;
	[sflag:s4] =	ssyncset.s32 $0xFFFFF086  }
0x25: {  	[simem:s6], [sflag:s4] =	dma.local [hbm:s3], $0xF7A  }
0x26: {  	[smem:$0x3F9B] =	sst s1;
	(tag) =	ssettag s2;
	_ =	strace s9  }
0x27: {  	s1 =	sld [smem:$0x3FAB]  }
0x28: {  	s2 =	sld [smem:$0x3FAC]  }
0x29: {  	s4 =	sld [smem:$0x3FAE]  }
0x2a: {  	p0 =	seq.s32 s5, $0x0;
	s5 =	sld [smem:$0x3FAF]  }
0x2b: {  	s6 =	sld [smem:$0x3FB0]  }
0x2c: {  	s7 =	sld [smem:$0x3FB1]  }
0x2d: {  	s3 =	simm.s32 $0x108;
	s8 =	sld [smem:$0x3FB2]  }
0x2e: {  	s3 =	simm.s32 @!p0 $0x1082;
	s9 =	sld [smem:$0x3FB3]  }
0x2f: {  	lr =	sadd.s32 s0, s3;
	s0 =	sld [smem:$0x3FAA]  }
0x30: {  	s3 =	sld [smem:$0x3FAD]  }
0x31: {  	[smem:$0x3FB6] =	sst s10  }
0x32: {  	s10 =	sld [smem:$0x3FB4];
	_ =	sdelay $0x3  }
0x33: {  	p0 =	seq.s32 s10, $0x1;
	s10 =	sld [smem:$0x3FB6];
	_ =	sdelay $0x3  }
0x34: {  	[smem:$0x3FB6] =	sst s10  }
0x35: {  	s10 =	sld [smem:$0x3FB5];
	_ =	sdelay $0x3  }
0x36: {  	p1 =	seq.s32 s10, $0x1;
	s10 =	sld [smem:$0x3FB6];
	_ =	sdelay $0x3  }
0x37: {  	[smem:$0x3FB6] =	sst s10  }
0x38: {  	s10 =	sld [smem:$0x3FB7]  }
0x39: {  	_ = 	snop;
	(pc) =	sbr.ind lr, $3  }
0x3a: {  	_ = 	snop  }
0x3b: {  	_ = 	snop  }
0x3c: {  	p2 =	seq.s32 s10, $0x1;
	s10 =	sld [smem:$0x3FB6]  }
0x3d: {  	_ =	shalt  }
0x3e: {  	_ =	shalt  }
0x3f: {  	_ =	shalt  }
0x40: {  	_ =	shalt  }
0x41: {  	_ =	shalt  }
0x42: {  	_ =	shalt  }
0x43: {  	_ =	shalt  }
0x44: {  	_ =	shalt  }
0x45: {  	_ =	shalt  }
0x46: {  	_ =	shalt  }
0x47: {  	_ =	shalt  }
0x48: {  	_ =	shalt  }
0x49: {  	_ =	shalt  }
0x4a: {  	_ =	shalt  }
0x4b: {  	_ =	shalt  }
0x4c: {  	_ =	shalt  }
0x4d: {  	_ =	shalt  }
0x4e: {  	_ =	shalt  }
0x4f: {  	_ =	shalt  }
0x50: {  	_ =	shalt  }
0x51: {  	_ =	shalt  }
0x52: {  	_ =	shalt  }
0x53: {  	_ =	shalt  }
0x54: {  	_ =	shalt  }
0x55: {  	_ =	shalt  }
0x56: {  	_ =	shalt  }
0x57: {  	_ =	shalt  }
0x58: {  	_ =	shalt  }
0x59: {  	_ =	shalt  }
0x5a: {  	_ =	shalt  }
0x5b: {  	_ =	shalt  }
0x5c: {  	_ =	shalt  }
0x5d: {  	_ =	shalt  }
0x5e: {  	_ =	shalt  }
0x5f: {  	_ =	shalt  }
0x60: {  	_ =	shalt  }
0x61: {  	_ =	shalt  }
0x62: {  	_ =	shalt  }
0x63: {  	_ =	shalt  }
0x64: {  	_ =	shalt  }
0x65: {  	_ =	shalt  }
0x66: {  	_ =	shalt  }
0x67: {  	_ =	shalt  }
0x68: {  	_ =	shalt  }
0x69: {  	_ =	shalt  }
0x6a: {  	_ =	shalt  }
0x6b: {  	_ =	shalt  }
0x6c: {  	_ =	shalt  }
0x6d: {  	_ =	shalt  }
0x6e: {  	_ =	shalt  }
0x6f: {  	_ =	shalt  }
0x70: {  	_ =	shalt  }
0x71: {  	_ =	shalt  }
0x72: {  	_ =	shalt  }
0x73: {  	_ =	shalt  }
0x74: {  	_ =	shalt  }
0x75: {  	_ =	shalt  }
0x76: {  	_ =	shalt  }
0x77: {  	_ =	shalt  }
0x78: {  	_ =	shalt  }
0x79: {  	_ =	shalt  }
0x7a: {  	_ =	shalt  }
0x7b: {  	_ =	shalt  }
0x7c: {  	_ =	shalt  }
0x7d: {  	_ =	shalt  }
0x7e: {  	_ =	shalt  }
0x7f: {  	_ =	shalt  }
0x80: {  	_ =	shalt  }
0x81: {  	_ =	shalt  }
0x82: {  	_ =	shalt  }
0x83: {  	_ =	shalt  }
0x84: {  	_ =	shalt  }
0x85: {  	_ =	shalt  }
0x86: {  	_ =	shalt  }
0x87: {  	_ =	shalt  }
.Lfunc_end0:
.L_simem_size_0:
called_computation.2_lowered:
.L_overlay_start_0:
0x88: {  	s2 =	sld [smem:$0x3FD9]  }
0x89: {  	s3 =	sld [smem:$0x3FFE];
	_ =	sdelay $0x1  }
0x8a: {  	s1 =	srdreg.scid  }
0x8b: {  	s0 =	sand.u32 $0x1, s1  }
0x8c: {  	s16 =	sshll.u32 s0, $0xA;
	s2 =	sadd.s32 s3, s2  }
0x8d: {  	s2 =	sadd.s32 s2, s16  }
0x8e: {  	[smem:$0x3FC2] =	sst s2  }
0x8f: {  	_ = 	snop  }
0x90: {  	(tm) =	ssettm $0x1  }
0x91: {  	s17 =	sld [smem:$0x3FFB];
	_ =	sdelay $0x3  }
0x92: {  	_ =	strace s17  }
0x93: {  	s2 =	sld [smem:$0x3FFC];
	_ =	sdelay $0x3  }
0x94: {  	_ =	strace s2  }
0x95: {  	s2 =	sld [smem:$0x3FFD];
	_ =	sdelay $0x3  }
0x96: {  	_ =	strace s2  }
0x97: {  	_ =	strace $0x8FFFFFFF  }
0x98: {  	s18 =	sld [smem:$0x3FDB];
	_ =	sdelay $0x1  }
0x99: {  	s19 =	simm.s32 $_scs_section_size  }
0x9a: {  	s4 =	simm.s32 $_size__tile_overlayer_lowered;
	s5 =	simm.s32 $_tile_overlayer_lowered  }
0x9b: {  	s22 =	simm.s32 $0x1BFF;
	s21 =	sshll.u32 s5, $0x1;
	s2 =	sadd.s32 s19, s18  }
0x9c: {  	s6 =	simm.s32 $0x0;
	s20 =	sshll.u32 s4, $0x1;
	s4 =	sadd.s32 s21, s2  }
0x9d: {  	[timem:s6], [sflag:s22] =	dma.local [hbm:s4], s20  }
0x9e: {  	_ =	swait.ge [sflag:s22], s20  }
0x9f: {  	s3 =	ssub.s32 $0x0, s20;
	[sflag:s22] =	ssyncset.done $0x0  }
0xa0: {  	[sflag:s22] =	ssyncadd.s32 s3;
	_ =	sdelay $0x1  }
0xa1: {  	s23 =	simm.s32 $0x1B8B  }
0xa2: {  	_ =	swait.ge [sflag:s23], $0x1  }
0xa3: {  	[sflag:s23] =	ssyncset.done $0x0  }
0xa4: {  	s25 =	simm.s32 $0x1B8E;
	s24 =	sld [smem:$0x3FFE];
	[sflag:s23] =	ssyncadd.s32 $0xFFFFFFFF  }
0xa5: {  	s26 =	simm.s32 $execute0_lowered;
	[smem:$0x3FD2] =	sst s25  }
0xa6: {  	s4 =	sshll.u32 s26, $0x1;
	_ =	strace $0x8000004C;
	[dreg:$0x1] =	wrdreg $0xFFFFFFFF  }
0xa7: {  	s28 =	simm.s32 $_size_execute0_lowered;
	s2 =	sadd.s32 s2, s4;
	[dreg:$0x0] =	wrdreg $0x0  }
0xa8: {  	s4 =	sshll.u32 s28, $0x1;
	[dreg:$0x2] =	wrdreg s2  }
0xa9: {  	[dreg:$0x3] =	wrdreg s4  }
0xaa: {  	[dreg:$0x4] =	wrdreg $0xC0  }
0xab: {  	_ =	task [dreg:s6], $0x5FFFF  }
0xac: {  	[dreg:$0x1] =	wrdreg $0xFFFFFFFF  }
0xad: {  	[dreg:$0x0] =	wrdreg $0x60  }
0xae: {  	[dreg:$0x2] =	wrdreg s24  }
0xaf: {  	[dreg:$0x3] =	wrdreg $0x178000  }
0xb0: {  	[dreg:$0x4] =	wrdreg $0x1A0000  }
0xb1: {  	[dreg:$0x5] =	wrdreg $0x9  }
0xb2: {  	_ =	task.clear_ibuf [dreg:s6], $0x6FFFF;
	_ =	strace $0x9000004C  }
0xb3: {  	s29 =	simm.s32 $0x9;
	_ =	strace $0x8000004E  }
0xb4: {  	_ =	swait.ge [sflag:s29], $0x1  }
0xb5: {  	[sflag:s29] =	ssyncadd.s32 $0xFFFFFFFF  }
0xb6: {  	_ =	strace $0x9000004E  }
0xb7: {  	_ =	sfence  }
0xb8: {  	s30 =	sld [smem:$0x0];
	_ =	sdelay $0x2  }
0xb9: {  	s31 =	sshll.u32 s1, $0xD;
	s1 =	sshrl.u32 s1, $0x2  }
0xba: {  	s3 =	sand.u32 $0x4000, s31;
	s1 =	sadd.s32 s1, s30  }
0xbb: {  	s0 =	sor.u32 s3, s0;
	s1 =	sshll.u32 s1, $0x11  }
0xbc: {  	s0 =	sor.u32 s1, s0  }
0xbd: {  	s0 =	sadd.s32 $0x8F2B, s0  }
0xbe: {  	[sflag:s0] =	ssyncadd.remote.s32 $0x1  }
0xbf: {  	_ =	sfence.sel $0xFFFF  }
0xc0: {  	[dreg:$0x0] =	wrdreg $0xFFFFFFFF;
	(pc) =	sbr.abs _section_cstart, $3  }
0xc1: {  	[dreg:$0x1] =	wrdreg $0xFFFFFFFF  }
0xc2: {  	_ =	task.clear_ibuf [dreg:s6], $0x2FFFF;
	_ =	strace $0x9FFFFFFF  }
0xc3: {  	(tm) =	ssettm $0x7FFFFFFF  }
tec
execute0_lowered:
.L_overlay_start_1:
0x0: {  	(tag) =	ssettag $0x1  }
0x1: {  	s5 =	rddreg [dreg:$0x0]  }
0x2: {  	s2 =	rddreg [dreg:$0x1]  }
0x3: {  	s0 =	srdreg.scid;
	s3 =	rddreg [dreg:$0x2];
	s4 =	simm.s32 $0x0  }
0x4: {  	s1 =	stileid.u32;
	[smem:$0x7FF] =	sst s4;
	s10 =	sadd.s32 $0x2000, s5  }
0x5: {  	s12 =	simm.s32 $0xC00;
	_ =	strace $0x8000004D;
	[dreg:$0x4] =	wrdreg s10  }
0x6: {  	s13 =	simm.s32 $0x3000;
	s14 =	simm.s32 $0x1000;
	[dreg:$0xd] =	wrdreg s12  }
0x7: {  	s15 =	simm.s32 $0x3400;
	s16 =	simm.s32 $0x1400;
	[dreg:$0xe] =	wrdreg s13  }
0x8: {  	s18 =	simm.s32 $0x3800;
	s7 =	smul.u32 $0x2800, s1;
	[dreg:$0xf] =	wrdreg s14  }
0x9: {  	s0 =	sand.u32 $0x1, s0;
	s9 =	smul.u32 $0x500, s1;
	[dreg:$0x10] =	wrdreg s15  }
0xa: {  	s26 =	sshll.u32 s1, $0x6;
	s6 =	sshll.u32 s0, $0x4;
	[dreg:$0x11] =	wrdreg s16  }
0xb: {  	s11 =	smul.u32 $0x5000, s0;
	s10 =	simm.s32 $0x800;
	[dreg:$0x12] =	wrdreg s18  }
0xc: {  	s6 =	sor.u32 s1, s6;
	s8 =	sshrl.u32 s7, $0x3;
	[dreg:$0xb] =	wrdreg s10  }
0xd: {  	s1 =	sadd.s32 s7, s3;
	s17 =	rddreg [dreg:$0x4];
	s6 =	smul.u32 $0x500, s6  }
0xe: {  	s8 =	sadd.s32 s8, s5;
	s9 =	sadd.s32 s9, s11;
	s11 =	simm.s32 $0x2C00  }
0xf: {  	s8 =	sadd.s32 $0xC600, s8;
	[dreg:$0xc] =	wrdreg s11;
	s6 =	sadd.s32 s6, s5  }
0x10: {  	[dreg:$0x5] =	wrdreg s8;
	s5 =	sadd.s32 s9, s5;
	s9 =	sshrl.u32 s1, $0x3  }
0x11: {  	s25 =	sadd.s32 $0x2600, s6;
	[dreg:$0xa] =	wrdreg s9  }
0x12: {  	s6 =	sadd.s32 $0x16600, s6;
	[dreg:$0x6] =	wrdreg s25  }
0x13: {  	s5 =	sadd.s32 $0x20600, s5;
	[dreg:$0x7] =	wrdreg s6  }
0x14: {  	[dreg:$0x8] =	wrdreg s5;
	s6 =	sor.u32 $0x1C09, s26  }
0x15: {  	s5 =	simm.s32 $0x9;
	[dreg:$0x9] =	wrdreg s6;
	s6 =	simm.s32 $0x15000  }
0x16: {  	[tilespmem:s6], [sflag:$0x9] =	stream.linear.gather [hbm4b:s17+s4], $0x2800, $0x38;
	[tilespmem:$0x1C800] =	vst v63  }
0x17: {  	_ =	swait.ge [sflag:s5], $0x2800  }
0x18: {  	[sflag:s5] =	ssyncset.done $0x0  }
0x19: {  	s7 =	sadd.s32 s7, s2;
	[sflag:s5] =	ssyncadd.s32 $0xFFFFD800  }
0x1a: {  	[spmem:s7] =	stream.linear.scatter [tilespmem:s6], [sflag:$0x9], $0x2800, $0x38;
	[tilespmem:$0x1C800] =	vst v63  }
0x1b: {  	_ =	swait.ge [sflag:s5], $0x2800  }
0x1c: {  	s19 =	rddreg [dreg:$0xa]  }
0x1d: {  	s20 =	rddreg [dreg:$0x5];
	[sflag:s5] =	ssyncset.done $0x0  }
0x1e: {  	s21 =	rddreg [dreg:$0x9];
	[sflag:s5] =	ssyncadd.s32 $0xFFFFD800  }
0x1f: {  	[spmem:s19], [sflag:s21] =	dma.local [hbm:s20], $0x500  }
0x20: {  	_ =	swait.ge [sflag:s5], $0x500  }
0x21: {  	[sflag:s5] =	ssyncset.done $0x0  }
0x22: {  	[sflag:s5] =	ssyncadd.s32 $0xFFFFFB00  }
0x23: {  	[bflag:$0x0] =	sbarrier.arrive $0xFFFF  }
0x24: {  	s8 =	simm.s32 $0x2800;
	s22 =	rddreg [dreg:$0x6]  }
0x25: {  	[tilespmem:s8], [sflag:$0x9] =	stream.linear.gather [hbm4b:s22+s4], $0x2800, $0x38;
	[tilespmem:$0x1C800] =	vst v63  }
0x26: {  	_ =	swait.ge [sflag:s5], $0x2800  }
0x27: {  	[sflag:s5] =	ssyncset.done $0x0  }
0x28: {  	s23 =	rddreg [dreg:$0x7];
	[sflag:s5] =	ssyncadd.s32 $0xFFFFD800  }
0x29: {  	[tilespmem:s4], [sflag:$0x9] =	stream.linear.gather [hbm4b:s23+s4], $0x2800, $0x38;
	[tilespmem:$0x1C800] =	vst v63  }
0x2a: {  	_ =	swait.ge [sflag:s5], $0x2800  }
0x2b: {  	[sflag:s5] =	ssyncset.done $0x0  }
0x2c: {  	s10 =	simm.s32 $0x5000;
	s9 =	simm.s32 $0x400;
	[sflag:s5] =	ssyncadd.s32 $0xFFFFD800  }
0x2d: {  	[tilespmem:s10], [sflag:$0x1] =	stream.indirect.gather [spmem:s3], $0x10, s4, s9, $0xb8;
	[tilespmem:$0x1C800] =	vst v63  }
0x2e: {  	s12 =	simm.s32 $0x1;
	s11 =	simm.s32 $0x9000  }
0x2f: {  	[tilespmem:s11], [sflag:$0x2] =	stream.indirect.gather [spmem:s3], $0x10, s9, s9, $0xb8;
	[tilespmem:$0x1C800] =	vst v63  }
0x30: {  	_ =	swait.ge [sflag:s12], $0x4000  }
0x31: {  	[sflag:s12] =	ssyncset.done $0x0  }
0x32: {  	[sflag:s12] =	ssyncadd.s32 $0xFFFFC000  }
0x33: {  	[spmem:s2] =	stream.indirect.scatter.add.f32 [tilespmem:s10], [sflag:$0x5], $0x10, s8, s9, $0xb8;
	[tilespmem:$0x1C800] =	vst v63  }
0x34: {  	s13 =	simm.s32 $0xD000;
	s14 =	simm.s32 $0x2;
	s15 =	rddreg [dreg:$0xb]  }
0x35: {  	[tilespmem:s13], [sflag:$0x3] =	stream.indirect.gather [spmem:s3], $0x10, s15, s9, $0xb8;
	[tilespmem:$0x1C800] =	vst v63  }
0x36: {  	_ =	swait.ge [sflag:s14], $0x4000  }
0x37: {  	[sflag:s14] =	ssyncset.done $0x0  }
0x38: {  	s24 =	rddreg [dreg:$0xc];
	[sflag:s14] =	ssyncadd.s32 $0xFFFFC000  }
0x39: {  	[spmem:s2] =	stream.indirect.scatter.add.f32 [tilespmem:s11], [sflag:$0x6], $0x10, s24, s9, $0xb8;
	[tilespmem:$0x1C800] =	vst v63  }
0x3a: {  	s16 =	simm.s32 $0x3;
	s15 =	simm.s32 $0x11000;
	s17 =	rddreg [dreg:$0xd]  }
0x3b: {  	[tilespmem:s15], [sflag:$0x4] =	stream.indirect.gather [spmem:s3], $0x10, s17, s9, $0xb8;
	[tilespmem:$0x1C800] =	vst v63  }
0x3c: {  	_ =	swait.ge [sflag:s16], $0x4000  }
0x3d: {  	[sflag:s16] =	ssyncset.done $0x0  }
0x3e: {  	s17 =	simm.s32 $0x5;
	s18 =	rddreg [dreg:$0xe];
	[sflag:s16] =	ssyncadd.s32 $0xFFFFC000  }
0x3f: {  	[spmem:s2] =	stream.indirect.scatter.add.f32 [tilespmem:s13], [sflag:$0x7], $0x10, s18, s9, $0xb8;
	[tilespmem:$0x1C800] =	vst v63  }
0x40: {  	_ =	swait.ge [sflag:s17], $0x4000  }
0x41: {  	[sflag:s17] =	ssyncset.done $0x0  }
0x42: {  	s18 =	simm.s32 $0x4;
	s19 =	rddreg [dreg:$0xf];
	[sflag:s17] =	ssyncadd.s32 $0xFFFFC000  }
0x43: {  	[tilespmem:s10], [sflag:$0x1] =	stream.indirect.gather [spmem:s3], $0x10, s19, s9, $0xb8;
	[tilespmem:$0x1C800] =	vst v63  }
0x44: {  	_ =	swait.ge [sflag:s18], $0x4000  }
0x45: {  	[sflag:s18] =	ssyncset.done $0x0  }
0x46: {  	s19 =	simm.s32 $0x6;
	s20 =	rddreg [dreg:$0x10];
	[sflag:s18] =	ssyncadd.s32 $0xFFFFC000  }
0x47: {  	[spmem:s2] =	stream.indirect.scatter.add.f32 [tilespmem:s15], [sflag:$0x8], $0x10, s20, s9, $0xb8;
	[tilespmem:$0x1C800] =	vst v63  }
0x48: {  	_ =	swait.ge [sflag:s19], $0x4000  }
0x49: {  	[sflag:s19] =	ssyncset.done $0x0  }
0x4a: {  	s25 =	rddreg [dreg:$0x11];
	[sflag:s19] =	ssyncadd.s32 $0xFFFFC000  }
0x4b: {  	[tilespmem:s11], [sflag:$0x2] =	stream.indirect.gather [spmem:s3], $0x10, s25, s9, $0xb8;
	[tilespmem:$0x1C800] =	vst v63  }
0x4c: {  	_ =	swait.ge [sflag:s12], $0x4000  }
0x4d: {  	[sflag:s12] =	ssyncset.done $0x0  }
0x4e: {  	s20 =	simm.s32 $0x7;
	s21 =	rddreg [dreg:$0x12];
	[sflag:s12] =	ssyncadd.s32 $0xFFFFC000  }
0x4f: {  	[spmem:s2] =	stream.indirect.scatter.add.f32 [tilespmem:s10], [sflag:$0x5], $0x10, s21, s9, $0xb8;
	[tilespmem:$0x1C800] =	vst v63  }
0x50: {  	_ =	swait.ge [sflag:s20], $0x4000  }
0x51: {  	[sflag:s20] =	ssyncset.done $0x0  }
0x52: {  	s26 =	simm.s32 $0x1800;
	[sflag:s20] =	ssyncadd.s32 $0xFFFFC000  }
0x53: {  	[tilespmem:s13], [sflag:$0x3] =	stream.indirect.gather [spmem:s3], $0x10, s26, s9, $0xb8;
	[tilespmem:$0x1C800] =	vst v63  }
0x54: {  	_ =	swait.ge [sflag:s14], $0x4000  }
0x55: {  	[sflag:s14] =	ssyncset.done $0x0  }
0x56: {  	s23 =	simm.s32 $0x8;
	s21 =	simm.s32 $0x3C00;
	[sflag:s14] =	ssyncadd.s32 $0xFFFFC000  }
0x57: {  	[spmem:s2] =	stream.indirect.scatter.add.f32 [tilespmem:s11], [sflag:$0x6], $0x10, s21, s9, $0xb8;
	[tilespmem:$0x1C800] =	vst v63  }
0x58: {  	_ =	swait.ge [sflag:s23], $0x4000  }
0x59: {  	[sflag:s23] =	ssyncset.done $0x0  }
0x5a: {  	s24 =	simm.s32 $0x1C00;
	[sflag:s23] =	ssyncadd.s32 $0xFFFFC000  }
0x5b: {  	[tilespmem:s15], [sflag:$0x4] =	stream.indirect.gather [spmem:s3], $0x10, s24, s9, $0xb8;
	[tilespmem:$0x1C800] =	vst v63  }
0x5c: {  	_ =	swait.ge [sflag:s16], $0x4000  }
0x5d: {  	[sflag:s16] =	ssyncset.done $0x0  }
0x5e: {  	s25 =	simm.s32 $0x4000;
	[sflag:s16] =	ssyncadd.s32 $0xFFFFC000  }
0x5f: {  	[spmem:s2] =	stream.indirect.scatter.add.f32 [tilespmem:s13], [sflag:$0x7], $0x10, s25, s9, $0xb8;
	[tilespmem:$0x1C800] =	vst v63  }
0x60: {  	_ =	swait.ge [sflag:s17], $0x4000  }
0x61: {  	[sflag:s17] =	ssyncset.done $0x0  }
0x62: {  	s26 =	simm.s32 $0x2000;
	[sflag:s17] =	ssyncadd.s32 $0xFFFFC000  }
0x63: {  	[tilespmem:s10], [sflag:$0x1] =	stream.indirect.gather [spmem:s3], $0x10, s26, s9, $0xb8;
	[tilespmem:$0x1C800] =	vst v63  }
0x64: {  	_ =	swait.ge [sflag:s18], $0x4000  }
0x65: {  	[sflag:s18] =	ssyncset.done $0x0  }
0x66: {  	s28 =	simm.s32 $0x4400;
	[sflag:s18] =	ssyncadd.s32 $0xFFFFC000  }
0x67: {  	[spmem:s2] =	stream.indirect.scatter.add.f32 [tilespmem:s15], [sflag:$0x8], $0x10, s28, s9, $0xb8;
	[tilespmem:$0x1C800] =	vst v63  }
0x68: {  	_ =	swait.ge [sflag:s19], $0x4000  }
0x69: {  	[sflag:s19] =	ssyncset.done $0x0  }
0x6a: {  	s29 =	simm.s32 $0x2400;
	[sflag:s19] =	ssyncadd.s32 $0xFFFFC000  }
0x6b: {  	[tilespmem:s11], [sflag:$0x2] =	stream.indirect.gather [spmem:s3], $0x10, s29, s9, $0xb8;
	[tilespmem:$0x1C800] =	vst v63  }
0x6c: {  	_ =	swait.ge [sflag:s12], $0x4000  }
0x6d: {  	[sflag:s12] =	ssyncset.done $0x0  }
0x6e: {  	s30 =	simm.s32 $0x4800;
	[sflag:s12] =	ssyncadd.s32 $0xFFFFC000  }
0x6f: {  	[spmem:s2] =	stream.indirect.scatter.add.f32 [tilespmem:s10], [sflag:$0x5], $0x10, s30, s9, $0xb8;
	[tilespmem:$0x1C800] =	vst v63  }
0x70: {  	_ =	swait.ge [sflag:s14], $0x4000  }
0x71: {  	[sflag:s14] =	ssyncset.done $0x0  }
0x72: {  	s31 =	simm.s32 $0x4C00;
	[sflag:s14] =	ssyncadd.s32 $0xFFFFC000  }
0x73: {  	[spmem:s2] =	stream.indirect.scatter.add.f32 [tilespmem:s11], [sflag:$0x6], $0x10, s31, s9, $0xb8;
	[tilespmem:$0x1C800] =	vst v63  }
0x74: {  	_ =	swait.ge [sflag:s20], $0x4000  }
0x75: {  	[sflag:s20] =	ssyncset.done $0x0  }
0x76: {  	[sflag:s20] =	ssyncadd.s32 $0xFFFFC000  }
0x77: {  	_ =	swait.ge [sflag:s23], $0x4000  }
0x78: {  	[sflag:s23] =	ssyncset.done $0x0  }
0x79: {  	[sflag:s23] =	ssyncadd.s32 $0xFFFFC000  }
0x7a: {  	_ =	swait.ge [sflag:s17], $0x4000  }
0x7b: {  	[sflag:s17] =	ssyncset.done $0x0  }
0x7c: {  	s0 =	ssub.s32 $0x2, s0;
	[sflag:s17] =	ssyncadd.s32 $0xFFFFC000  }
0x7d: {  	s22 =	sshrl.u32 s0, $0x1;
	_ =	swait.ge [sflag:s19], $0x4000  }
0x7e: {  	s0 =	ssub.s32 s0, s22;
	[sflag:s19] =	ssyncset.done $0x0  }
0x7f: {  	s0 =	smax.u32 s0, $0x1;
	[sflag:s19] =	ssyncadd.s32 $0xFFFFC000  }
0x80: {  	p0 =	sne.s32 s0, $0x1;
	[bflag:$0x0] =	sbarrier.arrive $0xFFFF  }
0x81: {  	[tilespmem:s6], [sflag:$0x9] =	stream.linear.gather [spmem:s7], $0x2800, $0x38;
	[tilespmem:$0x1C800] =	vst v63  }
.Ltmp0:
0x82: {  	_ = 	snop;
	(pc) =	sbr.rel @!p0 .LBB2_2-.Ltmp0, $4  }
0x83: {  	_ =	swait.ge [sflag:s5], $0x2800  }
0x84: {  	[sflag:s5] =	ssyncset.done $0x0  }
0x85: {  	s0 =	sadd.s32 $0xFFFFFFFF, s0;
	s21 =	rddreg [dreg:$0x8];
	[sflag:s5] =	ssyncadd.s32 $0xFFFFD800  }
0x86: {  	[hbm4b:s21+s4] =	stream.linear.scatter [tilespmem:s6], [sflag:$0x9], $0x2800, $0x38;
	[tilespmem:$0x1C800] =	vst v63  }
.LBB2_1:
0x87: {  	_ =	swait.ge [sflag:s5], $0x2800  }
0x88: {  	[sflag:s5] =	ssyncset.done $0x0  }
0x89: {  	s1 =	rddreg [dreg:$0x4];
	[sflag:s5] =	ssyncadd.s32 $0xFFFFD800  }
0x8a: {  	[tilespmem:s6], [sflag:$0x9] =	stream.linear.gather [hbm4b:s1+s4], $0x2800, $0x38;
	[tilespmem:$0x1C800] =	vst v63  }
0x8b: {  	_ =	swait.ge [sflag:s5], $0x2800  }
0x8c: {  	[sflag:s5] =	ssyncset.done $0x0  }
0x8d: {  	[sflag:s5] =	ssyncadd.s32 $0xFFFFD800  }
0x8e: {  	[spmem:s7] =	stream.linear.scatter [tilespmem:s6], [sflag:$0x9], $0x2800, $0x38;
	[tilespmem:$0x1C800] =	vst v63  }
0x8f: {  	_ =	swait.ge [sflag:s5], $0x2800  }
0x90: {  	s1 =	rddreg [dreg:$0xa]  }
0x91: {  	[sflag:s5] =	ssyncset.done $0x0;
	s21 =	rddreg [dreg:$0x5]  }
0x92: {  	s22 =	rddreg [dreg:$0x9];
	[sflag:s5] =	ssyncadd.s32 $0xFFFFD800  }
0x93: {  	[spmem:s1], [sflag:s22] =	dma.local [hbm:s21], $0x500  }
0x94: {  	_ =	swait.ge [sflag:s5], $0x500  }
0x95: {  	[sflag:s5] =	ssyncset.done $0x0  }
0x96: {  	[sflag:s5] =	ssyncadd.s32 $0xFFFFFB00  }
0x97: {  	[bflag:$0x0] =	sbarrier.arrive $0xFFFF  }
0x98: {  	s22 =	rddreg [dreg:$0x6]  }
0x99: {  	[tilespmem:s8], [sflag:$0x9] =	stream.linear.gather [hbm4b:s22+s4], $0x2800, $0x38;
	[tilespmem:$0x1C800] =	vst v63  }
0x9a: {  	_ =	swait.ge [sflag:s5], $0x2800  }
0x9b: {  	[sflag:s5] =	ssyncset.done $0x0  }
0x9c: {  	s21 =	rddreg [dreg:$0x7];
	[sflag:s5] =	ssyncadd.s32 $0xFFFFD800  }
0x9d: {  	[tilespmem:s4], [sflag:$0x9] =	stream.linear.gather [hbm4b:s21+s4], $0x2800, $0x38;
	[tilespmem:$0x1C800] =	vst v63  }
0x9e: {  	_ =	swait.ge [sflag:s5], $0x2800  }
0x9f: {  	[sflag:s5] =	ssyncset.done $0x0  }
0xa0: {  	[sflag:s5] =	ssyncadd.s32 $0xFFFFD800  }
0xa1: {  	[tilespmem:s10], [sflag:$0x1] =	stream.indirect.gather [spmem:s3], $0x10, s4, s9, $0xb8;
	[tilespmem:$0x1C800] =	vst v63  }
0xa2: {  	_ = 	snop  }
0xa3: {  	[tilespmem:s11], [sflag:$0x2] =	stream.indirect.gather [spmem:s3], $0x10, s9, s9, $0xb8;
	[tilespmem:$0x1C800] =	vst v63  }
0xa4: {  	_ =	swait.ge [sflag:s12], $0x4000  }
0xa5: {  	[sflag:s12] =	ssyncset.done $0x0  }
0xa6: {  	[sflag:s12] =	ssyncadd.s32 $0xFFFFC000  }
0xa7: {  	[spmem:s2] =	stream.indirect.scatter.add.f32 [tilespmem:s10], [sflag:$0x5], $0x10, s8, s9, $0xb8;
	[tilespmem:$0x1C800] =	vst v63  }
0xa8: {  	s22 =	rddreg [dreg:$0xb]  }
0xa9: {  	[tilespmem:s13], [sflag:$0x3] =	stream.indirect.gather [spmem:s3], $0x10, s22, s9, $0xb8;
	[tilespmem:$0x1C800] =	vst v63  }
0xaa: {  	_ =	swait.ge [sflag:s14], $0x4000  }
0xab: {  	[sflag:s14] =	ssyncset.done $0x0  }
0xac: {  	s21 =	rddreg [dreg:$0xc];
	[sflag:s14] =	ssyncadd.s32 $0xFFFFC000  }
0xad: {  	[spmem:s2] =	stream.indirect.scatter.add.f32 [tilespmem:s11], [sflag:$0x6], $0x10, s21, s9, $0xb8;
	[tilespmem:$0x1C800] =	vst v63  }
0xae: {  	s22 =	rddreg [dreg:$0xd]  }
0xaf: {  	[tilespmem:s15], [sflag:$0x4] =	stream.indirect.gather [spmem:s3], $0x10, s22, s9, $0xb8;
	[tilespmem:$0x1C800] =	vst v63  }
0xb0: {  	_ =	swait.ge [sflag:s16], $0x4000  }
0xb1: {  	[sflag:s16] =	ssyncset.done $0x0  }
0xb2: {  	s21 =	rddreg [dreg:$0xe];
	[sflag:s16] =	ssyncadd.s32 $0xFFFFC000  }
0xb3: {  	[spmem:s2] =	stream.indirect.scatter.add.f32 [tilespmem:s13], [sflag:$0x7], $0x10, s21, s9, $0xb8;
	[tilespmem:$0x1C800] =	vst v63  }
0xb4: {  	_ =	swait.ge [sflag:s17], $0x4000  }
0xb5: {  	[sflag:s17] =	ssyncset.done $0x0  }
0xb6: {  	s22 =	rddreg [dreg:$0xf];
	[sflag:s17] =	ssyncadd.s32 $0xFFFFC000  }
0xb7: {  	[tilespmem:s10], [sflag:$0x1] =	stream.indirect.gather [spmem:s3], $0x10, s22, s9, $0xb8;
	[tilespmem:$0x1C800] =	vst v63  }
0xb8: {  	_ =	swait.ge [sflag:s18], $0x4000  }
0xb9: {  	[sflag:s18] =	ssyncset.done $0x0  }
0xba: {  	s21 =	rddreg [dreg:$0x10];
	[sflag:s18] =	ssyncadd.s32 $0xFFFFC000  }
0xbb: {  	[spmem:s2] =	stream.indirect.scatter.add.f32 [tilespmem:s15], [sflag:$0x8], $0x10, s21, s9, $0xb8;
	[tilespmem:$0x1C800] =	vst v63  }
0xbc: {  	_ =	swait.ge [sflag:s19], $0x4000  }
0xbd: {  	[sflag:s19] =	ssyncset.done $0x0  }
0xbe: {  	s22 =	rddreg [dreg:$0x11];
	[sflag:s19] =	ssyncadd.s32 $0xFFFFC000  }
0xbf: {  	[tilespmem:s11], [sflag:$0x2] =	stream.indirect.gather [spmem:s3], $0x10, s22, s9, $0xb8;
	[tilespmem:$0x1C800] =	vst v63  }
0xc0: {  	_ =	swait.ge [sflag:s12], $0x4000  }
0xc1: {  	[sflag:s12] =	ssyncset.done $0x0  }
0xc2: {  	s21 =	rddreg [dreg:$0x12];
	[sflag:s12] =	ssyncadd.s32 $0xFFFFC000  }
0xc3: {  	[spmem:s2] =	stream.indirect.scatter.add.f32 [tilespmem:s10], [sflag:$0x5], $0x10, s21, s9, $0xb8;
	[tilespmem:$0x1C800] =	vst v63  }
0xc4: {  	_ =	swait.ge [sflag:s20], $0x4000  }
0xc5: {  	[sflag:s20] =	ssyncset.done $0x0  }
0xc6: {  	s22 =	simm.s32 $0x1800;
	[sflag:s20] =	ssyncadd.s32 $0xFFFFC000  }
0xc7: {  	[tilespmem:s13], [sflag:$0x3] =	stream.indirect.gather [spmem:s3], $0x10, s22, s9, $0xb8;
	[tilespmem:$0x1C800] =	vst v63  }
0xc8: {  	_ =	swait.ge [sflag:s14], $0x4000  }
0xc9: {  	[sflag:s14] =	ssyncset.done $0x0  }
0xca: {  	s21 =	simm.s32 $0x3C00;
	[sflag:s14] =	ssyncadd.s32 $0xFFFFC000  }
0xcb: {  	[spmem:s2] =	stream.indirect.scatter.add.f32 [tilespmem:s11], [sflag:$0x6], $0x10, s21, s9, $0xb8;
	[tilespmem:$0x1C800] =	vst v63  }
0xcc: {  	_ =	swait.ge [sflag:s23], $0x4000  }
0xcd: {  	[sflag:s23] =	ssyncset.done $0x0  }
0xce: {  	[sflag:s23] =	ssyncadd.s32 $0xFFFFC000  }
0xcf: {  	[tilespmem:s15], [sflag:$0x4] =	stream.indirect.gather [spmem:s3], $0x10, s24, s9, $0xb8;
	[tilespmem:$0x1C800] =	vst v63  }
0xd0: {  	_ =	swait.ge [sflag:s16], $0x4000  }
0xd1: {  	[sflag:s16] =	ssyncset.done $0x0  }
0xd2: {  	[sflag:s16] =	ssyncadd.s32 $0xFFFFC000  }
0xd3: {  	[spmem:s2] =	stream.indirect.scatter.add.f32 [tilespmem:s13], [sflag:$0x7], $0x10, s25, s9, $0xb8;
	[tilespmem:$0x1C800] =	vst v63  }
0xd4: {  	_ =	swait.ge [sflag:s17], $0x4000  }
0xd5: {  	[sflag:s17] =	ssyncset.done $0x0  }
0xd6: {  	[sflag:s17] =	ssyncadd.s32 $0xFFFFC000  }
0xd7: {  	[tilespmem:s10], [sflag:$0x1] =	stream.indirect.gather [spmem:s3], $0x10, s26, s9, $0xb8;
	[tilespmem:$0x1C800] =	vst v63  }
0xd8: {  	_ =	swait.ge [sflag:s18], $0x4000  }
0xd9: {  	[sflag:s18] =	ssyncset.done $0x0  }
0xda: {  	[sflag:s18] =	ssyncadd.s32 $0xFFFFC000  }
0xdb: {  	[spmem:s2] =	stream.indirect.scatter.add.f32 [tilespmem:s15], [sflag:$0x8], $0x10, s28, s9, $0xb8;
	[tilespmem:$0x1C800] =	vst v63  }
0xdc: {  	_ =	swait.ge [sflag:s19], $0x4000  }
0xdd: {  	[sflag:s19] =	ssyncset.done $0x0  }
0xde: {  	[sflag:s19] =	ssyncadd.s32 $0xFFFFC000  }
0xdf: {  	[tilespmem:s11], [sflag:$0x2] =	stream.indirect.gather [spmem:s3], $0x10, s29, s9, $0xb8;
	[tilespmem:$0x1C800] =	vst v63  }
0xe0: {  	_ =	swait.ge [sflag:s12], $0x4000  }
0xe1: {  	[sflag:s12] =	ssyncset.done $0x0  }
0xe2: {  	[sflag:s12] =	ssyncadd.s32 $0xFFFFC000  }
0xe3: {  	[spmem:s2] =	stream.indirect.scatter.add.f32 [tilespmem:s10], [sflag:$0x5], $0x10, s30, s9, $0xb8;
	[tilespmem:$0x1C800] =	vst v63  }
0xe4: {  	_ =	swait.ge [sflag:s14], $0x4000  }
0xe5: {  	[sflag:s14] =	ssyncset.done $0x0  }
0xe6: {  	[sflag:s14] =	ssyncadd.s32 $0xFFFFC000  }
0xe7: {  	[spmem:s2] =	stream.indirect.scatter.add.f32 [tilespmem:s11], [sflag:$0x6], $0x10, s31, s9, $0xb8;
	[tilespmem:$0x1C800] =	vst v63  }
0xe8: {  	_ =	swait.ge [sflag:s20], $0x4000  }
0xe9: {  	[sflag:s20] =	ssyncset.done $0x0  }
0xea: {  	[sflag:s20] =	ssyncadd.s32 $0xFFFFC000  }
0xeb: {  	_ =	swait.ge [sflag:s23], $0x4000  }
0xec: {  	[sflag:s23] =	ssyncset.done $0x0  }
0xed: {  	[sflag:s23] =	ssyncadd.s32 $0xFFFFC000  }
0xee: {  	_ =	swait.ge [sflag:s17], $0x4000  }
0xef: {  	[sflag:s17] =	ssyncset.done $0x0  }
0xf0: {  	[sflag:s17] =	ssyncadd.s32 $0xFFFFC000  }
0xf1: {  	_ =	swait.ge [sflag:s19], $0x4000  }
0xf2: {  	[sflag:s19] =	ssyncset.done $0x0  }
0xf3: {  	[sflag:s19] =	ssyncadd.s32 $0xFFFFC000  }
0xf4: {  	p0 =	sne.s32 s0, $0x1;
	[bflag:$0x0] =	sbarrier.arrive $0xFFFF  }
0xf5: {  	[tilespmem:s6], [sflag:$0x9] =	stream.linear.gather [spmem:s7], $0x2800, $0x38;
	[tilespmem:$0x1C800] =	vst v63  }
.Ltmp1:
0xf6: {  	_ = 	snop;
	(pc) =	sbr.rel @p0 .LBB2_1-.Ltmp1, $4  }
0xf7: {  	_ =	swait.ge [sflag:s5], $0x2800  }
0xf8: {  	[sflag:s5] =	ssyncset.done $0x0  }
0xf9: {  	s0 =	sadd.s32 $0xFFFFFFFF, s0;
	s22 =	rddreg [dreg:$0x8];
	[sflag:s5] =	ssyncadd.s32 $0xFFFFD800  }
0xfa: {  	[hbm4b:s22+s4] =	stream.linear.scatter [tilespmem:s6], [sflag:$0x9], $0x2800, $0x38;
	[tilespmem:$0x1C800] =	vst v63  }
.LBB2_2:
0xfb: {  	_ =	swait.ge [sflag:s5], $0x2800  }
0xfc: {  	[sflag:s5] =	ssyncset.done $0x0  }
0xfd: {  	[sflag:s5] =	ssyncadd.s32 $0xFFFFD800  }
0xfe: {  	_ =	sfence.sel $0x180000  }
0xff: {  	[bflag:$0x0] =	sbarrier.arrive $0xFFFF  }
0x100: {  	_ =	strace $0x9000004D  }
0x101: {  	s0 =	stileid.u32;
	[bflag:$0x2] =	sbarrier.arrive $0xFFFF  }
0x102: {  	p0 =	sne.s32 s0, $0x0;
	s0 =	rddreg [dreg:$0x3]  }
0x103: {  	s0 =	sadd.s32 @!p0 $0x100000, s0  }
0x104: {  	[sflag:s0] =	ssyncadd.tile.s32 @!p0 $0x1;
	_ =	shalt  }
.Lfunc_end2:
_tile_overlayer_lowered:
.L_overlay_start_2:
0x105: {  	(tag) =	ssettag $0x2  }
0x106: {  	s0 =	rddreg [dreg:$0x0];
	s2 =	stileid.u32  }
0x107: {  	s1 =	rddreg [dreg:$0x1];
	p0 =	sne.s32 s2, $0x0  }
0x108: {  	s3 =	rddreg [dreg:$0x2];
	[bflag:$0x3] =	sbarrier.arrive $0xFFFF;
	s2 =	simm.s32 @!p0 $0x1C09  }
0x109: {  	[timem:s3], [sflag:s2] =	dma.local @!p0 [hbm:s0], s1  }
0x10a: {  	s0 =	simm.s32 @!p0 $0x9  }
0x10b: {  	_ =	swait.ge @!p0 [sflag:s0], s1  }
0x10c: {  	s1 =	ssub.s32 @!p0 $0x0, s1;
	[sflag:s0] =	ssyncset.done @!p0 $0x0  }
0x10d: {  	[sflag:s0] =	ssyncadd.s32 @!p0 s1  }
0x10e: {  	[bflag:$0x3] =	sbarrier.arrive $0xFFFF  }
0x10f: {  	_ =	shalt  }

</sc_bundles>
